<compile_context>
chip_gen: v7x
topology: tpu7x:2x2x1
jax: 0.10.2.dev20260603
libtpu: 0.0.44.dev20260713+nightly
codegen_flags: <defaults>
</compile_context>

<pallas_src>
import functools

import jax
import jax.numpy as jnp
from jax import lax
from jax.experimental import pallas as pl
from jax.experimental.pallas import tpu as pltpu
from jax.experimental.pallas import tpu_sc as plsc

D = 64
NB = 4096
NS_ = 50
V = 100000

_info = plsc.get_sparse_core_info()
_NC = _info.num_cores
_NSUB = _info.num_subcores
NW = _NC * _NSUB
NPH = D // NW
NGRP = NB // 16

_mesh = plsc.VectorSubcoreMesh(core_axis_name="c", subcore_axis_name="s")


@functools.partial(
    pl.kernel,
    mesh=_mesh,
    out_type=jax.ShapeDtypeStruct((NS_, D, NB), jnp.float32),
    scratch_types=[
        pltpu.VMEM((V,), jnp.float32),
        pltpu.VMEM((2, NB), jnp.int32),
        pltpu.VMEM((2, NB), jnp.float32),
        pltpu.VMEM_SHARED((NS_ * NB,), jnp.int32),
        pltpu.SemaphoreType.DMA,
        pltpu.SemaphoreType.DMA((2,)),
        pltpu.SemaphoreType.DMA((2,)),
    ],
    compiler_params=pltpu.CompilerParams(needs_layout_passes=False),
)
def _lookup_kernel(cat_hbm, tab_hbm, out_hbm, row_v, idx_v, res_v, cat_s,
                   rsem, isem, osem):
    sid = lax.axis_index("s")
    wid = sid * _NC + lax.axis_index("c")
    pltpu.async_copy(tab_hbm.at[wid], row_v, rsem)

    for j in range(4):
        s = sid + 16 * j

        @pl.when(s < NS_)
        def _():
            pltpu.sync_copy(cat_hbm.at[s], idx_v.at[j % 2])
            pltpu.sync_copy(idx_v.at[j % 2], cat_s.at[pl.ds(s * NB, NB)])

    plsc.subcore_barrier()

    for p in range(NPH):
        d = wid + p * NW
        if p > 0:
            pltpu.async_copy(tab_hbm.at[d], row_v, rsem)
        for b in range(2):
            pltpu.async_copy(cat_s.at[pl.ds(b * NB, NB)], idx_v.at[b], isem.at[b])
        pltpu.make_async_copy(tab_hbm.at[d], row_v, rsem).wait()

        def body(k, carry):
            for b in range(2):
                s = 2 * k + b
                soff = pl.multiple_of(s * NB, NB)
                pltpu.make_async_copy(
                    cat_s.at[pl.ds(soff, NB)], idx_v.at[b], isem.at[b]).wait()

                @pl.when(k > 0)
                def _():
                    pltpu.make_async_copy(
                        res_v.at[b], out_hbm.at[s, d], osem.at[b]).wait()

                @plsc.parallel_loop(0, NGRP, unroll=32)
                def grp(g):
                    off = pl.multiple_of(g * 16, 16)
                    idx = idx_v[b, pl.ds(off, 16)]
                    res_v[b, pl.ds(off, 16)] = plsc.load_gather(row_v, [idx])
                pltpu.async_copy(res_v.at[b], out_hbm.at[s, d], osem.at[b])

                @pl.when(s + 2 < NS_)
                def _():
                    pltpu.async_copy(
                        cat_s.at[pl.ds(pl.multiple_of((s + 2) * NB, NB), NB)],
                        idx_v.at[b], isem.at[b])
            return carry

        lax.fori_loop(0, NS_ // 2, body, 0)
        for b in range(2):
            pltpu.make_async_copy(
                res_v.at[b], out_hbm.at[0, d], osem.at[b]).wait()


def kernel(category, weight):
    out = _lookup_kernel(category.T, weight.T)
    return out.transpose(2, 0, 1)

# --- scband reference (transcript-rebuilt; emitter-appended) ---
"""Pipeline reference for scband-category-embedding-61306363183622 (READ-ONLY COPY).

The authoritative reference and input builder live on the scoring server;
editing this copy changes nothing except your own understanding.
"""

import jax, jax.numpy as jnp
import numpy as np

NUM_CATEGORIES = 100000
EMBEDDING_DIM = 64

def setup_inputs(seed: int = 0) -> dict:
    key = jax.random.key(seed)
    k1, k2 = jax.random.split(key)
    category = jax.random.randint(k1, (4096, 50), 0, NUM_CATEGORIES, dtype=jnp.int64 if jax.config.jax_enable_x64 else jnp.int32)
    weight = jax.random.normal(k2, (NUM_CATEGORIES, EMBEDDING_DIM), dtype=jnp.float32)
    return {"category": category, "weight": weight}

def reference(category, weight):
    # nn.Embedding lookup: gather rows of the table by index
    embedded = jnp.take(weight, category, axis=0)
    return embedded

if __name__ == "__main__":
    import jax
    _d = setup_inputs()
    print(jax.jit(kernel)(*tuple(_d.values())))

</pallas_src>

<mosaic_0001>
#map = affine_map<(d0, d1) -> (0, 0)>
#map1 = affine_map<(d0, d1) -> (0, 0, 0)>
module attributes {stable_mosaic.version = 14 : i64} {
  func.func @_lookup_kernel(%arg0: i32, %arg1: i32, %arg2: memref<50x4096xi32, #tpu.memory_space<hbm>>, %arg3: memref<64x100000xf32, #tpu.memory_space<hbm>>, %arg4: memref<50x64x4096xf32, #tpu.memory_space<hbm>>, %arg5: memref<100000xf32, #tpu.memory_space<vmem>>, %arg6: memref<2x4096xi32, #tpu.memory_space<vmem>>, %arg7: memref<2x4096xf32, #tpu.memory_space<vmem>>, %arg8: memref<204800xi32, #tpu.memory_space<vmem_shared>>, %arg9: memref<!tpu.dma_semaphore, #tpu.memory_space<semaphore_mem>>, %arg10: memref<2x!tpu.dma_semaphore, #tpu.memory_space<semaphore_mem>>, %arg11: memref<2x!tpu.dma_semaphore, #tpu.memory_space<semaphore_mem>>) attributes {dimension_semantics = [#tpu.dimension_semantics<core_parallel>, #tpu.dimension_semantics<subcore_parallel>], iteration_bounds = array<i64: 2, 16>, scalar_prefetch = 0 : i64, scratch_operands = 7 : i64, tpu.core_type = #tpu.core_type<sc_vector_subcore>, window_params = [{transform_indices = #map}, {transform_indices = #map}, {transform_indices = #map1}]} {
    %mul3A = arith.constant 2 : i32
    %mul3A_0 = arith.muli %arg1, %mul3A : i32
    %add3A = arith.addi %mul3A_0, %arg0 : i32
    %dma_start3A = arith.constant 0 : i32
    %dma_start3A_1 = tpu.memref_slice %arg3[%add3A, %dma_start3A] : memref<64x100000xf32, #tpu.memory_space<hbm>> -> memref<1x100000xf32, #tpu.memory_space<hbm>>
    %dma_start3A_2 = tpu.memref_squeeze %dma_start3A_1 : memref<1x100000xf32, #tpu.memory_space<hbm>> -> memref<100000xf32, #tpu.memory_space<hbm>>
    %dma_start3A_3 = arith.constant 0 : i32
    %dma_start3A_4 = tpu.memref_slice %arg3[%add3A, %dma_start3A_3] : memref<64x100000xf32, #tpu.memory_space<hbm>> -> memref<1x100000xf32, #tpu.memory_space<hbm>>
    %dma_start3A_5 = tpu.memref_squeeze %dma_start3A_4 : memref<1x100000xf32, #tpu.memory_space<hbm>> -> memref<100000xf32, #tpu.memory_space<hbm>>
    tpu.enqueue_dma source(%dma_start3A_5 : memref<100000xf32, #tpu.memory_space<hbm>>) target(%arg5 : memref<100000xf32, #tpu.memory_space<vmem>>) target_semaphore(%arg9 : memref<!tpu.dma_semaphore, #tpu.memory_space<semaphore_mem>>)
    %add3A_6 = arith.constant 0 : i32
    %add3A_7 = arith.addi %arg1, %add3A_6 : i32
    %lt3A = arith.constant 50 : i32
    %lt3A_8 = arith.cmpi slt, %add3A_7, %lt3A : i32
    %convert_element_type3A = arith.extui %lt3A_8 : i1 to i32
    %cond3A = arith.constant 0 : i32
    %cond3A_9 = arith.cmpi ne, %convert_element_type3A, %cond3A : i32
    scf.if %cond3A_9 {
      %run_scoped3A = arith.constant 0 : i32
      "tpu.region"() ({
        %run_scoped3A_190 = tpu.sem_alloc : memref<!tpu.dma_semaphore, #tpu.memory_space<semaphore_mem>>
        %dma_start3A_191 = arith.constant 0 : i32
        %dma_start3A_192 = tpu.memref_slice %arg6[%run_scoped3A, %dma_start3A_191] : memref<2x4096xi32, #tpu.memory_space<vmem>> -> memref<1x4096xi32, #tpu.memory_space<vmem>>
        %dma_start3A_193 = tpu.memref_squeeze %dma_start3A_192 : memref<1x4096xi32, #tpu.memory_space<vmem>> -> memref<4096xi32, #tpu.memory_space<vmem>>
        %dma_start3A_194 = arith.constant 0 : i32
        %dma_start3A_195 = tpu.memref_slice %arg2[%add3A_7, %dma_start3A_194] : memref<50x4096xi32, #tpu.memory_space<hbm>> -> memref<1x4096xi32, #tpu.memory_space<hbm>>
        %dma_start3A_196 = tpu.memref_squeeze %dma_start3A_195 : memref<1x4096xi32, #tpu.memory_space<hbm>> -> memref<4096xi32, #tpu.memory_space<hbm>>
        %dma_start3A_197 = arith.constant 0 : i32
        %dma_start3A_198 = tpu.memref_slice %arg6[%run_scoped3A, %dma_start3A_197] : memref<2x4096xi32, #tpu.memory_space<vmem>> -> memref<1x4096xi32, #tpu.memory_space<vmem>>
        %dma_start3A_199 = tpu.memref_squeeze %dma_start3A_198 : memref<1x4096xi32, #tpu.memory_space<vmem>> -> memref<4096xi32, #tpu.memory_space<vmem>>
        %dma_start3A_200 = arith.constant 0 : i32
        %dma_start3A_201 = tpu.memref_slice %arg2[%add3A_7, %dma_start3A_200] : memref<50x4096xi32, #tpu.memory_space<hbm>> -> memref<1x4096xi32, #tpu.memory_space<hbm>>
        %dma_start3A_202 = tpu.memref_squeeze %dma_start3A_201 : memref<1x4096xi32, #tpu.memory_space<hbm>> -> memref<4096xi32, #tpu.memory_space<hbm>>
        tpu.enqueue_dma source(%dma_start3A_202 : memref<4096xi32, #tpu.memory_space<hbm>>) target(%dma_start3A_199 : memref<4096xi32, #tpu.memory_space<vmem>>) target_semaphore(%run_scoped3A_190 : memref<!tpu.dma_semaphore, #tpu.memory_space<semaphore_mem>>)
        %dma_wait3A_203 = arith.constant 0 : i32
        %dma_wait3A_204 = tpu.memref_slice %arg6[%run_scoped3A, %dma_wait3A_203] : memref<2x4096xi32, #tpu.memory_space<vmem>> -> memref<1x4096xi32, #tpu.memory_space<vmem>>
        %dma_wait3A_205 = tpu.memref_squeeze %dma_wait3A_204 : memref<1x4096xi32, #tpu.memory_space<vmem>> -> memref<4096xi32, #tpu.memory_space<vmem>>
        %dma_wait3A_206 = arith.constant 0 : i32
        %dma_wait3A_207 = tpu.memref_slice %arg2[%add3A_7, %dma_wait3A_206] : memref<50x4096xi32, #tpu.memory_space<hbm>> -> memref<1x4096xi32, #tpu.memory_space<hbm>>
        %dma_wait3A_208 = tpu.memref_squeeze %dma_wait3A_207 : memref<1x4096xi32, #tpu.memory_space<hbm>> -> memref<4096xi32, #tpu.memory_space<hbm>>
        %dma_wait3A_209 = arith.constant 0 : i32
        %dma_wait3A_210 = tpu.memref_slice %arg6[%run_scoped3A, %dma_wait3A_209] : memref<2x4096xi32, #tpu.memory_space<vmem>> -> memref<1x4096xi32, #tpu.memory_space<vmem>>
        %dma_wait3A_211 = tpu.memref_squeeze %dma_wait3A_210 : memref<1x4096xi32, #tpu.memory_space<vmem>> -> memref<4096xi32, #tpu.memory_space<vmem>>
        %dma_wait3A_212 = arith.constant 0 : i32
        %dma_wait3A_213 = tpu.memref_slice %arg2[%add3A_7, %dma_wait3A_212] : memref<50x4096xi32, #tpu.memory_space<hbm>> -> memref<1x4096xi32, #tpu.memory_space<hbm>>
        %dma_wait3A_214 = tpu.memref_squeeze %dma_wait3A_213 : memref<1x4096xi32, #tpu.memory_space<hbm>> -> memref<4096xi32, #tpu.memory_space<hbm>>
        tpu.wait_dma2 semaphore(%run_scoped3A_190 : memref<!tpu.dma_semaphore, #tpu.memory_space<semaphore_mem>>) src(%dma_wait3A_214 : memref<4096xi32, #tpu.memory_space<hbm>>) dst(%dma_wait3A_211 : memref<4096xi32, #tpu.memory_space<vmem>>)
        tpu.yield
      }) : () -> ()
      %mul3A_187 = arith.constant 4096 : i32
      %mul3A_188 = arith.muli %add3A_7, %mul3A_187 : i32
      %run_scoped3A_189 = arith.constant 0 : i32
      "tpu.region"() ({
        %run_scoped3A_190 = tpu.sem_alloc : memref<!tpu.dma_semaphore, #tpu.memory_space<semaphore_mem>>
        %dma_start3A_191 = arith.constant 0 : i32
        %dma_start3A_192 = tpu.memref_slice %arg6[%run_scoped3A_189, %dma_start3A_191] : memref<2x4096xi32, #tpu.memory_space<vmem>> -> memref<1x4096xi32, #tpu.memory_space<vmem>>
        %dma_start3A_193 = tpu.memref_squeeze %dma_start3A_192 : memref<1x4096xi32, #tpu.memory_space<vmem>> -> memref<4096xi32, #tpu.memory_space<vmem>>
        %dma_start3A_194 = tpu.memref_slice %arg8[%mul3A_188] : memref<204800xi32, #tpu.memory_space<vmem_shared>> -> memref<4096xi32, #tpu.memory_space<vmem_shared>>
        %dma_start3A_195 = tpu.memref_slice %arg8[%mul3A_188] : memref<204800xi32, #tpu.memory_space<vmem_shared>> -> memref<4096xi32, #tpu.memory_space<vmem_shared>>
        %dma_start3A_196 = arith.constant 0 : i32
        %dma_start3A_197 = tpu.memref_slice %arg6[%run_scoped3A_189, %dma_start3A_196] : memref<2x4096xi32, #tpu.memory_space<vmem>> -> memref<1x4096xi32, #tpu.memory_space<vmem>>
        %dma_start3A_198 = tpu.memref_squeeze %dma_start3A_197 : memref<1x4096xi32, #tpu.memory_space<vmem>> -> memref<4096xi32, #tpu.memory_space<vmem>>
        tpu.enqueue_dma source(%dma_start3A_198 : memref<4096xi32, #tpu.memory_space<vmem>>) target(%dma_start3A_195 : memref<4096xi32, #tpu.memory_space<vmem_shared>>) target_semaphore(%run_scoped3A_190 : memref<!tpu.dma_semaphore, #tpu.memory_space<semaphore_mem>>)
        %dma_wait3A_199 = arith.constant 0 : i32
        %dma_wait3A_200 = tpu.memref_slice %arg6[%run_scoped3A_189, %dma_wait3A_199] : memref<2x4096xi32, #tpu.memory_space<vmem>> -> memref<1x4096xi32, #tpu.memory_space<vmem>>
        %dma_wait3A_201 = tpu.memref_squeeze %dma_wait3A_200 : memref<1x4096xi32, #tpu.memory_space<vmem>> -> memref<4096xi32, #tpu.memory_space<vmem>>
        %dma_wait3A_202 = tpu.memref_slice %arg8[%mul3A_188] : memref<204800xi32, #tpu.memory_space<vmem_shared>> -> memref<4096xi32, #tpu.memory_space<vmem_shared>>
        %dma_wait3A_203 = tpu.memref_slice %arg8[%mul3A_188] : memref<204800xi32, #tpu.memory_space<vmem_shared>> -> memref<4096xi32, #tpu.memory_space<vmem_shared>>
        %dma_wait3A_204 = arith.constant 0 : i32
        %dma_wait3A_205 = tpu.memref_slice %arg6[%run_scoped3A_189, %dma_wait3A_204] : memref<2x4096xi32, #tpu.memory_space<vmem>> -> memref<1x4096xi32, #tpu.memory_space<vmem>>
        %dma_wait3A_206 = tpu.memref_squeeze %dma_wait3A_205 : memref<1x4096xi32, #tpu.memory_space<vmem>> -> memref<4096xi32, #tpu.memory_space<vmem>>
        tpu.wait_dma2 semaphore(%run_scoped3A_190 : memref<!tpu.dma_semaphore, #tpu.memory_space<semaphore_mem>>) src(%dma_wait3A_206 : memref<4096xi32, #tpu.memory_space<vmem>>) dst(%dma_wait3A_203 : memref<4096xi32, #tpu.memory_space<vmem_shared>>)
        tpu.yield
      }) : () -> ()
    } else {
    }
    %add3A_10 = arith.constant 16 : i32
    %add3A_11 = arith.addi %arg1, %add3A_10 : i32
    %lt3A_12 = arith.constant 50 : i32
    %lt3A_13 = arith.cmpi slt, %add3A_11, %lt3A_12 : i32
    %convert_element_type3A_14 = arith.extui %lt3A_13 : i1 to i32
    %cond3A_15 = arith.constant 0 : i32
    %cond3A_16 = arith.cmpi ne, %convert_element_type3A_14, %cond3A_15 : i32
    scf.if %cond3A_16 {
      %run_scoped3A = arith.constant 1 : i32
      "tpu.region"() ({
        %run_scoped3A_190 = tpu.sem_alloc : memref<!tpu.dma_semaphore, #tpu.memory_space<semaphore_mem>>
        %dma_start3A_191 = arith.constant 0 : i32
        %dma_start3A_192 = tpu.memref_slice %arg6[%run_scoped3A, %dma_start3A_191] : memref<2x4096xi32, #tpu.memory_space<vmem>> -> memref<1x4096xi32, #tpu.memory_space<vmem>>
        %dma_start3A_193 = tpu.memref_squeeze %dma_start3A_192 : memref<1x4096xi32, #tpu.memory_space<vmem>> -> memref<4096xi32, #tpu.memory_space<vmem>>
        %dma_start3A_194 = arith.constant 0 : i32
        %dma_start3A_195 = tpu.memref_slice %arg2[%add3A_11, %dma_start3A_194] : memref<50x4096xi32, #tpu.memory_space<hbm>> -> memref<1x4096xi32, #tpu.memory_space<hbm>>
        %dma_start3A_196 = tpu.memref_squeeze %dma_start3A_195 : memref<1x4096xi32, #tpu.memory_space<hbm>> -> memref<4096xi32, #tpu.memory_space<hbm>>
        %dma_start3A_197 = arith.constant 0 : i32
        %dma_start3A_198 = tpu.memref_slice %arg6[%run_scoped3A, %dma_start3A_197] : memref<2x4096xi32, #tpu.memory_space<vmem>> -> memref<1x4096xi32, #tpu.memory_space<vmem>>
        %dma_start3A_199 = tpu.memref_squeeze %dma_start3A_198 : memref<1x4096xi32, #tpu.memory_space<vmem>> -> memref<4096xi32, #tpu.memory_space<vmem>>
        %dma_start3A_200 = arith.constant 0 : i32
        %dma_start3A_201 = tpu.memref_slice %arg2[%add3A_11, %dma_start3A_200] : memref<50x4096xi32, #tpu.memory_space<hbm>> -> memref<1x4096xi32, #tpu.memory_space<hbm>>
        %dma_start3A_202 = tpu.memref_squeeze %dma_start3A_201 : memref<1x4096xi32, #tpu.memory_space<hbm>> -> memref<4096xi32, #tpu.memory_space<hbm>>
        tpu.enqueue_dma source(%dma_start3A_202 : memref<4096xi32, #tpu.memory_space<hbm>>) target(%dma_start3A_199 : memref<4096xi32, #tpu.memory_space<vmem>>) target_semaphore(%run_scoped3A_190 : memref<!tpu.dma_semaphore, #tpu.memory_space<semaphore_mem>>)
        %dma_wait3A_203 = arith.constant 0 : i32
        %dma_wait3A_204 = tpu.memref_slice %arg6[%run_scoped3A, %dma_wait3A_203] : memref<2x4096xi32, #tpu.memory_space<vmem>> -> memref<1x4096xi32, #tpu.memory_space<vmem>>
        %dma_wait3A_205 = tpu.memref_squeeze %dma_wait3A_204 : memref<1x4096xi32, #tpu.memory_space<vmem>> -> memref<4096xi32, #tpu.memory_space<vmem>>
        %dma_wait3A_206 = arith.constant 0 : i32
        %dma_wait3A_207 = tpu.memref_slice %arg2[%add3A_11, %dma_wait3A_206] : memref<50x4096xi32, #tpu.memory_space<hbm>> -> memref<1x4096xi32, #tpu.memory_space<hbm>>
        %dma_wait3A_208 = tpu.memref_squeeze %dma_wait3A_207 : memref<1x4096xi32, #tpu.memory_space<hbm>> -> memref<4096xi32, #tpu.memory_space<hbm>>
        %dma_wait3A_209 = arith.constant 0 : i32
        %dma_wait3A_210 = tpu.memref_slice %arg6[%run_scoped3A, %dma_wait3A_209] : memref<2x4096xi32, #tpu.memory_space<vmem>> -> memref<1x4096xi32, #tpu.memory_space<vmem>>
        %dma_wait3A_211 = tpu.memref_squeeze %dma_wait3A_210 : memref<1x4096xi32, #tpu.memory_space<vmem>> -> memref<4096xi32, #tpu.memory_space<vmem>>
        %dma_wait3A_212 = arith.constant 0 : i32
        %dma_wait3A_213 = tpu.memref_slice %arg2[%add3A_11, %dma_wait3A_212] : memref<50x4096xi32, #tpu.memory_space<hbm>> -> memref<1x4096xi32, #tpu.memory_space<hbm>>
        %dma_wait3A_214 = tpu.memref_squeeze %dma_wait3A_213 : memref<1x4096xi32, #tpu.memory_space<hbm>> -> memref<4096xi32, #tpu.memory_space<hbm>>
        tpu.wait_dma2 semaphore(%run_scoped3A_190 : memref<!tpu.dma_semaphore, #tpu.memory_space<semaphore_mem>>) src(%dma_wait3A_214 : memref<4096xi32, #tpu.memory_space<hbm>>) dst(%dma_wait3A_211 : memref<4096xi32, #tpu.memory_space<vmem>>)
        tpu.yield
      }) : () -> ()
      %mul3A_187 = arith.constant 4096 : i32
      %mul3A_188 = arith.muli %add3A_11, %mul3A_187 : i32
      %run_scoped3A_189 = arith.constant 1 : i32
      "tpu.region"() ({
        %run_scoped3A_190 = tpu.sem_alloc : memref<!tpu.dma_semaphore, #tpu.memory_space<semaphore_mem>>
        %dma_start3A_191 = arith.constant 0 : i32
        %dma_start3A_192 = tpu.memref_slice %arg6[%run_scoped3A_189, %dma_start3A_191] : memref<2x4096xi32, #tpu.memory_space<vmem>> -> memref<1x4096xi32, #tpu.memory_space<vmem>>
        %dma_start3A_193 = tpu.memref_squeeze %dma_start3A_192 : memref<1x4096xi32, #tpu.memory_space<vmem>> -> memref<4096xi32, #tpu.memory_space<vmem>>
        %dma_start3A_194 = tpu.memref_slice %arg8[%mul3A_188] : memref<204800xi32, #tpu.memory_space<vmem_shared>> -> memref<4096xi32, #tpu.memory_space<vmem_shared>>
        %dma_start3A_195 = tpu.memref_slice %arg8[%mul3A_188] : memref<204800xi32, #tpu.memory_space<vmem_shared>> -> memref<4096xi32, #tpu.memory_space<vmem_shared>>
        %dma_start3A_196 = arith.constant 0 : i32
        %dma_start3A_197 = tpu.memref_slice %arg6[%run_scoped3A_189, %dma_start3A_196] : memref<2x4096xi32, #tpu.memory_space<vmem>> -> memref<1x4096xi32, #tpu.memory_space<vmem>>
        %dma_start3A_198 = tpu.memref_squeeze %dma_start3A_197 : memref<1x4096xi32, #tpu.memory_space<vmem>> -> memref<4096xi32, #tpu.memory_space<vmem>>
        tpu.enqueue_dma source(%dma_start3A_198 : memref<4096xi32, #tpu.memory_space<vmem>>) target(%dma_start3A_195 : memref<4096xi32, #tpu.memory_space<vmem_shared>>) target_semaphore(%run_scoped3A_190 : memref<!tpu.dma_semaphore, #tpu.memory_space<semaphore_mem>>)
        %dma_wait3A_199 = arith.constant 0 : i32
        %dma_wait3A_200 = tpu.memref_slice %arg6[%run_scoped3A_189, %dma_wait3A_199] : memref<2x4096xi32, #tpu.memory_space<vmem>> -> memref<1x4096xi32, #tpu.memory_space<vmem>>
        %dma_wait3A_201 = tpu.memref_squeeze %dma_wait3A_200 : memref<1x4096xi32, #tpu.memory_space<vmem>> -> memref<4096xi32, #tpu.memory_space<vmem>>
        %dma_wait3A_202 = tpu.memref_slice %arg8[%mul3A_188] : memref<204800xi32, #tpu.memory_space<vmem_shared>> -> memref<4096xi32, #tpu.memory_space<vmem_shared>>
        %dma_wait3A_203 = tpu.memref_slice %arg8[%mul3A_188] : memref<204800xi32, #tpu.memory_space<vmem_shared>> -> memref<4096xi32, #tpu.memory_space<vmem_shared>>
        %dma_wait3A_204 = arith.constant 0 : i32
        %dma_wait3A_205 = tpu.memref_slice %arg6[%run_scoped3A_189, %dma_wait3A_204] : memref<2x4096xi32, #tpu.memory_space<vmem>> -> memref<1x4096xi32, #tpu.memory_space<vmem>>
        %dma_wait3A_206 = tpu.memref_squeeze %dma_wait3A_205 : memref<1x4096xi32, #tpu.memory_space<vmem>> -> memref<4096xi32, #tpu.memory_space<vmem>>
        tpu.wait_dma2 semaphore(%run_scoped3A_190 : memref<!tpu.dma_semaphore, #tpu.memory_space<semaphore_mem>>) src(%dma_wait3A_206 : memref<4096xi32, #tpu.memory_space<vmem>>) dst(%dma_wait3A_203 : memref<4096xi32, #tpu.memory_space<vmem_shared>>)
        tpu.yield
      }) : () -> ()
    } else {
    }
    %add3A_17 = arith.constant 32 : i32
    %add3A_18 = arith.addi %arg1, %add3A_17 : i32
    %lt3A_19 = arith.constant 50 : i32
    %lt3A_20 = arith.cmpi slt, %add3A_18, %lt3A_19 : i32
    %convert_element_type3A_21 = arith.extui %lt3A_20 : i1 to i32
    %cond3A_22 = arith.constant 0 : i32
    %cond3A_23 = arith.cmpi ne, %convert_element_type3A_21, %cond3A_22 : i32
    scf.if %cond3A_23 {
      %run_scoped3A = arith.constant 0 : i32
      "tpu.region"() ({
        %run_scoped3A_190 = tpu.sem_alloc : memref<!tpu.dma_semaphore, #tpu.memory_space<semaphore_mem>>
        %dma_start3A_191 = arith.constant 0 : i32
        %dma_start3A_192 = tpu.memref_slice %arg6[%run_scoped3A, %dma_start3A_191] : memref<2x4096xi32, #tpu.memory_space<vmem>> -> memref<1x4096xi32, #tpu.memory_space<vmem>>
        %dma_start3A_193 = tpu.memref_squeeze %dma_start3A_192 : memref<1x4096xi32, #tpu.memory_space<vmem>> -> memref<4096xi32, #tpu.memory_space<vmem>>
        %dma_start3A_194 = arith.constant 0 : i32
        %dma_start3A_195 = tpu.memref_slice %arg2[%add3A_18, %dma_start3A_194] : memref<50x4096xi32, #tpu.memory_space<hbm>> -> memref<1x4096xi32, #tpu.memory_space<hbm>>
        %dma_start3A_196 = tpu.memref_squeeze %dma_start3A_195 : memref<1x4096xi32, #tpu.memory_space<hbm>> -> memref<4096xi32, #tpu.memory_space<hbm>>
        %dma_start3A_197 = arith.constant 0 : i32
        %dma_start3A_198 = tpu.memref_slice %arg6[%run_scoped3A, %dma_start3A_197] : memref<2x4096xi32, #tpu.memory_space<vmem>> -> memref<1x4096xi32, #tpu.memory_space<vmem>>
        %dma_start3A_199 = tpu.memref_squeeze %dma_start3A_198 : memref<1x4096xi32, #tpu.memory_space<vmem>> -> memref<4096xi32, #tpu.memory_space<vmem>>
        %dma_start3A_200 = arith.constant 0 : i32
        %dma_start3A_201 = tpu.memref_slice %arg2[%add3A_18, %dma_start3A_200] : memref<50x4096xi32, #tpu.memory_space<hbm>> -> memref<1x4096xi32, #tpu.memory_space<hbm>>
        %dma_start3A_202 = tpu.memref_squeeze %dma_start3A_201 : memref<1x4096xi32, #tpu.memory_space<hbm>> -> memref<4096xi32, #tpu.memory_space<hbm>>
        tpu.enqueue_dma source(%dma_start3A_202 : memref<4096xi32, #tpu.memory_space<hbm>>) target(%dma_start3A_199 : memref<4096xi32, #tpu.memory_space<vmem>>) target_semaphore(%run_scoped3A_190 : memref<!tpu.dma_semaphore, #tpu.memory_space<semaphore_mem>>)
        %dma_wait3A_203 = arith.constant 0 : i32
        %dma_wait3A_204 = tpu.memref_slice %arg6[%run_scoped3A, %dma_wait3A_203] : memref<2x4096xi32, #tpu.memory_space<vmem>> -> memref<1x4096xi32, #tpu.memory_space<vmem>>
        %dma_wait3A_205 = tpu.memref_squeeze %dma_wait3A_204 : memref<1x4096xi32, #tpu.memory_space<vmem>> -> memref<4096xi32, #tpu.memory_space<vmem>>
        %dma_wait3A_206 = arith.constant 0 : i32
        %dma_wait3A_207 = tpu.memref_slice %arg2[%add3A_18, %dma_wait3A_206] : memref<50x4096xi32, #tpu.memory_space<hbm>> -> memref<1x4096xi32, #tpu.memory_space<hbm>>
        %dma_wait3A_208 = tpu.memref_squeeze %dma_wait3A_207 : memref<1x4096xi32, #tpu.memory_space<hbm>> -> memref<4096xi32, #tpu.memory_space<hbm>>
        %dma_wait3A_209 = arith.constant 0 : i32
        %dma_wait3A_210 = tpu.memref_slice %arg6[%run_scoped3A, %dma_wait3A_209] : memref<2x4096xi32, #tpu.memory_space<vmem>> -> memref<1x4096xi32, #tpu.memory_space<vmem>>
        %dma_wait3A_211 = tpu.memref_squeeze %dma_wait3A_210 : memref<1x4096xi32, #tpu.memory_space<vmem>> -> memref<4096xi32, #tpu.memory_space<vmem>>
        %dma_wait3A_212 = arith.constant 0 : i32
        %dma_wait3A_213 = tpu.memref_slice %arg2[%add3A_18, %dma_wait3A_212] : memref<50x4096xi32, #tpu.memory_space<hbm>> -> memref<1x4096xi32, #tpu.memory_space<hbm>>
        %dma_wait3A_214 = tpu.memref_squeeze %dma_wait3A_213 : memref<1x4096xi32, #tpu.memory_space<hbm>> -> memref<4096xi32, #tpu.memory_space<hbm>>
        tpu.wait_dma2 semaphore(%run_scoped3A_190 : memref<!tpu.dma_semaphore, #tpu.memory_space<semaphore_mem>>) src(%dma_wait3A_214 : memref<4096xi32, #tpu.memory_space<hbm>>) dst(%dma_wait3A_211 : memref<4096xi32, #tpu.memory_space<vmem>>)
        tpu.yield
      }) : () -> ()
      %mul3A_187 = arith.constant 4096 : i32
      %mul3A_188 = arith.muli %add3A_18, %mul3A_187 : i32
      %run_scoped3A_189 = arith.constant 0 : i32
      "tpu.region"() ({
        %run_scoped3A_190 = tpu.sem_alloc : memref<!tpu.dma_semaphore, #tpu.memory_space<semaphore_mem>>
        %dma_start3A_191 = arith.constant 0 : i32
        %dma_start3A_192 = tpu.memref_slice %arg6[%run_scoped3A_189, %dma_start3A_191] : memref<2x4096xi32, #tpu.memory_space<vmem>> -> memref<1x4096xi32, #tpu.memory_space<vmem>>
        %dma_start3A_193 = tpu.memref_squeeze %dma_start3A_192 : memref<1x4096xi32, #tpu.memory_space<vmem>> -> memref<4096xi32, #tpu.memory_space<vmem>>
        %dma_start3A_194 = tpu.memref_slice %arg8[%mul3A_188] : memref<204800xi32, #tpu.memory_space<vmem_shared>> -> memref<4096xi32, #tpu.memory_space<vmem_shared>>
        %dma_start3A_195 = tpu.memref_slice %arg8[%mul3A_188] : memref<204800xi32, #tpu.memory_space<vmem_shared>> -> memref<4096xi32, #tpu.memory_space<vmem_shared>>
        %dma_start3A_196 = arith.constant 0 : i32
        %dma_start3A_197 = tpu.memref_slice %arg6[%run_scoped3A_189, %dma_start3A_196] : memref<2x4096xi32, #tpu.memory_space<vmem>> -> memref<1x4096xi32, #tpu.memory_space<vmem>>
        %dma_start3A_198 = tpu.memref_squeeze %dma_start3A_197 : memref<1x4096xi32, #tpu.memory_space<vmem>> -> memref<4096xi32, #tpu.memory_space<vmem>>
        tpu.enqueue_dma source(%dma_start3A_198 : memref<4096xi32, #tpu.memory_space<vmem>>) target(%dma_start3A_195 : memref<4096xi32, #tpu.memory_space<vmem_shared>>) target_semaphore(%run_scoped3A_190 : memref<!tpu.dma_semaphore, #tpu.memory_space<semaphore_mem>>)
        %dma_wait3A_199 = arith.constant 0 : i32
        %dma_wait3A_200 = tpu.memref_slice %arg6[%run_scoped3A_189, %dma_wait3A_199] : memref<2x4096xi32, #tpu.memory_space<vmem>> -> memref<1x4096xi32, #tpu.memory_space<vmem>>
        %dma_wait3A_201 = tpu.memref_squeeze %dma_wait3A_200 : memref<1x4096xi32, #tpu.memory_space<vmem>> -> memref<4096xi32, #tpu.memory_space<vmem>>
        %dma_wait3A_202 = tpu.memref_slice %arg8[%mul3A_188] : memref<204800xi32, #tpu.memory_space<vmem_shared>> -> memref<4096xi32, #tpu.memory_space<vmem_shared>>
        %dma_wait3A_203 = tpu.memref_slice %arg8[%mul3A_188] : memref<204800xi32, #tpu.memory_space<vmem_shared>> -> memref<4096xi32, #tpu.memory_space<vmem_shared>>
        %dma_wait3A_204 = arith.constant 0 : i32
        %dma_wait3A_205 = tpu.memref_slice %arg6[%run_scoped3A_189, %dma_wait3A_204] : memref<2x4096xi32, #tpu.memory_space<vmem>> -> memref<1x4096xi32, #tpu.memory_space<vmem>>
        %dma_wait3A_206 = tpu.memref_squeeze %dma_wait3A_205 : memref<1x4096xi32, #tpu.memory_space<vmem>> -> memref<4096xi32, #tpu.memory_space<vmem>>
        tpu.wait_dma2 semaphore(%run_scoped3A_190 : memref<!tpu.dma_semaphore, #tpu.memory_space<semaphore_mem>>) src(%dma_wait3A_206 : memref<4096xi32, #tpu.memory_space<vmem>>) dst(%dma_wait3A_203 : memref<4096xi32, #tpu.memory_space<vmem_shared>>)
        tpu.yield
      }) : () -> ()
    } else {
    }
    %add3A_24 = arith.constant 48 : i32
    %add3A_25 = arith.addi %arg1, %add3A_24 : i32
    %lt3A_26 = arith.constant 50 : i32
    %lt3A_27 = arith.cmpi slt, %add3A_25, %lt3A_26 : i32
    %convert_element_type3A_28 = arith.extui %lt3A_27 : i1 to i32
    %cond3A_29 = arith.constant 0 : i32
    %cond3A_30 = arith.cmpi ne, %convert_element_type3A_28, %cond3A_29 : i32
    scf.if %cond3A_30 {
      %run_scoped3A = arith.constant 1 : i32
      "tpu.region"() ({
        %run_scoped3A_190 = tpu.sem_alloc : memref<!tpu.dma_semaphore, #tpu.memory_space<semaphore_mem>>
        %dma_start3A_191 = arith.constant 0 : i32
        %dma_start3A_192 = tpu.memref_slice %arg6[%run_scoped3A, %dma_start3A_191] : memref<2x4096xi32, #tpu.memory_space<vmem>> -> memref<1x4096xi32, #tpu.memory_space<vmem>>
        %dma_start3A_193 = tpu.memref_squeeze %dma_start3A_192 : memref<1x4096xi32, #tpu.memory_space<vmem>> -> memref<4096xi32, #tpu.memory_space<vmem>>
        %dma_start3A_194 = arith.constant 0 : i32
        %dma_start3A_195 = tpu.memref_slice %arg2[%add3A_25, %dma_start3A_194] : memref<50x4096xi32, #tpu.memory_space<hbm>> -> memref<1x4096xi32, #tpu.memory_space<hbm>>
        %dma_start3A_196 = tpu.memref_squeeze %dma_start3A_195 : memref<1x4096xi32, #tpu.memory_space<hbm>> -> memref<4096xi32, #tpu.memory_space<hbm>>
        %dma_start3A_197 = arith.constant 0 : i32
        %dma_start3A_198 = tpu.memref_slice %arg6[%run_scoped3A, %dma_start3A_197] : memref<2x4096xi32, #tpu.memory_space<vmem>> -> memref<1x4096xi32, #tpu.memory_space<vmem>>
        %dma_start3A_199 = tpu.memref_squeeze %dma_start3A_198 : memref<1x4096xi32, #tpu.memory_space<vmem>> -> memref<4096xi32, #tpu.memory_space<vmem>>
        %dma_start3A_200 = arith.constant 0 : i32
        %dma_start3A_201 = tpu.memref_slice %arg2[%add3A_25, %dma_start3A_200] : memref<50x4096xi32, #tpu.memory_space<hbm>> -> memref<1x4096xi32, #tpu.memory_space<hbm>>
        %dma_start3A_202 = tpu.memref_squeeze %dma_start3A_201 : memref<1x4096xi32, #tpu.memory_space<hbm>> -> memref<4096xi32, #tpu.memory_space<hbm>>
        tpu.enqueue_dma source(%dma_start3A_202 : memref<4096xi32, #tpu.memory_space<hbm>>) target(%dma_start3A_199 : memref<4096xi32, #tpu.memory_space<vmem>>) target_semaphore(%run_scoped3A_190 : memref<!tpu.dma_semaphore, #tpu.memory_space<semaphore_mem>>)
        %dma_wait3A_203 = arith.constant 0 : i32
        %dma_wait3A_204 = tpu.memref_slice %arg6[%run_scoped3A, %dma_wait3A_203] : memref<2x4096xi32, #tpu.memory_space<vmem>> -> memref<1x4096xi32, #tpu.memory_space<vmem>>
        %dma_wait3A_205 = tpu.memref_squeeze %dma_wait3A_204 : memref<1x4096xi32, #tpu.memory_space<vmem>> -> memref<4096xi32, #tpu.memory_space<vmem>>
        %dma_wait3A_206 = arith.constant 0 : i32
        %dma_wait3A_207 = tpu.memref_slice %arg2[%add3A_25, %dma_wait3A_206] : memref<50x4096xi32, #tpu.memory_space<hbm>> -> memref<1x4096xi32, #tpu.memory_space<hbm>>
        %dma_wait3A_208 = tpu.memref_squeeze %dma_wait3A_207 : memref<1x4096xi32, #tpu.memory_space<hbm>> -> memref<4096xi32, #tpu.memory_space<hbm>>
        %dma_wait3A_209 = arith.constant 0 : i32
        %dma_wait3A_210 = tpu.memref_slice %arg6[%run_scoped3A, %dma_wait3A_209] : memref<2x4096xi32, #tpu.memory_space<vmem>> -> memref<1x4096xi32, #tpu.memory_space<vmem>>
        %dma_wait3A_211 = tpu.memref_squeeze %dma_wait3A_210 : memref<1x4096xi32, #tpu.memory_space<vmem>> -> memref<4096xi32, #tpu.memory_space<vmem>>
        %dma_wait3A_212 = arith.constant 0 : i32
        %dma_wait3A_213 = tpu.memref_slice %arg2[%add3A_25, %dma_wait3A_212] : memref<50x4096xi32, #tpu.memory_space<hbm>> -> memref<1x4096xi32, #tpu.memory_space<hbm>>
        %dma_wait3A_214 = tpu.memref_squeeze %dma_wait3A_213 : memref<1x4096xi32, #tpu.memory_space<hbm>> -> memref<4096xi32, #tpu.memory_space<hbm>>
        tpu.wait_dma2 semaphore(%run_scoped3A_190 : memref<!tpu.dma_semaphore, #tpu.memory_space<semaphore_mem>>) src(%dma_wait3A_214 : memref<4096xi32, #tpu.memory_space<hbm>>) dst(%dma_wait3A_211 : memref<4096xi32, #tpu.memory_space<vmem>>)
        tpu.yield
      }) : () -> ()
      %mul3A_187 = arith.constant 4096 : i32
      %mul3A_188 = arith.muli %add3A_25, %mul3A_187 : i32
      %run_scoped3A_189 = arith.constant 1 : i32
      "tpu.region"() ({
        %run_scoped3A_190 = tpu.sem_alloc : memref<!tpu.dma_semaphore, #tpu.memory_space<semaphore_mem>>
        %dma_start3A_191 = arith.constant 0 : i32
        %dma_start3A_192 = tpu.memref_slice %arg6[%run_scoped3A_189, %dma_start3A_191] : memref<2x4096xi32, #tpu.memory_space<vmem>> -> memref<1x4096xi32, #tpu.memory_space<vmem>>
        %dma_start3A_193 = tpu.memref_squeeze %dma_start3A_192 : memref<1x4096xi32, #tpu.memory_space<vmem>> -> memref<4096xi32, #tpu.memory_space<vmem>>
        %dma_start3A_194 = tpu.memref_slice %arg8[%mul3A_188] : memref<204800xi32, #tpu.memory_space<vmem_shared>> -> memref<4096xi32, #tpu.memory_space<vmem_shared>>
        %dma_start3A_195 = tpu.memref_slice %arg8[%mul3A_188] : memref<204800xi32, #tpu.memory_space<vmem_shared>> -> memref<4096xi32, #tpu.memory_space<vmem_shared>>
        %dma_start3A_196 = arith.constant 0 : i32
        %dma_start3A_197 = tpu.memref_slice %arg6[%run_scoped3A_189, %dma_start3A_196] : memref<2x4096xi32, #tpu.memory_space<vmem>> -> memref<1x4096xi32, #tpu.memory_space<vmem>>
        %dma_start3A_198 = tpu.memref_squeeze %dma_start3A_197 : memref<1x4096xi32, #tpu.memory_space<vmem>> -> memref<4096xi32, #tpu.memory_space<vmem>>
        tpu.enqueue_dma source(%dma_start3A_198 : memref<4096xi32, #tpu.memory_space<vmem>>) target(%dma_start3A_195 : memref<4096xi32, #tpu.memory_space<vmem_shared>>) target_semaphore(%run_scoped3A_190 : memref<!tpu.dma_semaphore, #tpu.memory_space<semaphore_mem>>)
        %dma_wait3A_199 = arith.constant 0 : i32
        %dma_wait3A_200 = tpu.memref_slice %arg6[%run_scoped3A_189, %dma_wait3A_199] : memref<2x4096xi32, #tpu.memory_space<vmem>> -> memref<1x4096xi32, #tpu.memory_space<vmem>>
        %dma_wait3A_201 = tpu.memref_squeeze %dma_wait3A_200 : memref<1x4096xi32, #tpu.memory_space<vmem>> -> memref<4096xi32, #tpu.memory_space<vmem>>
        %dma_wait3A_202 = tpu.memref_slice %arg8[%mul3A_188] : memref<204800xi32, #tpu.memory_space<vmem_shared>> -> memref<4096xi32, #tpu.memory_space<vmem_shared>>
        %dma_wait3A_203 = tpu.memref_slice %arg8[%mul3A_188] : memref<204800xi32, #tpu.memory_space<vmem_shared>> -> memref<4096xi32, #tpu.memory_space<vmem_shared>>
        %dma_wait3A_204 = arith.constant 0 : i32
        %dma_wait3A_205 = tpu.memref_slice %arg6[%run_scoped3A_189, %dma_wait3A_204] : memref<2x4096xi32, #tpu.memory_space<vmem>> -> memref<1x4096xi32, #tpu.memory_space<vmem>>
        %dma_wait3A_206 = tpu.memref_squeeze %dma_wait3A_205 : memref<1x4096xi32, #tpu.memory_space<vmem>> -> memref<4096xi32, #tpu.memory_space<vmem>>
        tpu.wait_dma2 semaphore(%run_scoped3A_190 : memref<!tpu.dma_semaphore, #tpu.memory_space<semaphore_mem>>) src(%dma_wait3A_206 : memref<4096xi32, #tpu.memory_space<vmem>>) dst(%dma_wait3A_203 : memref<4096xi32, #tpu.memory_space<vmem_shared>>)
        tpu.yield
      }) : () -> ()
    } else {
    }
    %barrier3A = arith.constant 0 : index
    tpu.barrier barrier_id(%barrier3A)
    %add3A_31 = arith.constant 0 : i32
    %add3A_32 = arith.addi %add3A, %add3A_31 : i32
    %dma_start3A_33 = arith.constant 0 : i32
    %dma_start3A_34 = arith.constant 0 : i32
    %dma_start3A_35 = arith.constant 0 : i32
    %dma_start3A_36 = tpu.memref_slice %arg6[%dma_start3A_33, %dma_start3A_35] : memref<2x4096xi32, #tpu.memory_space<vmem>> -> memref<1x4096xi32, #tpu.memory_space<vmem>>
    %dma_start3A_37 = tpu.memref_squeeze %dma_start3A_36 : memref<1x4096xi32, #tpu.memory_space<vmem>> -> memref<4096xi32, #tpu.memory_space<vmem>>
    %dma_start3A_38 = arith.constant 0 : i32
    %dma_start3A_39 = tpu.memref_slice %arg8[%dma_start3A_38] : memref<204800xi32, #tpu.memory_space<vmem_shared>> -> memref<4096xi32, #tpu.memory_space<vmem_shared>>
    %dma_start3A_40 = tpu.memref_slice %arg10[%dma_start3A_34] : memref<2x!tpu.dma_semaphore, #tpu.memory_space<semaphore_mem>> -> memref<1x!tpu.dma_semaphore, #tpu.memory_space<semaphore_mem>>
    %dma_start3A_41 = tpu.memref_squeeze %dma_start3A_40 : memref<1x!tpu.dma_semaphore, #tpu.memory_space<semaphore_mem>> -> memref<!tpu.dma_semaphore, #tpu.memory_space<semaphore_mem>>
    %dma_start3A_42 = arith.constant 0 : i32
    %dma_start3A_43 = tpu.memref_slice %arg6[%dma_start3A_33, %dma_start3A_42] : memref<2x4096xi32, #tpu.memory_space<vmem>> -> memref<1x4096xi32, #tpu.memory_space<vmem>>
    %dma_start3A_44 = tpu.memref_squeeze %dma_start3A_43 : memref<1x4096xi32, #tpu.memory_space<vmem>> -> memref<4096xi32, #tpu.memory_space<vmem>>
    %dma_start3A_45 = arith.constant 0 : i32
    %dma_start3A_46 = tpu.memref_slice %arg8[%dma_start3A_45] : memref<204800xi32, #tpu.memory_space<vmem_shared>> -> memref<4096xi32, #tpu.memory_space<vmem_shared>>
    tpu.enqueue_dma source(%dma_start3A_46 : memref<4096xi32, #tpu.memory_space<vmem_shared>>) target(%dma_start3A_44 : memref<4096xi32, #tpu.memory_space<vmem>>) target_semaphore(%dma_start3A_41 : memref<!tpu.dma_semaphore, #tpu.memory_space<semaphore_mem>>)
    %dma_start3A_47 = arith.constant 1 : i32
    %dma_start3A_48 = arith.constant 1 : i32
    %dma_start3A_49 = arith.constant 0 : i32
    %dma_start3A_50 = tpu.memref_slice %arg6[%dma_start3A_47, %dma_start3A_49] : memref<2x4096xi32, #tpu.memory_space<vmem>> -> memref<1x4096xi32, #tpu.memory_space<vmem>>
    %dma_start3A_51 = tpu.memref_squeeze %dma_start3A_50 : memref<1x4096xi32, #tpu.memory_space<vmem>> -> memref<4096xi32, #tpu.memory_space<vmem>>
    %dma_start3A_52 = arith.constant 4096 : i32
    %dma_start3A_53 = tpu.memref_slice %arg8[%dma_start3A_52] : memref<204800xi32, #tpu.memory_space<vmem_shared>> -> memref<4096xi32, #tpu.memory_space<vmem_shared>>
    %dma_start3A_54 = tpu.memref_slice %arg10[%dma_start3A_48] : memref<2x!tpu.dma_semaphore, #tpu.memory_space<semaphore_mem>> -> memref<1x!tpu.dma_semaphore, #tpu.memory_space<semaphore_mem>>
    %dma_start3A_55 = tpu.memref_squeeze %dma_start3A_54 : memref<1x!tpu.dma_semaphore, #tpu.memory_space<semaphore_mem>> -> memref<!tpu.dma_semaphore, #tpu.memory_space<semaphore_mem>>
    %dma_start3A_56 = arith.constant 0 : i32
    %dma_start3A_57 = tpu.memref_slice %arg6[%dma_start3A_47, %dma_start3A_56] : memref<2x4096xi32, #tpu.memory_space<vmem>> -> memref<1x4096xi32, #tpu.memory_space<vmem>>
    %dma_start3A_58 = tpu.memref_squeeze %dma_start3A_57 : memref<1x4096xi32, #tpu.memory_space<vmem>> -> memref<4096xi32, #tpu.memory_space<vmem>>
    %dma_start3A_59 = arith.constant 4096 : i32
    %dma_start3A_60 = tpu.memref_slice %arg8[%dma_start3A_59] : memref<204800xi32, #tpu.memory_space<vmem_shared>> -> memref<4096xi32, #tpu.memory_space<vmem_shared>>
    tpu.enqueue_dma source(%dma_start3A_60 : memref<4096xi32, #tpu.memory_space<vmem_shared>>) target(%dma_start3A_58 : memref<4096xi32, #tpu.memory_space<vmem>>) target_semaphore(%dma_start3A_55 : memref<!tpu.dma_semaphore, #tpu.memory_space<semaphore_mem>>)
    %dma_wait3A = arith.constant 0 : i32
    %dma_wait3A_61 = tpu.memref_slice %arg3[%add3A_32, %dma_wait3A] : memref<64x100000xf32, #tpu.memory_space<hbm>> -> memref<1x100000xf32, #tpu.memory_space<hbm>>
    %dma_wait3A_62 = tpu.memref_squeeze %dma_wait3A_61 : memref<1x100000xf32, #tpu.memory_space<hbm>> -> memref<100000xf32, #tpu.memory_space<hbm>>
    %dma_wait3A_63 = arith.constant 0 : i32
    %dma_wait3A_64 = tpu.memref_slice %arg3[%add3A_32, %dma_wait3A_63] : memref<64x100000xf32, #tpu.memory_space<hbm>> -> memref<1x100000xf32, #tpu.memory_space<hbm>>
    %dma_wait3A_65 = tpu.memref_squeeze %dma_wait3A_64 : memref<1x100000xf32, #tpu.memory_space<hbm>> -> memref<100000xf32, #tpu.memory_space<hbm>>
    tpu.wait_dma2 semaphore(%arg9 : memref<!tpu.dma_semaphore, #tpu.memory_space<semaphore_mem>>) src(%dma_wait3A_65 : memref<100000xf32, #tpu.memory_space<hbm>>) dst(%arg5 : memref<100000xf32, #tpu.memory_space<vmem>>)
    %scan3A = arith.constant 0 : i32
    %scan3A_66 = arith.constant 0 : i32
    %scan3A_67 = arith.constant 25 : i32
    %scan3A_68 = arith.addi %scan3A_66, %scan3A_67 : i32
    %scan3A_69 = arith.constant 1 : i32
    scf.for %scan3A_187 = %scan3A_66 to %scan3A_68 step %scan3A_69  : i32 {
      %mul3A_188 = arith.constant 2 : i32
      %mul3A_189 = arith.muli %mul3A_188, %scan3A_187 : i32
      %add3A_190 = arith.constant 0 : i32
      %add3A_191 = arith.addi %mul3A_189, %add3A_190 : i32
      %mul3A_192 = arith.constant 4096 : i32
      %mul3A_193 = arith.muli %add3A_191, %mul3A_192 : i32
      %multiple_of3A = tpu.assume_multiple %mul3A_193, 4096 : i32
      %dma_wait3A_194 = arith.constant 0 : i32
      %dma_wait3A_195 = arith.constant 0 : i32
      %dma_wait3A_196 = arith.constant 0 : i32
      %dma_wait3A_197 = tpu.memref_slice %arg6[%dma_wait3A_194, %dma_wait3A_196] : memref<2x4096xi32, #tpu.memory_space<vmem>> -> memref<1x4096xi32, #tpu.memory_space<vmem>>
      %dma_wait3A_198 = tpu.memref_squeeze %dma_wait3A_197 : memref<1x4096xi32, #tpu.memory_space<vmem>> -> memref<4096xi32, #tpu.memory_space<vmem>>
      %dma_wait3A_199 = tpu.memref_slice %arg8[%multiple_of3A] : memref<204800xi32, #tpu.memory_space<vmem_shared>> -> memref<4096xi32, #tpu.memory_space<vmem_shared>>
      %dma_wait3A_200 = tpu.memref_slice %arg10[%dma_wait3A_195] : memref<2x!tpu.dma_semaphore, #tpu.memory_space<semaphore_mem>> -> memref<1x!tpu.dma_semaphore, #tpu.memory_space<semaphore_mem>>
      %dma_wait3A_201 = tpu.memref_squeeze %dma_wait3A_200 : memref<1x!tpu.dma_semaphore, #tpu.memory_space<semaphore_mem>> -> memref<!tpu.dma_semaphore, #tpu.memory_space<semaphore_mem>>
      %dma_wait3A_202 = arith.constant 0 : i32
      %dma_wait3A_203 = tpu.memref_slice %arg6[%dma_wait3A_194, %dma_wait3A_202] : memref<2x4096xi32, #tpu.memory_space<vmem>> -> memref<1x4096xi32, #tpu.memory_space<vmem>>
      %dma_wait3A_204 = tpu.memref_squeeze %dma_wait3A_203 : memref<1x4096xi32, #tpu.memory_space<vmem>> -> memref<4096xi32, #tpu.memory_space<vmem>>
      %dma_wait3A_205 = tpu.memref_slice %arg8[%multiple_of3A] : memref<204800xi32, #tpu.memory_space<vmem_shared>> -> memref<4096xi32, #tpu.memory_space<vmem_shared>>
      tpu.wait_dma2 semaphore(%dma_wait3A_201 : memref<!tpu.dma_semaphore, #tpu.memory_space<semaphore_mem>>) src(%dma_wait3A_205 : memref<4096xi32, #tpu.memory_space<vmem_shared>>) dst(%dma_wait3A_204 : memref<4096xi32, #tpu.memory_space<vmem>>)
      %gt3A = arith.constant 0 : i32
      %gt3A_206 = arith.cmpi sgt, %scan3A_187, %gt3A : i32
      %convert_element_type3A_207 = arith.extui %gt3A_206 : i1 to i32
      %cond3A_208 = arith.constant 0 : i32
      %cond3A_209 = arith.cmpi ne, %convert_element_type3A_207, %cond3A_208 : i32
      scf.if %cond3A_209 {
        %dma_wait3A_285 = arith.constant 0 : i32
        %dma_wait3A_286 = arith.constant 0 : i32
        %dma_wait3A_287 = arith.constant 0 : i32
        %dma_wait3A_288 = tpu.memref_slice %arg7[%dma_wait3A_285, %dma_wait3A_287] : memref<2x4096xf32, #tpu.memory_space<vmem>> -> memref<1x4096xf32, #tpu.memory_space<vmem>>
        %dma_wait3A_289 = tpu.memref_squeeze %dma_wait3A_288 : memref<1x4096xf32, #tpu.memory_space<vmem>> -> memref<4096xf32, #tpu.memory_space<vmem>>
        %dma_wait3A_290 = arith.constant 0 : i32
        %dma_wait3A_291 = tpu.memref_slice %arg4[%add3A_191, %add3A_32, %dma_wait3A_290] : memref<50x64x4096xf32, #tpu.memory_space<hbm>> -> memref<1x1x4096xf32, #tpu.memory_space<hbm>>
        %dma_wait3A_292 = tpu.memref_squeeze %dma_wait3A_291 : memref<1x1x4096xf32, #tpu.memory_space<hbm>> -> memref<4096xf32, #tpu.memory_space<hbm>>
        %dma_wait3A_293 = tpu.memref_slice %arg11[%dma_wait3A_286] : memref<2x!tpu.dma_semaphore, #tpu.memory_space<semaphore_mem>> -> memref<1x!tpu.dma_semaphore, #tpu.memory_space<semaphore_mem>>
        %dma_wait3A_294 = tpu.memref_squeeze %dma_wait3A_293 : memref<1x!tpu.dma_semaphore, #tpu.memory_space<semaphore_mem>> -> memref<!tpu.dma_semaphore, #tpu.memory_space<semaphore_mem>>
        %dma_wait3A_295 = arith.constant 0 : i32
        %dma_wait3A_296 = tpu.memref_slice %arg4[%add3A_191, %add3A_32, %dma_wait3A_295] : memref<50x64x4096xf32, #tpu.memory_space<hbm>> -> memref<1x1x4096xf32, #tpu.memory_space<hbm>>
        %dma_wait3A_297 = tpu.memref_squeeze %dma_wait3A_296 : memref<1x1x4096xf32, #tpu.memory_space<hbm>> -> memref<4096xf32, #tpu.memory_space<hbm>>
        %dma_wait3A_298 = arith.constant 0 : i32
        %dma_wait3A_299 = tpu.memref_slice %arg7[%dma_wait3A_285, %dma_wait3A_298] : memref<2x4096xf32, #tpu.memory_space<vmem>> -> memref<1x4096xf32, #tpu.memory_space<vmem>>
        %dma_wait3A_300 = tpu.memref_squeeze %dma_wait3A_299 : memref<1x4096xf32, #tpu.memory_space<vmem>> -> memref<4096xf32, #tpu.memory_space<vmem>>
        tpu.wait_dma2 semaphore(%dma_wait3A_294 : memref<!tpu.dma_semaphore, #tpu.memory_space<semaphore_mem>>) src(%dma_wait3A_300 : memref<4096xf32, #tpu.memory_space<vmem>>) dst(%dma_wait3A_297 : memref<4096xf32, #tpu.memory_space<hbm>>)
      } else {
      }
      %parallel_loop3A = arith.constant 0 : i32
      %parallel_loop3A_210 = arith.constant 256 : i32
      %parallel_loop3A_211 = arith.constant 1 : i32
      scf.for %parallel_loop3A_285 = %parallel_loop3A to %parallel_loop3A_210 step %parallel_loop3A_211  : i32 {
        %parallel_loop3A_286 = arith.constant 16 : i32
        %parallel_loop3A_287 = arith.muli %parallel_loop3A_285, %parallel_loop3A_286 : i32
        %parallel_loop3A_288 = tpu.assume_multiple %parallel_loop3A_287, 16 : i32
        %parallel_loop3A_289 = arith.constant 0 : i32
        %parallel_loop3A_290 = arith.index_cast %parallel_loop3A_289 : i32 to index
        %parallel_loop3A_291 = arith.index_cast %parallel_loop3A_288 : i32 to index
        %parallel_loop3A_292 = tpu.vector_load %arg6[%parallel_loop3A_290, %parallel_loop3A_291] {strides = array<i32>} : memref<2x4096xi32, #tpu.memory_space<vmem>>, vector<16xi32>,
        %parallel_loop3A_293 = tpu.vector_load_idx %arg5[%parallel_loop3A_292] : memref<100000xf32, #tpu.memory_space<vmem>>[vector<16xi32>], vector<16xf32>,
        %parallel_loop3A_294 = arith.constant 0 : i32
        %parallel_loop3A_295 = arith.index_cast %parallel_loop3A_294 : i32 to index
        %parallel_loop3A_296 = arith.index_cast %parallel_loop3A_288 : i32 to index
        %parallel_loop3A_297 = tpu.vector_load %arg7[%parallel_loop3A_295, %parallel_loop3A_296] {strides = array<i32>} : memref<2x4096xf32, #tpu.memory_space<vmem>>, vector<16xf32>,
        tpu.vector_store %arg7[%parallel_loop3A_295, %parallel_loop3A_296], %parallel_loop3A_293 {strides = array<i32>} : memref<2x4096xf32, #tpu.memory_space<vmem>>, vector<16xf32>,
      } {sc.loop_unroll_factor = 32 : i64, sc.parallel_access}
      %dma_start3A_212 = arith.constant 0 : i32
      %dma_start3A_213 = arith.constant 0 : i32
      %dma_start3A_214 = arith.constant 0 : i32
      %dma_start3A_215 = tpu.memref_slice %arg7[%dma_start3A_212, %dma_start3A_214] : memref<2x4096xf32, #tpu.memory_space<vmem>> -> memref<1x4096xf32, #tpu.memory_space<vmem>>
      %dma_start3A_216 = tpu.memref_squeeze %dma_start3A_215 : memref<1x4096xf32, #tpu.memory_space<vmem>> -> memref<4096xf32, #tpu.memory_space<vmem>>
      %dma_start3A_217 = arith.constant 0 : i32
      %dma_start3A_218 = tpu.memref_slice %arg4[%add3A_191, %add3A_32, %dma_start3A_217] : memref<50x64x4096xf32, #tpu.memory_space<hbm>> -> memref<1x1x4096xf32, #tpu.memory_space<hbm>>
      %dma_start3A_219 = tpu.memref_squeeze %dma_start3A_218 : memref<1x1x4096xf32, #tpu.memory_space<hbm>> -> memref<4096xf32, #tpu.memory_space<hbm>>
      %dma_start3A_220 = tpu.memref_slice %arg11[%dma_start3A_213] : memref<2x!tpu.dma_semaphore, #tpu.memory_space<semaphore_mem>> -> memref<1x!tpu.dma_semaphore, #tpu.memory_space<semaphore_mem>>
      %dma_start3A_221 = tpu.memref_squeeze %dma_start3A_220 : memref<1x!tpu.dma_semaphore, #tpu.memory_space<semaphore_mem>> -> memref<!tpu.dma_semaphore, #tpu.memory_space<semaphore_mem>>
      %dma_start3A_222 = arith.constant 0 : i32
      %dma_start3A_223 = tpu.memref_slice %arg4[%add3A_191, %add3A_32, %dma_start3A_222] : memref<50x64x4096xf32, #tpu.memory_space<hbm>> -> memref<1x1x4096xf32, #tpu.memory_space<hbm>>
      %dma_start3A_224 = tpu.memref_squeeze %dma_start3A_223 : memref<1x1x4096xf32, #tpu.memory_space<hbm>> -> memref<4096xf32, #tpu.memory_space<hbm>>
      %dma_start3A_225 = arith.constant 0 : i32
      %dma_start3A_226 = tpu.memref_slice %arg7[%dma_start3A_212, %dma_start3A_225] : memref<2x4096xf32, #tpu.memory_space<vmem>> -> memref<1x4096xf32, #tpu.memory_space<vmem>>
      %dma_start3A_227 = tpu.memref_squeeze %dma_start3A_226 : memref<1x4096xf32, #tpu.memory_space<vmem>> -> memref<4096xf32, #tpu.memory_space<vmem>>
      tpu.enqueue_dma source(%dma_start3A_227 : memref<4096xf32, #tpu.memory_space<vmem>>) target(%dma_start3A_224 : memref<4096xf32, #tpu.memory_space<hbm>>) target_semaphore(%dma_start3A_221 : memref<!tpu.dma_semaphore, #tpu.memory_space<semaphore_mem>>)
      %add3A_228 = arith.constant 2 : i32
      %add3A_229 = arith.addi %add3A_191, %add3A_228 : i32
      %lt3A_230 = arith.constant 50 : i32
      %lt3A_231 = arith.cmpi slt, %add3A_229, %lt3A_230 : i32
      %convert_element_type3A_232 = arith.extui %lt3A_231 : i1 to i32
      %cond3A_233 = arith.constant 0 : i32
      %cond3A_234 = arith.cmpi ne, %convert_element_type3A_232, %cond3A_233 : i32
      scf.if %cond3A_234 {
        %add3A_285 = arith.constant 2 : i32
        %add3A_286 = arith.addi %add3A_191, %add3A_285 : i32
        %mul3A_287 = arith.constant 4096 : i32
        %mul3A_288 = arith.muli %add3A_286, %mul3A_287 : i32
        %multiple_of3A_289 = tpu.assume_multiple %mul3A_288, 4096 : i32
        %dma_start3A_290 = arith.constant 0 : i32
        %dma_start3A_291 = arith.constant 0 : i32
        %dma_start3A_292 = arith.constant 0 : i32
        %dma_start3A_293 = tpu.memref_slice %arg6[%dma_start3A_290, %dma_start3A_292] : memref<2x4096xi32, #tpu.memory_space<vmem>> -> memref<1x4096xi32, #tpu.memory_space<vmem>>
        %dma_start3A_294 = tpu.memref_squeeze %dma_start3A_293 : memref<1x4096xi32, #tpu.memory_space<vmem>> -> memref<4096xi32, #tpu.memory_space<vmem>>
        %dma_start3A_295 = tpu.memref_slice %arg8[%multiple_of3A_289] : memref<204800xi32, #tpu.memory_space<vmem_shared>> -> memref<4096xi32, #tpu.memory_space<vmem_shared>>
        %dma_start3A_296 = tpu.memref_slice %arg10[%dma_start3A_291] : memref<2x!tpu.dma_semaphore, #tpu.memory_space<semaphore_mem>> -> memref<1x!tpu.dma_semaphore, #tpu.memory_space<semaphore_mem>>
        %dma_start3A_297 = tpu.memref_squeeze %dma_start3A_296 : memref<1x!tpu.dma_semaphore, #tpu.memory_space<semaphore_mem>> -> memref<!tpu.dma_semaphore, #tpu.memory_space<semaphore_mem>>
        %dma_start3A_298 = arith.constant 0 : i32
        %dma_start3A_299 = tpu.memref_slice %arg6[%dma_start3A_290, %dma_start3A_298] : memref<2x4096xi32, #tpu.memory_space<vmem>> -> memref<1x4096xi32, #tpu.memory_space<vmem>>
        %dma_start3A_300 = tpu.memref_squeeze %dma_start3A_299 : memref<1x4096xi32, #tpu.memory_space<vmem>> -> memref<4096xi32, #tpu.memory_space<vmem>>
        %dma_start3A_301 = tpu.memref_slice %arg8[%multiple_of3A_289] : memref<204800xi32, #tpu.memory_space<vmem_shared>> -> memref<4096xi32, #tpu.memory_space<vmem_shared>>
        tpu.enqueue_dma source(%dma_start3A_301 : memref<4096xi32, #tpu.memory_space<vmem_shared>>) target(%dma_start3A_300 : memref<4096xi32, #tpu.memory_space<vmem>>) target_semaphore(%dma_start3A_297 : memref<!tpu.dma_semaphore, #tpu.memory_space<semaphore_mem>>)
      } else {
      }
      %mul3A_235 = arith.constant 2 : i32
      %mul3A_236 = arith.muli %mul3A_235, %scan3A_187 : i32
      %add3A_237 = arith.constant 1 : i32
      %add3A_238 = arith.addi %mul3A_236, %add3A_237 : i32
      %mul3A_239 = arith.constant 4096 : i32
      %mul3A_240 = arith.muli %add3A_238, %mul3A_239 : i32
      %multiple_of3A_241 = tpu.assume_multiple %mul3A_240, 4096 : i32
      %dma_wait3A_242 = arith.constant 1 : i32
      %dma_wait3A_243 = arith.constant 1 : i32
      %dma_wait3A_244 = arith.constant 0 : i32
      %dma_wait3A_245 = tpu.memref_slice %arg6[%dma_wait3A_242, %dma_wait3A_244] : memref<2x4096xi32, #tpu.memory_space<vmem>> -> memref<1x4096xi32, #tpu.memory_space<vmem>>
      %dma_wait3A_246 = tpu.memref_squeeze %dma_wait3A_245 : memref<1x4096xi32, #tpu.memory_space<vmem>> -> memref<4096xi32, #tpu.memory_space<vmem>>
      %dma_wait3A_247 = tpu.memref_slice %arg8[%multiple_of3A_241] : memref<204800xi32, #tpu.memory_space<vmem_shared>> -> memref<4096xi32, #tpu.memory_space<vmem_shared>>
      %dma_wait3A_248 = tpu.memref_slice %arg10[%dma_wait3A_243] : memref<2x!tpu.dma_semaphore, #tpu.memory_space<semaphore_mem>> -> memref<1x!tpu.dma_semaphore, #tpu.memory_space<semaphore_mem>>
      %dma_wait3A_249 = tpu.memref_squeeze %dma_wait3A_248 : memref<1x!tpu.dma_semaphore, #tpu.memory_space<semaphore_mem>> -> memref<!tpu.dma_semaphore, #tpu.memory_space<semaphore_mem>>
      %dma_wait3A_250 = arith.constant 0 : i32
      %dma_wait3A_251 = tpu.memref_slice %arg6[%dma_wait3A_242, %dma_wait3A_250] : memref<2x4096xi32, #tpu.memory_space<vmem>> -> memref<1x4096xi32, #tpu.memory_space<vmem>>
      %dma_wait3A_252 = tpu.memref_squeeze %dma_wait3A_251 : memref<1x4096xi32, #tpu.memory_space<vmem>> -> memref<4096xi32, #tpu.memory_space<vmem>>
      %dma_wait3A_253 = tpu.memref_slice %arg8[%multiple_of3A_241] : memref<204800xi32, #tpu.memory_space<vmem_shared>> -> memref<4096xi32, #tpu.memory_space<vmem_shared>>
      tpu.wait_dma2 semaphore(%dma_wait3A_249 : memref<!tpu.dma_semaphore, #tpu.memory_space<semaphore_mem>>) src(%dma_wait3A_253 : memref<4096xi32, #tpu.memory_space<vmem_shared>>) dst(%dma_wait3A_252 : memref<4096xi32, #tpu.memory_space<vmem>>)
      %gt3A_254 = arith.constant 0 : i32
      %gt3A_255 = arith.cmpi sgt, %scan3A_187, %gt3A_254 : i32
      %convert_element_type3A_256 = arith.extui %gt3A_255 : i1 to i32
      %cond3A_257 = arith.constant 0 : i32
      %cond3A_258 = arith.cmpi ne, %convert_element_type3A_256, %cond3A_257 : i32
      scf.if %cond3A_258 {
        %dma_wait3A_285 = arith.constant 1 : i32
        %dma_wait3A_286 = arith.constant 1 : i32
        %dma_wait3A_287 = arith.constant 0 : i32
        %dma_wait3A_288 = tpu.memref_slice %arg7[%dma_wait3A_285, %dma_wait3A_287] : memref<2x4096xf32, #tpu.memory_space<vmem>> -> memref<1x4096xf32, #tpu.memory_space<vmem>>
        %dma_wait3A_289 = tpu.memref_squeeze %dma_wait3A_288 : memref<1x4096xf32, #tpu.memory_space<vmem>> -> memref<4096xf32, #tpu.memory_space<vmem>>
        %dma_wait3A_290 = arith.constant 0 : i32
        %dma_wait3A_291 = tpu.memref_slice %arg4[%add3A_238, %add3A_32, %dma_wait3A_290] : memref<50x64x4096xf32, #tpu.memory_space<hbm>> -> memref<1x1x4096xf32, #tpu.memory_space<hbm>>
        %dma_wait3A_292 = tpu.memref_squeeze %dma_wait3A_291 : memref<1x1x4096xf32, #tpu.memory_space<hbm>> -> memref<4096xf32, #tpu.memory_space<hbm>>
        %dma_wait3A_293 = tpu.memref_slice %arg11[%dma_wait3A_286] : memref<2x!tpu.dma_semaphore, #tpu.memory_space<semaphore_mem>> -> memref<1x!tpu.dma_semaphore, #tpu.memory_space<semaphore_mem>>
        %dma_wait3A_294 = tpu.memref_squeeze %dma_wait3A_293 : memref<1x!tpu.dma_semaphore, #tpu.memory_space<semaphore_mem>> -> memref<!tpu.dma_semaphore, #tpu.memory_space<semaphore_mem>>
        %dma_wait3A_295 = arith.constant 0 : i32
        %dma_wait3A_296 = tpu.memref_slice %arg4[%add3A_238, %add3A_32, %dma_wait3A_295] : memref<50x64x4096xf32, #tpu.memory_space<hbm>> -> memref<1x1x4096xf32, #tpu.memory_space<hbm>>
        %dma_wait3A_297 = tpu.memref_squeeze %dma_wait3A_296 : memref<1x1x4096xf32, #tpu.memory_space<hbm>> -> memref<4096xf32, #tpu.memory_space<hbm>>
        %dma_wait3A_298 = arith.constant 0 : i32
        %dma_wait3A_299 = tpu.memref_slice %arg7[%dma_wait3A_285, %dma_wait3A_298] : memref<2x4096xf32, #tpu.memory_space<vmem>> -> memref<1x4096xf32, #tpu.memory_space<vmem>>
        %dma_wait3A_300 = tpu.memref_squeeze %dma_wait3A_299 : memref<1x4096xf32, #tpu.memory_space<vmem>> -> memref<4096xf32, #tpu.memory_space<vmem>>
        tpu.wait_dma2 semaphore(%dma_wait3A_294 : memref<!tpu.dma_semaphore, #tpu.memory_space<semaphore_mem>>) src(%dma_wait3A_300 : memref<4096xf32, #tpu.memory_space<vmem>>) dst(%dma_wait3A_297 : memref<4096xf32, #tpu.memory_space<hbm>>)
      } else {
      }
      %parallel_loop3A_259 = arith.constant 0 : i32
      %parallel_loop3A_260 = arith.constant 256 : i32
      %parallel_loop3A_261 = arith.constant 1 : i32
      scf.for %parallel_loop3A_285 = %parallel_loop3A_259 to %parallel_loop3A_260 step %parallel_loop3A_261  : i32 {
        %parallel_loop3A_286 = arith.constant 16 : i32
        %parallel_loop3A_287 = arith.muli %parallel_loop3A_285, %parallel_loop3A_286 : i32
        %parallel_loop3A_288 = tpu.assume_multiple %parallel_loop3A_287, 16 : i32
        %parallel_loop3A_289 = arith.constant 1 : i32
        %parallel_loop3A_290 = arith.index_cast %parallel_loop3A_289 : i32 to index
        %parallel_loop3A_291 = arith.index_cast %parallel_loop3A_288 : i32 to index
        %parallel_loop3A_292 = tpu.vector_load %arg6[%parallel_loop3A_290, %parallel_loop3A_291] {strides = array<i32>} : memref<2x4096xi32, #tpu.memory_space<vmem>>, vector<16xi32>,
        %parallel_loop3A_293 = tpu.vector_load_idx %arg5[%parallel_loop3A_292] : memref<100000xf32, #tpu.memory_space<vmem>>[vector<16xi32>], vector<16xf32>,
        %parallel_loop3A_294 = arith.constant 1 : i32
        %parallel_loop3A_295 = arith.index_cast %parallel_loop3A_294 : i32 to index
        %parallel_loop3A_296 = arith.index_cast %parallel_loop3A_288 : i32 to index
        %parallel_loop3A_297 = tpu.vector_load %arg7[%parallel_loop3A_295, %parallel_loop3A_296] {strides = array<i32>} : memref<2x4096xf32, #tpu.memory_space<vmem>>, vector<16xf32>,
        tpu.vector_store %arg7[%parallel_loop3A_295, %parallel_loop3A_296], %parallel_loop3A_293 {strides = array<i32>} : memref<2x4096xf32, #tpu.memory_space<vmem>>, vector<16xf32>,
      } {sc.loop_unroll_factor = 32 : i64, sc.parallel_access}
      %dma_start3A_262 = arith.constant 1 : i32
      %dma_start3A_263 = arith.constant 1 : i32
      %dma_start3A_264 = arith.constant 0 : i32
      %dma_start3A_265 = tpu.memref_slice %arg7[%dma_start3A_262, %dma_start3A_264] : memref<2x4096xf32, #tpu.memory_space<vmem>> -> memref<1x4096xf32, #tpu.memory_space<vmem>>
      %dma_start3A_266 = tpu.memref_squeeze %dma_start3A_265 : memref<1x4096xf32, #tpu.memory_space<vmem>> -> memref<4096xf32, #tpu.memory_space<vmem>>
      %dma_start3A_267 = arith.constant 0 : i32
      %dma_start3A_268 = tpu.memref_slice %arg4[%add3A_238, %add3A_32, %dma_start3A_267] : memref<50x64x4096xf32, #tpu.memory_space<hbm>> -> memref<1x1x4096xf32, #tpu.memory_space<hbm>>
      %dma_start3A_269 = tpu.memref_squeeze %dma_start3A_268 : memref<1x1x4096xf32, #tpu.memory_space<hbm>> -> memref<4096xf32, #tpu.memory_space<hbm>>
      %dma_start3A_270 = tpu.memref_slice %arg11[%dma_start3A_263] : memref<2x!tpu.dma_semaphore, #tpu.memory_space<semaphore_mem>> -> memref<1x!tpu.dma_semaphore, #tpu.memory_space<semaphore_mem>>
      %dma_start3A_271 = tpu.memref_squeeze %dma_start3A_270 : memref<1x!tpu.dma_semaphore, #tpu.memory_space<semaphore_mem>> -> memref<!tpu.dma_semaphore, #tpu.memory_space<semaphore_mem>>
      %dma_start3A_272 = arith.constant 0 : i32
      %dma_start3A_273 = tpu.memref_slice %arg4[%add3A_238, %add3A_32, %dma_start3A_272] : memref<50x64x4096xf32, #tpu.memory_space<hbm>> -> memref<1x1x4096xf32, #tpu.memory_space<hbm>>
      %dma_start3A_274 = tpu.memref_squeeze %dma_start3A_273 : memref<1x1x4096xf32, #tpu.memory_space<hbm>> -> memref<4096xf32, #tpu.memory_space<hbm>>
      %dma_start3A_275 = arith.constant 0 : i32
      %dma_start3A_276 = tpu.memref_slice %arg7[%dma_start3A_262, %dma_start3A_275] : memref<2x4096xf32, #tpu.memory_space<vmem>> -> memref<1x4096xf32, #tpu.memory_space<vmem>>
      %dma_start3A_277 = tpu.memref_squeeze %dma_start3A_276 : memref<1x4096xf32, #tpu.memory_space<vmem>> -> memref<4096xf32, #tpu.memory_space<vmem>>
      tpu.enqueue_dma source(%dma_start3A_277 : memref<4096xf32, #tpu.memory_space<vmem>>) target(%dma_start3A_274 : memref<4096xf32, #tpu.memory_space<hbm>>) target_semaphore(%dma_start3A_271 : memref<!tpu.dma_semaphore, #tpu.memory_space<semaphore_mem>>)
      %add3A_278 = arith.constant 2 : i32
      %add3A_279 = arith.addi %add3A_238, %add3A_278 : i32
      %lt3A_280 = arith.constant 50 : i32
      %lt3A_281 = arith.cmpi slt, %add3A_279, %lt3A_280 : i32
      %convert_element_type3A_282 = arith.extui %lt3A_281 : i1 to i32
      %cond3A_283 = arith.constant 0 : i32
      %cond3A_284 = arith.cmpi ne, %convert_element_type3A_282, %cond3A_283 : i32
      scf.if %cond3A_284 {
        %add3A_285 = arith.constant 2 : i32
        %add3A_286 = arith.addi %add3A_238, %add3A_285 : i32
        %mul3A_287 = arith.constant 4096 : i32
        %mul3A_288 = arith.muli %add3A_286, %mul3A_287 : i32
        %multiple_of3A_289 = tpu.assume_multiple %mul3A_288, 4096 : i32
        %dma_start3A_290 = arith.constant 1 : i32
        %dma_start3A_291 = arith.constant 1 : i32
        %dma_start3A_292 = arith.constant 0 : i32
        %dma_start3A_293 = tpu.memref_slice %arg6[%dma_start3A_290, %dma_start3A_292] : memref<2x4096xi32, #tpu.memory_space<vmem>> -> memref<1x4096xi32, #tpu.memory_space<vmem>>
        %dma_start3A_294 = tpu.memref_squeeze %dma_start3A_293 : memref<1x4096xi32, #tpu.memory_space<vmem>> -> memref<4096xi32, #tpu.memory_space<vmem>>
        %dma_start3A_295 = tpu.memref_slice %arg8[%multiple_of3A_289] : memref<204800xi32, #tpu.memory_space<vmem_shared>> -> memref<4096xi32, #tpu.memory_space<vmem_shared>>
        %dma_start3A_296 = tpu.memref_slice %arg10[%dma_start3A_291] : memref<2x!tpu.dma_semaphore, #tpu.memory_space<semaphore_mem>> -> memref<1x!tpu.dma_semaphore, #tpu.memory_space<semaphore_mem>>
        %dma_start3A_297 = tpu.memref_squeeze %dma_start3A_296 : memref<1x!tpu.dma_semaphore, #tpu.memory_space<semaphore_mem>> -> memref<!tpu.dma_semaphore, #tpu.memory_space<semaphore_mem>>
        %dma_start3A_298 = arith.constant 0 : i32
        %dma_start3A_299 = tpu.memref_slice %arg6[%dma_start3A_290, %dma_start3A_298] : memref<2x4096xi32, #tpu.memory_space<vmem>> -> memref<1x4096xi32, #tpu.memory_space<vmem>>
        %dma_start3A_300 = tpu.memref_squeeze %dma_start3A_299 : memref<1x4096xi32, #tpu.memory_space<vmem>> -> memref<4096xi32, #tpu.memory_space<vmem>>
        %dma_start3A_301 = tpu.memref_slice %arg8[%multiple_of3A_289] : memref<204800xi32, #tpu.memory_space<vmem_shared>> -> memref<4096xi32, #tpu.memory_space<vmem_shared>>
        tpu.enqueue_dma source(%dma_start3A_301 : memref<4096xi32, #tpu.memory_space<vmem_shared>>) target(%dma_start3A_300 : memref<4096xi32, #tpu.memory_space<vmem>>) target_semaphore(%dma_start3A_297 : memref<!tpu.dma_semaphore, #tpu.memory_space<semaphore_mem>>)
      } else {
      }
    }
    %scan3A_70 = arith.constant 25 : i32
    %dma_wait3A_71 = arith.constant 0 : i32
    %dma_wait3A_72 = arith.constant 0 : i32
    %dma_wait3A_73 = arith.constant 0 : i32
    %dma_wait3A_74 = arith.constant 0 : i32
    %dma_wait3A_75 = tpu.memref_slice %arg7[%dma_wait3A_71, %dma_wait3A_74] : memref<2x4096xf32, #tpu.memory_space<vmem>> -> memref<1x4096xf32, #tpu.memory_space<vmem>>
    %dma_wait3A_76 = tpu.memref_squeeze %dma_wait3A_75 : memref<1x4096xf32, #tpu.memory_space<vmem>> -> memref<4096xf32, #tpu.memory_space<vmem>>
    %dma_wait3A_77 = arith.constant 0 : i32
    %dma_wait3A_78 = tpu.memref_slice %arg4[%dma_wait3A_72, %add3A_32, %dma_wait3A_77] : memref<50x64x4096xf32, #tpu.memory_space<hbm>> -> memref<1x1x4096xf32, #tpu.memory_space<hbm>>
    %dma_wait3A_79 = tpu.memref_squeeze %dma_wait3A_78 : memref<1x1x4096xf32, #tpu.memory_space<hbm>> -> memref<4096xf32, #tpu.memory_space<hbm>>
    %dma_wait3A_80 = tpu.memref_slice %arg11[%dma_wait3A_73] : memref<2x!tpu.dma_semaphore, #tpu.memory_space<semaphore_mem>> -> memref<1x!tpu.dma_semaphore, #tpu.memory_space<semaphore_mem>>
    %dma_wait3A_81 = tpu.memref_squeeze %dma_wait3A_80 : memref<1x!tpu.dma_semaphore, #tpu.memory_space<semaphore_mem>> -> memref<!tpu.dma_semaphore, #tpu.memory_space<semaphore_mem>>
    %dma_wait3A_82 = arith.constant 0 : i32
    %dma_wait3A_83 = tpu.memref_slice %arg4[%dma_wait3A_72, %add3A_32, %dma_wait3A_82] : memref<50x64x4096xf32, #tpu.memory_space<hbm>> -> memref<1x1x4096xf32, #tpu.memory_space<hbm>>
    %dma_wait3A_84 = tpu.memref_squeeze %dma_wait3A_83 : memref<1x1x4096xf32, #tpu.memory_space<hbm>> -> memref<4096xf32, #tpu.memory_space<hbm>>
    %dma_wait3A_85 = arith.constant 0 : i32
    %dma_wait3A_86 = tpu.memref_slice %arg7[%dma_wait3A_71, %dma_wait3A_85] : memref<2x4096xf32, #tpu.memory_space<vmem>> -> memref<1x4096xf32, #tpu.memory_space<vmem>>
    %dma_wait3A_87 = tpu.memref_squeeze %dma_wait3A_86 : memref<1x4096xf32, #tpu.memory_space<vmem>> -> memref<4096xf32, #tpu.memory_space<vmem>>
    tpu.wait_dma2 semaphore(%dma_wait3A_81 : memref<!tpu.dma_semaphore, #tpu.memory_space<semaphore_mem>>) src(%dma_wait3A_87 : memref<4096xf32, #tpu.memory_space<vmem>>) dst(%dma_wait3A_84 : memref<4096xf32, #tpu.memory_space<hbm>>)
    %dma_wait3A_88 = arith.constant 1 : i32
    %dma_wait3A_89 = arith.constant 0 : i32
    %dma_wait3A_90 = arith.constant 1 : i32
    %dma_wait3A_91 = arith.constant 0 : i32
    %dma_wait3A_92 = tpu.memref_slice %arg7[%dma_wait3A_88, %dma_wait3A_91] : memref<2x4096xf32, #tpu.memory_space<vmem>> -> memref<1x4096xf32, #tpu.memory_space<vmem>>
    %dma_wait3A_93 = tpu.memref_squeeze %dma_wait3A_92 : memref<1x4096xf32, #tpu.memory_space<vmem>> -> memref<4096xf32, #tpu.memory_space<vmem>>
    %dma_wait3A_94 = arith.constant 0 : i32
    %dma_wait3A_95 = tpu.memref_slice %arg4[%dma_wait3A_89, %add3A_32, %dma_wait3A_94] : memref<50x64x4096xf32, #tpu.memory_space<hbm>> -> memref<1x1x4096xf32, #tpu.memory_space<hbm>>
    %dma_wait3A_96 = tpu.memref_squeeze %dma_wait3A_95 : memref<1x1x4096xf32, #tpu.memory_space<hbm>> -> memref<4096xf32, #tpu.memory_space<hbm>>
    %dma_wait3A_97 = tpu.memref_slice %arg11[%dma_wait3A_90] : memref<2x!tpu.dma_semaphore, #tpu.memory_space<semaphore_mem>> -> memref<1x!tpu.dma_semaphore, #tpu.memory_space<semaphore_mem>>
    %dma_wait3A_98 = tpu.memref_squeeze %dma_wait3A_97 : memref<1x!tpu.dma_semaphore, #tpu.memory_space<semaphore_mem>> -> memref<!tpu.dma_semaphore, #tpu.memory_space<semaphore_mem>>
    %dma_wait3A_99 = arith.constant 0 : i32
    %dma_wait3A_100 = tpu.memref_slice %arg4[%dma_wait3A_89, %add3A_32, %dma_wait3A_99] : memref<50x64x4096xf32, #tpu.memory_space<hbm>> -> memref<1x1x4096xf32, #tpu.memory_space<hbm>>
    %dma_wait3A_101 = tpu.memref_squeeze %dma_wait3A_100 : memref<1x1x4096xf32, #tpu.memory_space<hbm>> -> memref<4096xf32, #tpu.memory_space<hbm>>
    %dma_wait3A_102 = arith.constant 0 : i32
    %dma_wait3A_103 = tpu.memref_slice %arg7[%dma_wait3A_88, %dma_wait3A_102] : memref<2x4096xf32, #tpu.memory_space<vmem>> -> memref<1x4096xf32, #tpu.memory_space<vmem>>
    %dma_wait3A_104 = tpu.memref_squeeze %dma_wait3A_103 : memref<1x4096xf32, #tpu.memory_space<vmem>> -> memref<4096xf32, #tpu.memory_space<vmem>>
    tpu.wait_dma2 semaphore(%dma_wait3A_98 : memref<!tpu.dma_semaphore, #tpu.memory_space<semaphore_mem>>) src(%dma_wait3A_104 : memref<4096xf32, #tpu.memory_space<vmem>>) dst(%dma_wait3A_101 : memref<4096xf32, #tpu.memory_space<hbm>>)
    %add3A_105 = arith.constant 32 : i32
    %add3A_106 = arith.addi %add3A, %add3A_105 : i32
    %dma_start3A_107 = arith.constant 0 : i32
    %dma_start3A_108 = tpu.memref_slice %arg3[%add3A_106, %dma_start3A_107] : memref<64x100000xf32, #tpu.memory_space<hbm>> -> memref<1x100000xf32, #tpu.memory_space<hbm>>
    %dma_start3A_109 = tpu.memref_squeeze %dma_start3A_108 : memref<1x100000xf32, #tpu.memory_space<hbm>> -> memref<100000xf32, #tpu.memory_space<hbm>>
    %dma_start3A_110 = arith.constant 0 : i32
    %dma_start3A_111 = tpu.memref_slice %arg3[%add3A_106, %dma_start3A_110] : memref<64x100000xf32, #tpu.memory_space<hbm>> -> memref<1x100000xf32, #tpu.memory_space<hbm>>
    %dma_start3A_112 = tpu.memref_squeeze %dma_start3A_111 : memref<1x100000xf32, #tpu.memory_space<hbm>> -> memref<100000xf32, #tpu.memory_space<hbm>>
    tpu.enqueue_dma source(%dma_start3A_112 : memref<100000xf32, #tpu.memory_space<hbm>>) target(%arg5 : memref<100000xf32, #tpu.memory_space<vmem>>) target_semaphore(%arg9 : memref<!tpu.dma_semaphore, #tpu.memory_space<semaphore_mem>>)
    %dma_start3A_113 = arith.constant 0 : i32
    %dma_start3A_114 = arith.constant 0 : i32
    %dma_start3A_115 = arith.constant 0 : i32
    %dma_start3A_116 = tpu.memref_slice %arg6[%dma_start3A_113, %dma_start3A_115] : memref<2x4096xi32, #tpu.memory_space<vmem>> -> memref<1x4096xi32, #tpu.memory_space<vmem>>
    %dma_start3A_117 = tpu.memref_squeeze %dma_start3A_116 : memref<1x4096xi32, #tpu.memory_space<vmem>> -> memref<4096xi32, #tpu.memory_space<vmem>>
    %dma_start3A_118 = arith.constant 0 : i32
    %dma_start3A_119 = tpu.memref_slice %arg8[%dma_start3A_118] : memref<204800xi32, #tpu.memory_space<vmem_shared>> -> memref<4096xi32, #tpu.memory_space<vmem_shared>>
    %dma_start3A_120 = tpu.memref_slice %arg10[%dma_start3A_114] : memref<2x!tpu.dma_semaphore, #tpu.memory_space<semaphore_mem>> -> memref<1x!tpu.dma_semaphore, #tpu.memory_space<semaphore_mem>>
    %dma_start3A_121 = tpu.memref_squeeze %dma_start3A_120 : memref<1x!tpu.dma_semaphore, #tpu.memory_space<semaphore_mem>> -> memref<!tpu.dma_semaphore, #tpu.memory_space<semaphore_mem>>
    %dma_start3A_122 = arith.constant 0 : i32
    %dma_start3A_123 = tpu.memref_slice %arg6[%dma_start3A_113, %dma_start3A_122] : memref<2x4096xi32, #tpu.memory_space<vmem>> -> memref<1x4096xi32, #tpu.memory_space<vmem>>
    %dma_start3A_124 = tpu.memref_squeeze %dma_start3A_123 : memref<1x4096xi32, #tpu.memory_space<vmem>> -> memref<4096xi32, #tpu.memory_space<vmem>>
    %dma_start3A_125 = arith.constant 0 : i32
    %dma_start3A_126 = tpu.memref_slice %arg8[%dma_start3A_125] : memref<204800xi32, #tpu.memory_space<vmem_shared>> -> memref<4096xi32, #tpu.memory_space<vmem_shared>>
    tpu.enqueue_dma source(%dma_start3A_126 : memref<4096xi32, #tpu.memory_space<vmem_shared>>) target(%dma_start3A_124 : memref<4096xi32, #tpu.memory_space<vmem>>) target_semaphore(%dma_start3A_121 : memref<!tpu.dma_semaphore, #tpu.memory_space<semaphore_mem>>)
    %dma_start3A_127 = arith.constant 1 : i32
    %dma_start3A_128 = arith.constant 1 : i32
    %dma_start3A_129 = arith.constant 0 : i32
    %dma_start3A_130 = tpu.memref_slice %arg6[%dma_start3A_127, %dma_start3A_129] : memref<2x4096xi32, #tpu.memory_space<vmem>> -> memref<1x4096xi32, #tpu.memory_space<vmem>>
    %dma_start3A_131 = tpu.memref_squeeze %dma_start3A_130 : memref<1x4096xi32, #tpu.memory_space<vmem>> -> memref<4096xi32, #tpu.memory_space<vmem>>
    %dma_start3A_132 = arith.constant 4096 : i32
    %dma_start3A_133 = tpu.memref_slice %arg8[%dma_start3A_132] : memref<204800xi32, #tpu.memory_space<vmem_shared>> -> memref<4096xi32, #tpu.memory_space<vmem_shared>>
    %dma_start3A_134 = tpu.memref_slice %arg10[%dma_start3A_128] : memref<2x!tpu.dma_semaphore, #tpu.memory_space<semaphore_mem>> -> memref<1x!tpu.dma_semaphore, #tpu.memory_space<semaphore_mem>>
    %dma_start3A_135 = tpu.memref_squeeze %dma_start3A_134 : memref<1x!tpu.dma_semaphore, #tpu.memory_space<semaphore_mem>> -> memref<!tpu.dma_semaphore, #tpu.memory_space<semaphore_mem>>
    %dma_start3A_136 = arith.constant 0 : i32
    %dma_start3A_137 = tpu.memref_slice %arg6[%dma_start3A_127, %dma_start3A_136] : memref<2x4096xi32, #tpu.memory_space<vmem>> -> memref<1x4096xi32, #tpu.memory_space<vmem>>
    %dma_start3A_138 = tpu.memref_squeeze %dma_start3A_137 : memref<1x4096xi32, #tpu.memory_space<vmem>> -> memref<4096xi32, #tpu.memory_space<vmem>>
    %dma_start3A_139 = arith.constant 4096 : i32
    %dma_start3A_140 = tpu.memref_slice %arg8[%dma_start3A_139] : memref<204800xi32, #tpu.memory_space<vmem_shared>> -> memref<4096xi32, #tpu.memory_space<vmem_shared>>
    tpu.enqueue_dma source(%dma_start3A_140 : memref<4096xi32, #tpu.memory_space<vmem_shared>>) target(%dma_start3A_138 : memref<4096xi32, #tpu.memory_space<vmem>>) target_semaphore(%dma_start3A_135 : memref<!tpu.dma_semaphore, #tpu.memory_space<semaphore_mem>>)
    %dma_wait3A_141 = arith.constant 0 : i32
    %dma_wait3A_142 = tpu.memref_slice %arg3[%add3A_106, %dma_wait3A_141] : memref<64x100000xf32, #tpu.memory_space<hbm>> -> memref<1x100000xf32, #tpu.memory_space<hbm>>
    %dma_wait3A_143 = tpu.memref_squeeze %dma_wait3A_142 : memref<1x100000xf32, #tpu.memory_space<hbm>> -> memref<100000xf32, #tpu.memory_space<hbm>>
    %dma_wait3A_144 = arith.constant 0 : i32
    %dma_wait3A_145 = tpu.memref_slice %arg3[%add3A_106, %dma_wait3A_144] : memref<64x100000xf32, #tpu.memory_space<hbm>> -> memref<1x100000xf32, #tpu.memory_space<hbm>>
    %dma_wait3A_146 = tpu.memref_squeeze %dma_wait3A_145 : memref<1x100000xf32, #tpu.memory_space<hbm>> -> memref<100000xf32, #tpu.memory_space<hbm>>
    tpu.wait_dma2 semaphore(%arg9 : memref<!tpu.dma_semaphore, #tpu.memory_space<semaphore_mem>>) src(%dma_wait3A_146 : memref<100000xf32, #tpu.memory_space<hbm>>) dst(%arg5 : memref<100000xf32, #tpu.memory_space<vmem>>)
    %scan3A_147 = arith.constant 0 : i32
    %scan3A_148 = arith.constant 0 : i32
    %scan3A_149 = arith.constant 25 : i32
    %scan3A_150 = arith.addi %scan3A_148, %scan3A_149 : i32
    %scan3A_151 = arith.constant 1 : i32
    scf.for %scan3A_187 = %scan3A_148 to %scan3A_150 step %scan3A_151  : i32 {
      %mul3A_188 = arith.constant 2 : i32
      %mul3A_189 = arith.muli %mul3A_188, %scan3A_187 : i32
      %add3A_190 = arith.constant 0 : i32
      %add3A_191 = arith.addi %mul3A_189, %add3A_190 : i32
      %mul3A_192 = arith.constant 4096 : i32
      %mul3A_193 = arith.muli %add3A_191, %mul3A_192 : i32
      %multiple_of3A = tpu.assume_multiple %mul3A_193, 4096 : i32
      %dma_wait3A_194 = arith.constant 0 : i32
      %dma_wait3A_195 = arith.constant 0 : i32
      %dma_wait3A_196 = arith.constant 0 : i32
      %dma_wait3A_197 = tpu.memref_slice %arg6[%dma_wait3A_194, %dma_wait3A_196] : memref<2x4096xi32, #tpu.memory_space<vmem>> -> memref<1x4096xi32, #tpu.memory_space<vmem>>
      %dma_wait3A_198 = tpu.memref_squeeze %dma_wait3A_197 : memref<1x4096xi32, #tpu.memory_space<vmem>> -> memref<4096xi32, #tpu.memory_space<vmem>>
      %dma_wait3A_199 = tpu.memref_slice %arg8[%multiple_of3A] : memref<204800xi32, #tpu.memory_space<vmem_shared>> -> memref<4096xi32, #tpu.memory_space<vmem_shared>>
      %dma_wait3A_200 = tpu.memref_slice %arg10[%dma_wait3A_195] : memref<2x!tpu.dma_semaphore, #tpu.memory_space<semaphore_mem>> -> memref<1x!tpu.dma_semaphore, #tpu.memory_space<semaphore_mem>>
      %dma_wait3A_201 = tpu.memref_squeeze %dma_wait3A_200 : memref<1x!tpu.dma_semaphore, #tpu.memory_space<semaphore_mem>> -> memref<!tpu.dma_semaphore, #tpu.memory_space<semaphore_mem>>
      %dma_wait3A_202 = arith.constant 0 : i32
      %dma_wait3A_203 = tpu.memref_slice %arg6[%dma_wait3A_194, %dma_wait3A_202] : memref<2x4096xi32, #tpu.memory_space<vmem>> -> memref<1x4096xi32, #tpu.memory_space<vmem>>
      %dma_wait3A_204 = tpu.memref_squeeze %dma_wait3A_203 : memref<1x4096xi32, #tpu.memory_space<vmem>> -> memref<4096xi32, #tpu.memory_space<vmem>>
      %dma_wait3A_205 = tpu.memref_slice %arg8[%multiple_of3A] : memref<204800xi32, #tpu.memory_space<vmem_shared>> -> memref<4096xi32, #tpu.memory_space<vmem_shared>>
      tpu.wait_dma2 semaphore(%dma_wait3A_201 : memref<!tpu.dma_semaphore, #tpu.memory_space<semaphore_mem>>) src(%dma_wait3A_205 : memref<4096xi32, #tpu.memory_space<vmem_shared>>) dst(%dma_wait3A_204 : memref<4096xi32, #tpu.memory_space<vmem>>)
      %gt3A = arith.constant 0 : i32
      %gt3A_206 = arith.cmpi sgt, %scan3A_187, %gt3A : i32
      %convert_element_type3A_207 = arith.extui %gt3A_206 : i1 to i32
      %cond3A_208 = arith.constant 0 : i32
      %cond3A_209 = arith.cmpi ne, %convert_element_type3A_207, %cond3A_208 : i32
      scf.if %cond3A_209 {
        %dma_wait3A_285 = arith.constant 0 : i32
        %dma_wait3A_286 = arith.constant 0 : i32
        %dma_wait3A_287 = arith.constant 0 : i32
        %dma_wait3A_288 = tpu.memref_slice %arg7[%dma_wait3A_285, %dma_wait3A_287] : memref<2x4096xf32, #tpu.memory_space<vmem>> -> memref<1x4096xf32, #tpu.memory_space<vmem>>
        %dma_wait3A_289 = tpu.memref_squeeze %dma_wait3A_288 : memref<1x4096xf32, #tpu.memory_space<vmem>> -> memref<4096xf32, #tpu.memory_space<vmem>>
        %dma_wait3A_290 = arith.constant 0 : i32
        %dma_wait3A_291 = tpu.memref_slice %arg4[%add3A_191, %add3A_106, %dma_wait3A_290] : memref<50x64x4096xf32, #tpu.memory_space<hbm>> -> memref<1x1x4096xf32, #tpu.memory_space<hbm>>
        %dma_wait3A_292 = tpu.memref_squeeze %dma_wait3A_291 : memref<1x1x4096xf32, #tpu.memory_space<hbm>> -> memref<4096xf32, #tpu.memory_space<hbm>>
        %dma_wait3A_293 = tpu.memref_slice %arg11[%dma_wait3A_286] : memref<2x!tpu.dma_semaphore, #tpu.memory_space<semaphore_mem>> -> memref<1x!tpu.dma_semaphore, #tpu.memory_space<semaphore_mem>>
        %dma_wait3A_294 = tpu.memref_squeeze %dma_wait3A_293 : memref<1x!tpu.dma_semaphore, #tpu.memory_space<semaphore_mem>> -> memref<!tpu.dma_semaphore, #tpu.memory_space<semaphore_mem>>
        %dma_wait3A_295 = arith.constant 0 : i32
        %dma_wait3A_296 = tpu.memref_slice %arg4[%add3A_191, %add3A_106, %dma_wait3A_295] : memref<50x64x4096xf32, #tpu.memory_space<hbm>> -> memref<1x1x4096xf32, #tpu.memory_space<hbm>>
        %dma_wait3A_297 = tpu.memref_squeeze %dma_wait3A_296 : memref<1x1x4096xf32, #tpu.memory_space<hbm>> -> memref<4096xf32, #tpu.memory_space<hbm>>
        %dma_wait3A_298 = arith.constant 0 : i32
        %dma_wait3A_299 = tpu.memref_slice %arg7[%dma_wait3A_285, %dma_wait3A_298] : memref<2x4096xf32, #tpu.memory_space<vmem>> -> memref<1x4096xf32, #tpu.memory_space<vmem>>
        %dma_wait3A_300 = tpu.memref_squeeze %dma_wait3A_299 : memref<1x4096xf32, #tpu.memory_space<vmem>> -> memref<4096xf32, #tpu.memory_space<vmem>>
        tpu.wait_dma2 semaphore(%dma_wait3A_294 : memref<!tpu.dma_semaphore, #tpu.memory_space<semaphore_mem>>) src(%dma_wait3A_300 : memref<4096xf32, #tpu.memory_space<vmem>>) dst(%dma_wait3A_297 : memref<4096xf32, #tpu.memory_space<hbm>>)
      } else {
      }
      %parallel_loop3A = arith.constant 0 : i32
      %parallel_loop3A_210 = arith.constant 256 : i32
      %parallel_loop3A_211 = arith.constant 1 : i32
      scf.for %parallel_loop3A_285 = %parallel_loop3A to %parallel_loop3A_210 step %parallel_loop3A_211  : i32 {
        %parallel_loop3A_286 = arith.constant 16 : i32
        %parallel_loop3A_287 = arith.muli %parallel_loop3A_285, %parallel_loop3A_286 : i32
        %parallel_loop3A_288 = tpu.assume_multiple %parallel_loop3A_287, 16 : i32
        %parallel_loop3A_289 = arith.constant 0 : i32
        %parallel_loop3A_290 = arith.index_cast %parallel_loop3A_289 : i32 to index
        %parallel_loop3A_291 = arith.index_cast %parallel_loop3A_288 : i32 to index
        %parallel_loop3A_292 = tpu.vector_load %arg6[%parallel_loop3A_290, %parallel_loop3A_291] {strides = array<i32>} : memref<2x4096xi32, #tpu.memory_space<vmem>>, vector<16xi32>,
        %parallel_loop3A_293 = tpu.vector_load_idx %arg5[%parallel_loop3A_292] : memref<100000xf32, #tpu.memory_space<vmem>>[vector<16xi32>], vector<16xf32>,
        %parallel_loop3A_294 = arith.constant 0 : i32
        %parallel_loop3A_295 = arith.index_cast %parallel_loop3A_294 : i32 to index
        %parallel_loop3A_296 = arith.index_cast %parallel_loop3A_288 : i32 to index
        %parallel_loop3A_297 = tpu.vector_load %arg7[%parallel_loop3A_295, %parallel_loop3A_296] {strides = array<i32>} : memref<2x4096xf32, #tpu.memory_space<vmem>>, vector<16xf32>,
        tpu.vector_store %arg7[%parallel_loop3A_295, %parallel_loop3A_296], %parallel_loop3A_293 {strides = array<i32>} : memref<2x4096xf32, #tpu.memory_space<vmem>>, vector<16xf32>,
      } {sc.loop_unroll_factor = 32 : i64, sc.parallel_access}
      %dma_start3A_212 = arith.constant 0 : i32
      %dma_start3A_213 = arith.constant 0 : i32
      %dma_start3A_214 = arith.constant 0 : i32
      %dma_start3A_215 = tpu.memref_slice %arg7[%dma_start3A_212, %dma_start3A_214] : memref<2x4096xf32, #tpu.memory_space<vmem>> -> memref<1x4096xf32, #tpu.memory_space<vmem>>
      %dma_start3A_216 = tpu.memref_squeeze %dma_start3A_215 : memref<1x4096xf32, #tpu.memory_space<vmem>> -> memref<4096xf32, #tpu.memory_space<vmem>>
      %dma_start3A_217 = arith.constant 0 : i32
      %dma_start3A_218 = tpu.memref_slice %arg4[%add3A_191, %add3A_106, %dma_start3A_217] : memref<50x64x4096xf32, #tpu.memory_space<hbm>> -> memref<1x1x4096xf32, #tpu.memory_space<hbm>>
      %dma_start3A_219 = tpu.memref_squeeze %dma_start3A_218 : memref<1x1x4096xf32, #tpu.memory_space<hbm>> -> memref<4096xf32, #tpu.memory_space<hbm>>
      %dma_start3A_220 = tpu.memref_slice %arg11[%dma_start3A_213] : memref<2x!tpu.dma_semaphore, #tpu.memory_space<semaphore_mem>> -> memref<1x!tpu.dma_semaphore, #tpu.memory_space<semaphore_mem>>
      %dma_start3A_221 = tpu.memref_squeeze %dma_start3A_220 : memref<1x!tpu.dma_semaphore, #tpu.memory_space<semaphore_mem>> -> memref<!tpu.dma_semaphore, #tpu.memory_space<semaphore_mem>>
      %dma_start3A_222 = arith.constant 0 : i32
      %dma_start3A_223 = tpu.memref_slice %arg4[%add3A_191, %add3A_106, %dma_start3A_222] : memref<50x64x4096xf32, #tpu.memory_space<hbm>> -> memref<1x1x4096xf32, #tpu.memory_space<hbm>>
      %dma_start3A_224 = tpu.memref_squeeze %dma_start3A_223 : memref<1x1x4096xf32, #tpu.memory_space<hbm>> -> memref<4096xf32, #tpu.memory_space<hbm>>
      %dma_start3A_225 = arith.constant 0 : i32
      %dma_start3A_226 = tpu.memref_slice %arg7[%dma_start3A_212, %dma_start3A_225] : memref<2x4096xf32, #tpu.memory_space<vmem>> -> memref<1x4096xf32, #tpu.memory_space<vmem>>
      %dma_start3A_227 = tpu.memref_squeeze %dma_start3A_226 : memref<1x4096xf32, #tpu.memory_space<vmem>> -> memref<4096xf32, #tpu.memory_space<vmem>>
      tpu.enqueue_dma source(%dma_start3A_227 : memref<4096xf32, #tpu.memory_space<vmem>>) target(%dma_start3A_224 : memref<4096xf32, #tpu.memory_space<hbm>>) target_semaphore(%dma_start3A_221 : memref<!tpu.dma_semaphore, #tpu.memory_space<semaphore_mem>>)
      %add3A_228 = arith.constant 2 : i32
      %add3A_229 = arith.addi %add3A_191, %add3A_228 : i32
      %lt3A_230 = arith.constant 50 : i32
      %lt3A_231 = arith.cmpi slt, %add3A_229, %lt3A_230 : i32
      %convert_element_type3A_232 = arith.extui %lt3A_231 : i1 to i32
      %cond3A_233 = arith.constant 0 : i32
      %cond3A_234 = arith.cmpi ne, %convert_element_type3A_232, %cond3A_233 : i32
      scf.if %cond3A_234 {
        %add3A_285 = arith.constant 2 : i32
        %add3A_286 = arith.addi %add3A_191, %add3A_285 : i32
        %mul3A_287 = arith.constant 4096 : i32
        %mul3A_288 = arith.muli %add3A_286, %mul3A_287 : i32
        %multiple_of3A_289 = tpu.assume_multiple %mul3A_288, 4096 : i32
        %dma_start3A_290 = arith.constant 0 : i32
        %dma_start3A_291 = arith.constant 0 : i32
        %dma_start3A_292 = arith.constant 0 : i32
        %dma_start3A_293 = tpu.memref_slice %arg6[%dma_start3A_290, %dma_start3A_292] : memref<2x4096xi32, #tpu.memory_space<vmem>> -> memref<1x4096xi32, #tpu.memory_space<vmem>>
        %dma_start3A_294 = tpu.memref_squeeze %dma_start3A_293 : memref<1x4096xi32, #tpu.memory_space<vmem>> -> memref<4096xi32, #tpu.memory_space<vmem>>
        %dma_start3A_295 = tpu.memref_slice %arg8[%multiple_of3A_289] : memref<204800xi32, #tpu.memory_space<vmem_shared>> -> memref<4096xi32, #tpu.memory_space<vmem_shared>>
        %dma_start3A_296 = tpu.memref_slice %arg10[%dma_start3A_291] : memref<2x!tpu.dma_semaphore, #tpu.memory_space<semaphore_mem>> -> memref<1x!tpu.dma_semaphore, #tpu.memory_space<semaphore_mem>>
        %dma_start3A_297 = tpu.memref_squeeze %dma_start3A_296 : memref<1x!tpu.dma_semaphore, #tpu.memory_space<semaphore_mem>> -> memref<!tpu.dma_semaphore, #tpu.memory_space<semaphore_mem>>
        %dma_start3A_298 = arith.constant 0 : i32
        %dma_start3A_299 = tpu.memref_slice %arg6[%dma_start3A_290, %dma_start3A_298] : memref<2x4096xi32, #tpu.memory_space<vmem>> -> memref<1x4096xi32, #tpu.memory_space<vmem>>
        %dma_start3A_300 = tpu.memref_squeeze %dma_start3A_299 : memref<1x4096xi32, #tpu.memory_space<vmem>> -> memref<4096xi32, #tpu.memory_space<vmem>>
        %dma_start3A_301 = tpu.memref_slice %arg8[%multiple_of3A_289] : memref<204800xi32, #tpu.memory_space<vmem_shared>> -> memref<4096xi32, #tpu.memory_space<vmem_shared>>
        tpu.enqueue_dma source(%dma_start3A_301 : memref<4096xi32, #tpu.memory_space<vmem_shared>>) target(%dma_start3A_300 : memref<4096xi32, #tpu.memory_space<vmem>>) target_semaphore(%dma_start3A_297 : memref<!tpu.dma_semaphore, #tpu.memory_space<semaphore_mem>>)
      } else {
      }
      %mul3A_235 = arith.constant 2 : i32
      %mul3A_236 = arith.muli %mul3A_235, %scan3A_187 : i32
      %add3A_237 = arith.constant 1 : i32
      %add3A_238 = arith.addi %mul3A_236, %add3A_237 : i32
      %mul3A_239 = arith.constant 4096 : i32
      %mul3A_240 = arith.muli %add3A_238, %mul3A_239 : i32
      %multiple_of3A_241 = tpu.assume_multiple %mul3A_240, 4096 : i32
      %dma_wait3A_242 = arith.constant 1 : i32
      %dma_wait3A_243 = arith.constant 1 : i32
      %dma_wait3A_244 = arith.constant 0 : i32
      %dma_wait3A_245 = tpu.memref_slice %arg6[%dma_wait3A_242, %dma_wait3A_244] : memref<2x4096xi32, #tpu.memory_space<vmem>> -> memref<1x4096xi32, #tpu.memory_space<vmem>>
      %dma_wait3A_246 = tpu.memref_squeeze %dma_wait3A_245 : memref<1x4096xi32, #tpu.memory_space<vmem>> -> memref<4096xi32, #tpu.memory_space<vmem>>
      %dma_wait3A_247 = tpu.memref_slice %arg8[%multiple_of3A_241] : memref<204800xi32, #tpu.memory_space<vmem_shared>> -> memref<4096xi32, #tpu.memory_space<vmem_shared>>
      %dma_wait3A_248 = tpu.memref_slice %arg10[%dma_wait3A_243] : memref<2x!tpu.dma_semaphore, #tpu.memory_space<semaphore_mem>> -> memref<1x!tpu.dma_semaphore, #tpu.memory_space<semaphore_mem>>
      %dma_wait3A_249 = tpu.memref_squeeze %dma_wait3A_248 : memref<1x!tpu.dma_semaphore, #tpu.memory_space<semaphore_mem>> -> memref<!tpu.dma_semaphore, #tpu.memory_space<semaphore_mem>>
      %dma_wait3A_250 = arith.constant 0 : i32
      %dma_wait3A_251 = tpu.memref_slice %arg6[%dma_wait3A_242, %dma_wait3A_250] : memref<2x4096xi32, #tpu.memory_space<vmem>> -> memref<1x4096xi32, #tpu.memory_space<vmem>>
      %dma_wait3A_252 = tpu.memref_squeeze %dma_wait3A_251 : memref<1x4096xi32, #tpu.memory_space<vmem>> -> memref<4096xi32, #tpu.memory_space<vmem>>
      %dma_wait3A_253 = tpu.memref_slice %arg8[%multiple_of3A_241] : memref<204800xi32, #tpu.memory_space<vmem_shared>> -> memref<4096xi32, #tpu.memory_space<vmem_shared>>
      tpu.wait_dma2 semaphore(%dma_wait3A_249 : memref<!tpu.dma_semaphore, #tpu.memory_space<semaphore_mem>>) src(%dma_wait3A_253 : memref<4096xi32, #tpu.memory_space<vmem_shared>>) dst(%dma_wait3A_252 : memref<4096xi32, #tpu.memory_space<vmem>>)
      %gt3A_254 = arith.constant 0 : i32
      %gt3A_255 = arith.cmpi sgt, %scan3A_187, %gt3A_254 : i32
      %convert_element_type3A_256 = arith.extui %gt3A_255 : i1 to i32
      %cond3A_257 = arith.constant 0 : i32
      %cond3A_258 = arith.cmpi ne, %convert_element_type3A_256, %cond3A_257 : i32
      scf.if %cond3A_258 {
        %dma_wait3A_285 = arith.constant 1 : i32
        %dma_wait3A_286 = arith.constant 1 : i32
        %dma_wait3A_287 = arith.constant 0 : i32
        %dma_wait3A_288 = tpu.memref_slice %arg7[%dma_wait3A_285, %dma_wait3A_287] : memref<2x4096xf32, #tpu.memory_space<vmem>> -> memref<1x4096xf32, #tpu.memory_space<vmem>>
        %dma_wait3A_289 = tpu.memref_squeeze %dma_wait3A_288 : memref<1x4096xf32, #tpu.memory_space<vmem>> -> memref<4096xf32, #tpu.memory_space<vmem>>
        %dma_wait3A_290 = arith.constant 0 : i32
        %dma_wait3A_291 = tpu.memref_slice %arg4[%add3A_238, %add3A_106, %dma_wait3A_290] : memref<50x64x4096xf32, #tpu.memory_space<hbm>> -> memref<1x1x4096xf32, #tpu.memory_space<hbm>>
        %dma_wait3A_292 = tpu.memref_squeeze %dma_wait3A_291 : memref<1x1x4096xf32, #tpu.memory_space<hbm>> -> memref<4096xf32, #tpu.memory_space<hbm>>
        %dma_wait3A_293 = tpu.memref_slice %arg11[%dma_wait3A_286] : memref<2x!tpu.dma_semaphore, #tpu.memory_space<semaphore_mem>> -> memref<1x!tpu.dma_semaphore, #tpu.memory_space<semaphore_mem>>
        %dma_wait3A_294 = tpu.memref_squeeze %dma_wait3A_293 : memref<1x!tpu.dma_semaphore, #tpu.memory_space<semaphore_mem>> -> memref<!tpu.dma_semaphore, #tpu.memory_space<semaphore_mem>>
        %dma_wait3A_295 = arith.constant 0 : i32
        %dma_wait3A_296 = tpu.memref_slice %arg4[%add3A_238, %add3A_106, %dma_wait3A_295] : memref<50x64x4096xf32, #tpu.memory_space<hbm>> -> memref<1x1x4096xf32, #tpu.memory_space<hbm>>
        %dma_wait3A_297 = tpu.memref_squeeze %dma_wait3A_296 : memref<1x1x4096xf32, #tpu.memory_space<hbm>> -> memref<4096xf32, #tpu.memory_space<hbm>>
        %dma_wait3A_298 = arith.constant 0 : i32
        %dma_wait3A_299 = tpu.memref_slice %arg7[%dma_wait3A_285, %dma_wait3A_298] : memref<2x4096xf32, #tpu.memory_space<vmem>> -> memref<1x4096xf32, #tpu.memory_space<vmem>>
        %dma_wait3A_300 = tpu.memref_squeeze %dma_wait3A_299 : memref<1x4096xf32, #tpu.memory_space<vmem>> -> memref<4096xf32, #tpu.memory_space<vmem>>
        tpu.wait_dma2 semaphore(%dma_wait3A_294 : memref<!tpu.dma_semaphore, #tpu.memory_space<semaphore_mem>>) src(%dma_wait3A_300 : memref<4096xf32, #tpu.memory_space<vmem>>) dst(%dma_wait3A_297 : memref<4096xf32, #tpu.memory_space<hbm>>)
      } else {
      }
      %parallel_loop3A_259 = arith.constant 0 : i32
      %parallel_loop3A_260 = arith.constant 256 : i32
      %parallel_loop3A_261 = arith.constant 1 : i32
      scf.for %parallel_loop3A_285 = %parallel_loop3A_259 to %parallel_loop3A_260 step %parallel_loop3A_261  : i32 {
        %parallel_loop3A_286 = arith.constant 16 : i32
        %parallel_loop3A_287 = arith.muli %parallel_loop3A_285, %parallel_loop3A_286 : i32
        %parallel_loop3A_288 = tpu.assume_multiple %parallel_loop3A_287, 16 : i32
        %parallel_loop3A_289 = arith.constant 1 : i32
        %parallel_loop3A_290 = arith.index_cast %parallel_loop3A_289 : i32 to index
        %parallel_loop3A_291 = arith.index_cast %parallel_loop3A_288 : i32 to index
        %parallel_loop3A_292 = tpu.vector_load %arg6[%parallel_loop3A_290, %parallel_loop3A_291] {strides = array<i32>} : memref<2x4096xi32, #tpu.memory_space<vmem>>, vector<16xi32>,
        %parallel_loop3A_293 = tpu.vector_load_idx %arg5[%parallel_loop3A_292] : memref<100000xf32, #tpu.memory_space<vmem>>[vector<16xi32>], vector<16xf32>,
        %parallel_loop3A_294 = arith.constant 1 : i32
        %parallel_loop3A_295 = arith.index_cast %parallel_loop3A_294 : i32 to index
        %parallel_loop3A_296 = arith.index_cast %parallel_loop3A_288 : i32 to index
        %parallel_loop3A_297 = tpu.vector_load %arg7[%parallel_loop3A_295, %parallel_loop3A_296] {strides = array<i32>} : memref<2x4096xf32, #tpu.memory_space<vmem>>, vector<16xf32>,
        tpu.vector_store %arg7[%parallel_loop3A_295, %parallel_loop3A_296], %parallel_loop3A_293 {strides = array<i32>} : memref<2x4096xf32, #tpu.memory_space<vmem>>, vector<16xf32>,
      } {sc.loop_unroll_factor = 32 : i64, sc.parallel_access}
      %dma_start3A_262 = arith.constant 1 : i32
      %dma_start3A_263 = arith.constant 1 : i32
      %dma_start3A_264 = arith.constant 0 : i32
      %dma_start3A_265 = tpu.memref_slice %arg7[%dma_start3A_262, %dma_start3A_264] : memref<2x4096xf32, #tpu.memory_space<vmem>> -> memref<1x4096xf32, #tpu.memory_space<vmem>>
      %dma_start3A_266 = tpu.memref_squeeze %dma_start3A_265 : memref<1x4096xf32, #tpu.memory_space<vmem>> -> memref<4096xf32, #tpu.memory_space<vmem>>
      %dma_start3A_267 = arith.constant 0 : i32
      %dma_start3A_268 = tpu.memref_slice %arg4[%add3A_238, %add3A_106, %dma_start3A_267] : memref<50x64x4096xf32, #tpu.memory_space<hbm>> -> memref<1x1x4096xf32, #tpu.memory_space<hbm>>
      %dma_start3A_269 = tpu.memref_squeeze %dma_start3A_268 : memref<1x1x4096xf32, #tpu.memory_space<hbm>> -> memref<4096xf32, #tpu.memory_space<hbm>>
      %dma_start3A_270 = tpu.memref_slice %arg11[%dma_start3A_263] : memref<2x!tpu.dma_semaphore, #tpu.memory_space<semaphore_mem>> -> memref<1x!tpu.dma_semaphore, #tpu.memory_space<semaphore_mem>>
      %dma_start3A_271 = tpu.memref_squeeze %dma_start3A_270 : memref<1x!tpu.dma_semaphore, #tpu.memory_space<semaphore_mem>> -> memref<!tpu.dma_semaphore, #tpu.memory_space<semaphore_mem>>
      %dma_start3A_272 = arith.constant 0 : i32
      %dma_start3A_273 = tpu.memref_slice %arg4[%add3A_238, %add3A_106, %dma_start3A_272] : memref<50x64x4096xf32, #tpu.memory_space<hbm>> -> memref<1x1x4096xf32, #tpu.memory_space<hbm>>
      %dma_start3A_274 = tpu.memref_squeeze %dma_start3A_273 : memref<1x1x4096xf32, #tpu.memory_space<hbm>> -> memref<4096xf32, #tpu.memory_space<hbm>>
      %dma_start3A_275 = arith.constant 0 : i32
      %dma_start3A_276 = tpu.memref_slice %arg7[%dma_start3A_262, %dma_start3A_275] : memref<2x4096xf32, #tpu.memory_space<vmem>> -> memref<1x4096xf32, #tpu.memory_space<vmem>>
      %dma_start3A_277 = tpu.memref_squeeze %dma_start3A_276 : memref<1x4096xf32, #tpu.memory_space<vmem>> -> memref<4096xf32, #tpu.memory_space<vmem>>
      tpu.enqueue_dma source(%dma_start3A_277 : memref<4096xf32, #tpu.memory_space<vmem>>) target(%dma_start3A_274 : memref<4096xf32, #tpu.memory_space<hbm>>) target_semaphore(%dma_start3A_271 : memref<!tpu.dma_semaphore, #tpu.memory_space<semaphore_mem>>)
      %add3A_278 = arith.constant 2 : i32
      %add3A_279 = arith.addi %add3A_238, %add3A_278 : i32
      %lt3A_280 = arith.constant 50 : i32
      %lt3A_281 = arith.cmpi slt, %add3A_279, %lt3A_280 : i32
      %convert_element_type3A_282 = arith.extui %lt3A_281 : i1 to i32
      %cond3A_283 = arith.constant 0 : i32
      %cond3A_284 = arith.cmpi ne, %convert_element_type3A_282, %cond3A_283 : i32
      scf.if %cond3A_284 {
        %add3A_285 = arith.constant 2 : i32
        %add3A_286 = arith.addi %add3A_238, %add3A_285 : i32
        %mul3A_287 = arith.constant 4096 : i32
        %mul3A_288 = arith.muli %add3A_286, %mul3A_287 : i32
        %multiple_of3A_289 = tpu.assume_multiple %mul3A_288, 4096 : i32
        %dma_start3A_290 = arith.constant 1 : i32
        %dma_start3A_291 = arith.constant 1 : i32
        %dma_start3A_292 = arith.constant 0 : i32
        %dma_start3A_293 = tpu.memref_slice %arg6[%dma_start3A_290, %dma_start3A_292] : memref<2x4096xi32, #tpu.memory_space<vmem>> -> memref<1x4096xi32, #tpu.memory_space<vmem>>
        %dma_start3A_294 = tpu.memref_squeeze %dma_start3A_293 : memref<1x4096xi32, #tpu.memory_space<vmem>> -> memref<4096xi32, #tpu.memory_space<vmem>>
        %dma_start3A_295 = tpu.memref_slice %arg8[%multiple_of3A_289] : memref<204800xi32, #tpu.memory_space<vmem_shared>> -> memref<4096xi32, #tpu.memory_space<vmem_shared>>
        %dma_start3A_296 = tpu.memref_slice %arg10[%dma_start3A_291] : memref<2x!tpu.dma_semaphore, #tpu.memory_space<semaphore_mem>> -> memref<1x!tpu.dma_semaphore, #tpu.memory_space<semaphore_mem>>
        %dma_start3A_297 = tpu.memref_squeeze %dma_start3A_296 : memref<1x!tpu.dma_semaphore, #tpu.memory_space<semaphore_mem>> -> memref<!tpu.dma_semaphore, #tpu.memory_space<semaphore_mem>>
        %dma_start3A_298 = arith.constant 0 : i32
        %dma_start3A_299 = tpu.memref_slice %arg6[%dma_start3A_290, %dma_start3A_298] : memref<2x4096xi32, #tpu.memory_space<vmem>> -> memref<1x4096xi32, #tpu.memory_space<vmem>>
        %dma_start3A_300 = tpu.memref_squeeze %dma_start3A_299 : memref<1x4096xi32, #tpu.memory_space<vmem>> -> memref<4096xi32, #tpu.memory_space<vmem>>
        %dma_start3A_301 = tpu.memref_slice %arg8[%multiple_of3A_289] : memref<204800xi32, #tpu.memory_space<vmem_shared>> -> memref<4096xi32, #tpu.memory_space<vmem_shared>>
        tpu.enqueue_dma source(%dma_start3A_301 : memref<4096xi32, #tpu.memory_space<vmem_shared>>) target(%dma_start3A_300 : memref<4096xi32, #tpu.memory_space<vmem>>) target_semaphore(%dma_start3A_297 : memref<!tpu.dma_semaphore, #tpu.memory_space<semaphore_mem>>)
      } else {
      }
    }
    %scan3A_152 = arith.constant 25 : i32
    %dma_wait3A_153 = arith.constant 0 : i32
    %dma_wait3A_154 = arith.constant 0 : i32
    %dma_wait3A_155 = arith.constant 0 : i32
    %dma_wait3A_156 = arith.constant 0 : i32
    %dma_wait3A_157 = tpu.memref_slice %arg7[%dma_wait3A_153, %dma_wait3A_156] : memref<2x4096xf32, #tpu.memory_space<vmem>> -> memref<1x4096xf32, #tpu.memory_space<vmem>>
    %dma_wait3A_158 = tpu.memref_squeeze %dma_wait3A_157 : memref<1x4096xf32, #tpu.memory_space<vmem>> -> memref<4096xf32, #tpu.memory_space<vmem>>
    %dma_wait3A_159 = arith.constant 0 : i32
    %dma_wait3A_160 = tpu.memref_slice %arg4[%dma_wait3A_154, %add3A_106, %dma_wait3A_159] : memref<50x64x4096xf32, #tpu.memory_space<hbm>> -> memref<1x1x4096xf32, #tpu.memory_space<hbm>>
    %dma_wait3A_161 = tpu.memref_squeeze %dma_wait3A_160 : memref<1x1x4096xf32, #tpu.memory_space<hbm>> -> memref<4096xf32, #tpu.memory_space<hbm>>
    %dma_wait3A_162 = tpu.memref_slice %arg11[%dma_wait3A_155] : memref<2x!tpu.dma_semaphore, #tpu.memory_space<semaphore_mem>> -> memref<1x!tpu.dma_semaphore, #tpu.memory_space<semaphore_mem>>
    %dma_wait3A_163 = tpu.memref_squeeze %dma_wait3A_162 : memref<1x!tpu.dma_semaphore, #tpu.memory_space<semaphore_mem>> -> memref<!tpu.dma_semaphore, #tpu.memory_space<semaphore_mem>>
    %dma_wait3A_164 = arith.constant 0 : i32
    %dma_wait3A_165 = tpu.memref_slice %arg4[%dma_wait3A_154, %add3A_106, %dma_wait3A_164] : memref<50x64x4096xf32, #tpu.memory_space<hbm>> -> memref<1x1x4096xf32, #tpu.memory_space<hbm>>
    %dma_wait3A_166 = tpu.memref_squeeze %dma_wait3A_165 : memref<1x1x4096xf32, #tpu.memory_space<hbm>> -> memref<4096xf32, #tpu.memory_space<hbm>>
    %dma_wait3A_167 = arith.constant 0 : i32
    %dma_wait3A_168 = tpu.memref_slice %arg7[%dma_wait3A_153, %dma_wait3A_167] : memref<2x4096xf32, #tpu.memory_space<vmem>> -> memref<1x4096xf32, #tpu.memory_space<vmem>>
    %dma_wait3A_169 = tpu.memref_squeeze %dma_wait3A_168 : memref<1x4096xf32, #tpu.memory_space<vmem>> -> memref<4096xf32, #tpu.memory_space<vmem>>
    tpu.wait_dma2 semaphore(%dma_wait3A_163 : memref<!tpu.dma_semaphore, #tpu.memory_space<semaphore_mem>>) src(%dma_wait3A_169 : memref<4096xf32, #tpu.memory_space<vmem>>) dst(%dma_wait3A_166 : memref<4096xf32, #tpu.memory_space<hbm>>)
    %dma_wait3A_170 = arith.constant 1 : i32
    %dma_wait3A_171 = arith.constant 0 : i32
    %dma_wait3A_172 = arith.constant 1 : i32
    %dma_wait3A_173 = arith.constant 0 : i32
    %dma_wait3A_174 = tpu.memref_slice %arg7[%dma_wait3A_170, %dma_wait3A_173] : memref<2x4096xf32, #tpu.memory_space<vmem>> -> memref<1x4096xf32, #tpu.memory_space<vmem>>
    %dma_wait3A_175 = tpu.memref_squeeze %dma_wait3A_174 : memref<1x4096xf32, #tpu.memory_space<vmem>> -> memref<4096xf32, #tpu.memory_space<vmem>>
    %dma_wait3A_176 = arith.constant 0 : i32
    %dma_wait3A_177 = tpu.memref_slice %arg4[%dma_wait3A_171, %add3A_106, %dma_wait3A_176] : memref<50x64x4096xf32, #tpu.memory_space<hbm>> -> memref<1x1x4096xf32, #tpu.memory_space<hbm>>
    %dma_wait3A_178 = tpu.memref_squeeze %dma_wait3A_177 : memref<1x1x4096xf32, #tpu.memory_space<hbm>> -> memref<4096xf32, #tpu.memory_space<hbm>>
    %dma_wait3A_179 = tpu.memref_slice %arg11[%dma_wait3A_172] : memref<2x!tpu.dma_semaphore, #tpu.memory_space<semaphore_mem>> -> memref<1x!tpu.dma_semaphore, #tpu.memory_space<semaphore_mem>>
    %dma_wait3A_180 = tpu.memref_squeeze %dma_wait3A_179 : memref<1x!tpu.dma_semaphore, #tpu.memory_space<semaphore_mem>> -> memref<!tpu.dma_semaphore, #tpu.memory_space<semaphore_mem>>
    %dma_wait3A_181 = arith.constant 0 : i32
    %dma_wait3A_182 = tpu.memref_slice %arg4[%dma_wait3A_171, %add3A_106, %dma_wait3A_181] : memref<50x64x4096xf32, #tpu.memory_space<hbm>> -> memref<1x1x4096xf32, #tpu.memory_space<hbm>>
    %dma_wait3A_183 = tpu.memref_squeeze %dma_wait3A_182 : memref<1x1x4096xf32, #tpu.memory_space<hbm>> -> memref<4096xf32, #tpu.memory_space<hbm>>
    %dma_wait3A_184 = arith.constant 0 : i32
    %dma_wait3A_185 = tpu.memref_slice %arg7[%dma_wait3A_170, %dma_wait3A_184] : memref<2x4096xf32, #tpu.memory_space<vmem>> -> memref<1x4096xf32, #tpu.memory_space<vmem>>
    %dma_wait3A_186 = tpu.memref_squeeze %dma_wait3A_185 : memref<1x4096xf32, #tpu.memory_space<vmem>> -> memref<4096xf32, #tpu.memory_space<vmem>>
    tpu.wait_dma2 semaphore(%dma_wait3A_180 : memref<!tpu.dma_semaphore, #tpu.memory_space<semaphore_mem>>) src(%dma_wait3A_186 : memref<4096xf32, #tpu.memory_space<vmem>>) dst(%dma_wait3A_183 : memref<4096xf32, #tpu.memory_space<hbm>>)
    return
  }
}

</mosaic_0001>

<sc_bundles>
// kernel: kernel.3.cloned.1.call-start
scs
__scs_entry_jumppad:
0x0: {  	(pc) =	sbr.rel $0x88, $3  }
0x1: {  	(tag) =	ssettag $0x0;
	lr =	simm.s32 $0x1  }
0x2: {  	[smem:$0x3F9F] =	sst lr;
	_ =	strace $0xD0000000  }
0x3: {  	_ = 	snop  }
0x4: {  	_ = 	snop  }
0x5: {  	_ = 	snop  }
0x6: {  	_ = 	snop  }
0x7: {  	_ = 	snop  }
__scs_overlays_trampoline_lowered:
0x8: {  	[smem:$0x3FAE] =	sst s0  }
0x9: {  	[smem:$0x3FAF] =	sst s1  }
0xa: {  	[smem:$0x3FB0] =	sst s2  }
0xb: {  	[smem:$0x3FB1] =	sst s3  }
0xc: {  	[smem:$0x3FB2] =	sst s4  }
0xd: {  	[smem:$0x3FB3] =	sst s5  }
0xe: {  	[smem:$0x3FB4] =	sst s6  }
0xf: {  	[smem:$0x3FB5] =	sst s7  }
0x10: {  	[smem:$0x3FB6] =	sst s8  }
0x11: {  	[smem:$0x3FB7] =	sst s9;
	s0 =	simm.s32 @!p0 $0x0  }
0x12: {  	s1 =	sld [smem:$0x3F9D];
	s0 =	simm.s32 @p0 $0x1  }
0x13: {  	[smem:$0x3FB8] =	sst s0;
	s0 =	simm.s32 @!p1 $0x0  }
0x14: {  	s2 =	sld [smem:$0x3F9C];
	s0 =	simm.s32 @p1 $0x1  }
0x15: {  	[smem:$0x3FB9] =	sst s0;
	s0 =	simm.s32 @!p2 $0x0  }
0x16: {  	s3 =	sld [smem:$0x3FDB];
	s0 =	simm.s32 @p2 $0x1  }
0x17: {  	s4 =	simm.s32 $0x1BF5;
	[smem:$0x3FBB] =	sst s0  }
0x18: {  	s0 =	sld [smem:$0x3F9E];
	_ =	swait.ge [sflag:s4], $0x0  }
0x19: {  	s7 =	sld [smem:$0x3F9F]  }
0x1a: {  	s8 =	sadd.s32 $0xFFFFE003, lr  }
0x1b: {  	s9 =	sadd.s32 $0xFFFFFEF7, lr;
	s5 =	simm.s32 $0xFFFFFFFF;
	p2 =	slt.u32 s8, $0xFFFFF086  }
0x1c: {  	p1 =	slt.u32 s9, $0xF7A;
	s5 =	simm.s32 @!p2 $0x0  }
0x1d: {  	s5 =	simm.s32 @p1 $0x1;
	p0 =	seq.s32 s7, s2  }
0x1e: {  	s7 =	smul.u32 @!p0 $0xF7A, s2;
	p2 =	seq.s32 @!p0 s5, $0x0  }
0x1f: {  	s9 =	smul.u32 $0xF7A, s1;
	s8 =	simm.s32 @!p0 $0x1BF5;
	p2 =	por !p2, p0  }
0x20: {  	[sflag:s8] =	ssyncset.s32 @!p0 $0xFFFFF086;
	s6 =	sadd.s32 @!p0 s3, s7;
	s7 =	simm.s32 @!p0 $0x108  }
0x21: {  	s3 =	sadd.s32 s3, s9;
	s6 =	sadd.s32 @!p0 $0x88, s6;
	s7 =	simm.s32 @p2 $0x1082  }
0x22: {  	[simem:s7], [sflag:s8] =	dma.local @!p0 [hbm:s6], $0xF7A  }
0x23: {  	s9 =	sor.u32 $0xD0000000, s2;
	s6 =	simm.s32 $0x108;
	_ =	swait.ge @!p0 [sflag:s8], $0x0  }
0x24: {  	s3 =	sadd.s32 $0x88, s3;
	s6 =	simm.s32 @!p1 $0x1082;
	[sflag:s4] =	ssyncset.s32 $0xFFFFF086  }
0x25: {  	[simem:s6], [sflag:s4] =	dma.local [hbm:s3], $0xF7A  }
0x26: {  	[smem:$0x3F9F] =	sst s1;
	(tag) =	ssettag s2;
	_ =	strace s9  }
0x27: {  	s1 =	sld [smem:$0x3FAF]  }
0x28: {  	s2 =	sld [smem:$0x3FB0]  }
0x29: {  	s4 =	sld [smem:$0x3FB2]  }
0x2a: {  	p0 =	seq.s32 s5, $0x0;
	s5 =	sld [smem:$0x3FB3]  }
0x2b: {  	s6 =	sld [smem:$0x3FB4]  }
0x2c: {  	s7 =	sld [smem:$0x3FB5]  }
0x2d: {  	s3 =	simm.s32 $0x108;
	s8 =	sld [smem:$0x3FB6]  }
0x2e: {  	s3 =	simm.s32 @!p0 $0x1082;
	s9 =	sld [smem:$0x3FB7]  }
0x2f: {  	lr =	sadd.s32 s0, s3;
	s0 =	sld [smem:$0x3FAE]  }
0x30: {  	s3 =	sld [smem:$0x3FB1]  }
0x31: {  	[smem:$0x3FBA] =	sst s10  }
0x32: {  	s10 =	sld [smem:$0x3FB8];
	_ =	sdelay $0x3  }
0x33: {  	p0 =	seq.s32 s10, $0x1;
	s10 =	sld [smem:$0x3FBA];
	_ =	sdelay $0x3  }
0x34: {  	[smem:$0x3FBA] =	sst s10  }
0x35: {  	s10 =	sld [smem:$0x3FB9];
	_ =	sdelay $0x3  }
0x36: {  	p1 =	seq.s32 s10, $0x1;
	s10 =	sld [smem:$0x3FBA];
	_ =	sdelay $0x3  }
0x37: {  	[smem:$0x3FBA] =	sst s10  }
0x38: {  	s10 =	sld [smem:$0x3FBB]  }
0x39: {  	_ = 	snop;
	(pc) =	sbr.ind lr, $3  }
0x3a: {  	_ = 	snop  }
0x3b: {  	_ = 	snop  }
0x3c: {  	p2 =	seq.s32 s10, $0x1;
	s10 =	sld [smem:$0x3FBA]  }
0x3d: {  	_ =	shalt  }
0x3e: {  	_ =	shalt  }
0x3f: {  	_ =	shalt  }
0x40: {  	_ =	shalt  }
0x41: {  	_ =	shalt  }
0x42: {  	_ =	shalt  }
0x43: {  	_ =	shalt  }
0x44: {  	_ =	shalt  }
0x45: {  	_ =	shalt  }
0x46: {  	_ =	shalt  }
0x47: {  	_ =	shalt  }
0x48: {  	_ =	shalt  }
0x49: {  	_ =	shalt  }
0x4a: {  	_ =	shalt  }
0x4b: {  	_ =	shalt  }
0x4c: {  	_ =	shalt  }
0x4d: {  	_ =	shalt  }
0x4e: {  	_ =	shalt  }
0x4f: {  	_ =	shalt  }
0x50: {  	_ =	shalt  }
0x51: {  	_ =	shalt  }
0x52: {  	_ =	shalt  }
0x53: {  	_ =	shalt  }
0x54: {  	_ =	shalt  }
0x55: {  	_ =	shalt  }
0x56: {  	_ =	shalt  }
0x57: {  	_ =	shalt  }
0x58: {  	_ =	shalt  }
0x59: {  	_ =	shalt  }
0x5a: {  	_ =	shalt  }
0x5b: {  	_ =	shalt  }
0x5c: {  	_ =	shalt  }
0x5d: {  	_ =	shalt  }
0x5e: {  	_ =	shalt  }
0x5f: {  	_ =	shalt  }
0x60: {  	_ =	shalt  }
0x61: {  	_ =	shalt  }
0x62: {  	_ =	shalt  }
0x63: {  	_ =	shalt  }
0x64: {  	_ =	shalt  }
0x65: {  	_ =	shalt  }
0x66: {  	_ =	shalt  }
0x67: {  	_ =	shalt  }
0x68: {  	_ =	shalt  }
0x69: {  	_ =	shalt  }
0x6a: {  	_ =	shalt  }
0x6b: {  	_ =	shalt  }
0x6c: {  	_ =	shalt  }
0x6d: {  	_ =	shalt  }
0x6e: {  	_ =	shalt  }
0x6f: {  	_ =	shalt  }
0x70: {  	_ =	shalt  }
0x71: {  	_ =	shalt  }
0x72: {  	_ =	shalt  }
0x73: {  	_ =	shalt  }
0x74: {  	_ =	shalt  }
0x75: {  	_ =	shalt  }
0x76: {  	_ =	shalt  }
0x77: {  	_ =	shalt  }
0x78: {  	_ =	shalt  }
0x79: {  	_ =	shalt  }
0x7a: {  	_ =	shalt  }
0x7b: {  	_ =	shalt  }
0x7c: {  	_ =	shalt  }
0x7d: {  	_ =	shalt  }
0x7e: {  	_ =	shalt  }
0x7f: {  	_ =	shalt  }
0x80: {  	_ =	shalt  }
0x81: {  	_ =	shalt  }
0x82: {  	_ =	shalt  }
0x83: {  	_ =	shalt  }
0x84: {  	_ =	shalt  }
0x85: {  	_ =	shalt  }
0x86: {  	_ =	shalt  }
0x87: {  	_ =	shalt  }
.Lfunc_end0:
.L_simem_size_0:
called_computation_lowered:
.L_overlay_start_0:
0x88: {  	s2 =	sld [smem:$0x3FD9]  }
0x89: {  	s3 =	sld [smem:$0x3FFE];
	_ =	sdelay $0x1  }
0x8a: {  	s1 =	srdreg.scid  }
0x8b: {  	s0 =	sand.u32 $0x1, s1  }
0x8c: {  	s18 =	sshll.u32 s0, $0xA;
	s2 =	sadd.s32 s3, s2  }
0x8d: {  	s2 =	sadd.s32 s2, s18  }
0x8e: {  	[smem:$0x3FC6] =	sst s2  }
0x8f: {  	_ = 	snop  }
0x90: {  	s2 =	sld [smem:$0x3FC9]  }
0x91: {  	s19 =	sld [smem:$0x3FC8]  }
0x92: {  	s4 =	sld [smem:$0x3FD0];
	(tm) =	ssettm $0x1  }
0x93: {  	s5 =	sld [smem:$0x3FFB];
	_ =	sdelay $0x3  }
0x94: {  	_ =	strace s5  }
0x95: {  	s5 =	sld [smem:$0x3FFC];
	_ =	sdelay $0x3  }
0x96: {  	_ =	strace s5  }
0x97: {  	s5 =	sld [smem:$0x3FFD];
	_ =	sdelay $0x3  }
0x98: {  	_ =	strace s5  }
0x99: {  	_ =	strace $0x8FFFFFFF  }
0x9a: {  	s20 =	sld [smem:$0x3FDB];
	_ =	sdelay $0x1  }
0x9b: {  	s6 =	simm.s32 $_scs_section_size  }
0x9c: {  	s7 =	simm.s32 $_size__tile_overlayer_lowered;
	s8 =	simm.s32 $_tile_overlayer_lowered  }
0x9d: {  	s23 =	simm.s32 $0x1BFF;
	s22 =	sshll.u32 s8, $0x1;
	s5 =	sadd.s32 s6, s20  }
0x9e: {  	s9 =	simm.s32 $0x0;
	s21 =	sshll.u32 s7, $0x1;
	s7 =	sadd.s32 s22, s5  }
0x9f: {  	[timem:s9], [sflag:s23] =	dma.local [hbm:s7], s21  }
0xa0: {  	_ =	swait.ge [sflag:s23], s21  }
0xa1: {  	s6 =	ssub.s32 $0x0, s21;
	[sflag:s23] =	ssyncset.done $0x0  }
0xa2: {  	[sflag:s23] =	ssyncadd.s32 s6;
	_ =	sdelay $0x1  }
0xa3: {  	s24 =	simm.s32 $0x1B8B  }
0xa4: {  	_ =	swait.ge [sflag:s24], $0x1  }
0xa5: {  	[sflag:s24] =	ssyncset.done $0x0  }
0xa6: {  	s25 =	simm.s32 $0x1B8E;
	[sflag:s24] =	ssyncadd.s32 $0xFFFFFFFF  }
0xa7: {  	s26 =	simm.s32 $execute0_lowered;
	[smem:$0x3FD2] =	sst s25  }
0xa8: {  	s6 =	sshll.u32 s26, $0x1;
	_ =	strace $0x80000046;
	[dreg:$0x1] =	wrdreg $0xFFFFFFFF  }
0xa9: {  	s28 =	simm.s32 $_size_execute0_lowered;
	s5 =	sadd.s32 s5, s6;
	[dreg:$0x0] =	wrdreg $0x0  }
0xaa: {  	s6 =	sshll.u32 s28, $0x1;
	[dreg:$0x2] =	wrdreg s5  }
0xab: {  	[dreg:$0x3] =	wrdreg s6  }
0xac: {  	[dreg:$0x4] =	wrdreg $0xC0  }
0xad: {  	_ =	task [dreg:s9], $0x5FFFF  }
0xae: {  	[dreg:$0x1] =	wrdreg $0xFFFFFFFF  }
0xaf: {  	[dreg:$0x0] =	wrdreg $0x60  }
0xb0: {  	[dreg:$0x2] =	wrdreg s2  }
0xb1: {  	[dreg:$0x3] =	wrdreg s19  }
0xb2: {  	[dreg:$0x4] =	wrdreg s4  }
0xb3: {  	[dreg:$0x5] =	wrdreg $0x1C7000  }
0xb4: {  	[dreg:$0x6] =	wrdreg $0x9  }
0xb5: {  	_ =	task.clear_ibuf [dreg:s9], $0x7FFFF;
	_ =	strace $0x90000046  }
0xb6: {  	s29 =	simm.s32 $0x9;
	_ =	strace $0x80000048  }
0xb7: {  	_ =	swait.ge [sflag:s29], $0x1  }
0xb8: {  	[sflag:s29] =	ssyncadd.s32 $0xFFFFFFFF  }
0xb9: {  	_ =	strace $0x90000048  }
0xba: {  	_ =	sfence  }
0xbb: {  	s30 =	sld [smem:$0x0];
	_ =	sdelay $0x2  }
0xbc: {  	s31 =	sshll.u32 s1, $0xD;
	s1 =	sshrl.u32 s1, $0x2  }
0xbd: {  	s3 =	sand.u32 $0x4000, s31;
	s1 =	sadd.s32 s1, s30  }
0xbe: {  	s0 =	sor.u32 s3, s0;
	s1 =	sshll.u32 s1, $0x11  }
0xbf: {  	s0 =	sor.u32 s1, s0  }
0xc0: {  	s0 =	sadd.s32 $0x8F2B, s0  }
0xc1: {  	[sflag:s0] =	ssyncadd.remote.s32 $0x1  }
0xc2: {  	_ =	sfence.sel $0xFFFF  }
0xc3: {  	[dreg:$0x0] =	wrdreg $0xFFFFFFFF;
	(pc) =	sbr.abs _section_cstart, $3  }
0xc4: {  	[dreg:$0x1] =	wrdreg $0xFFFFFFFF  }
0xc5: {  	_ =	task.clear_ibuf [dreg:s9], $0x2FFFF;
	_ =	strace $0x9FFFFFFF  }
0xc6: {  	(tm) =	ssettm $0x7FFFFFFF  }
0xc7: {  	_ =	shalt  }
tec
execute0_lowered:
.L_overlay_start_1:
0x0: {  	(tag) =	ssettag $0x1  }
0x1: {  	s0 =	rddreg [dreg:$0x0]  }
0x2: {  	s4 =	rddreg [dreg:$0x1]  }
0x3: {  	s1 =	rddreg [dreg:$0x2]  }
0x4: {  	s2 =	rddreg [dreg:$0x3];
	s5 =	srdreg.scid;
	s3 =	simm.s32 $0x0  }
0x5: {  	s16 =	stileid.u32;
	s5 =	sand.u32 $0x1, s5;
	[smem:$0x7FF] =	sst s3  }
0x6: {  	s8 =	sshrl.u32 s16, $0x2;
	s24 =	sshll.u32 s16, $0x8;
	s10 =	sshll.u32 s16, $0xC  }
0x7: {  	s11 =	sshll.u32 s16, $0x7;
	s14 =	sshll.u32 s16, $0x4;
	s22 =	sadd.s32 $0x1000, s2  }
0x8: {  	s23 =	sadd.s32 $0x8000, s1;
	p0 =	sgt.u32 s16, $0x1;
	s6 =	ssub.s32 $0x2, s5  }
0x9: {  	_ =	strace $0x80000047;
	s9 =	smul.u32 $0xC3800, s8;
	[dreg:$0xa] =	wrdreg s22  }
0xa: {  	s19 =	sor.u32 $0x4, s8;
	s8 =	sshll.u32 s8, $0xF;
	[dreg:$0xc] =	wrdreg s23  }
0xb: {  	s25 =	sor.u32 s11, s10;
	s17 =	sadd.s32 s10, s2;
	[dreg:$0xb] =	wrdreg s8  }
0xc: {  	s12 =	sor.u32 $0x10000, s10;
	s20 =	sadd.s32 $0x30000, s17;
	[dreg:$0x6] =	wrdreg s17  }
0xd: {  	s13 =	sor.u32 s11, s12;
	s8 =	sadd.s32 $0x300, s17;
	[dreg:$0x9] =	wrdreg s20  }
0xe: {  	s18 =	sadd.s32 s12, s2;
	s12 =	sadd.s32 $0x380, s17;
	[dreg:$0x15] =	wrdreg s8  }
0xf: {  	s31 =	sor.u32 $0x20000, s10;
	s16 =	sadd.s32 $0x500, s17;
	[dreg:$0x16] =	wrdreg s12  }
0x10: {  	s7 =	sshrl.u32 s6, $0x1;
	s22 =	sadd.s32 $0x700, s17;
	[dreg:$0x19] =	wrdreg s16  }
0x11: {  	s15 =	sor.u32 s11, s31;
	s23 =	sadd.s32 $0x780, s17;
	[dreg:$0x1d] =	wrdreg s22  }
0x12: {  	s6 =	ssub.s32 s6, s7;
	s7 =	sand.u32 $0x300, s24;
	[dreg:$0x1e] =	wrdreg s23  }
0x13: {  	s10 =	sand.u32 $0x28380, s15;
	s24 =	sshll.u32 s19, $0xF;
	[dreg:$0x7] =	wrdreg s18  }
0x14: {  	s15 =	smul.u32 $0xC3800, s19;
	s19 =	sadd.s32 $0x580, s17;
	[dreg:$0xe] =	wrdreg s24  }
0x15: {  	s20 =	sadd.s32 $0x600, s17;
	[dreg:$0x1a] =	wrdreg s19  }
0x16: {  	s8 =	sadd.s32 $0xB80, s17;
	[dreg:$0x1b] =	wrdreg s20  }
0x17: {  	s12 =	sadd.s32 $0xC00, s17;
	[smem:$0x75A] =	sst s8  }
0x18: {  	s16 =	sadd.s32 $0xD80, s17;
	[smem:$0x75B] =	sst s12  }
0x19: {  	s22 =	sadd.s32 $0xF80, s17;
	[smem:$0x75E] =	sst s16  }
0x1a: {  	s23 =	sadd.s32 $0x80, s18;
	[smem:$0x762] =	sst s22  }
0x1b: {  	s24 =	sadd.s32 $0x800, s17;
	[smem:$0x763] =	sst s23  }
0x1c: {  	s19 =	sadd.s32 $0xE00, s17;
	[dreg:$0x1f] =	wrdreg s24  }
0x1d: {  	s20 =	sadd.s32 $0xE80, s17;
	[smem:$0x75F] =	sst s19  }
0x1e: {  	s5 =	sshll.u32 s5, $0x7;
	s8 =	sadd.s32 $0x480, s18;
	[smem:$0x760] =	sst s20  }
0x1f: {  	s5 =	sor.u32 s5, s7;
	s12 =	sadd.s32 $0x500, s18;
	[smem:$0x76B] =	sst s8  }
0x20: {  	s10 =	sshrl.u32 s10, $0x3;
	s16 =	sadd.s32 $0x680, s18;
	[smem:$0x76C] =	sst s12  }
0x21: {  	s22 =	sadd.s32 $0x880, s18;
	s23 =	sadd.s32 $0x900, s18;
	[smem:$0x76F] =	sst s16  }
0x22: {  	s7 =	sor.u32 s9, s5;
	s9 =	sand.u32 $0x8380, s25;
	[smem:$0x773] =	sst s22  }
0x23: {  	s11 =	sadd.s32 s0, s10;
	s25 =	smax.u32 s6, $0x1;
	[smem:$0x774] =	sst s23  }
0x24: {  	s10 =	sadd.s32 s31, s2;
	s31 =	sadd.s32 $0x180, s17;
	[dreg:$0xf] =	wrdreg s25  }
0x25: {  	s6 =	sadd.s32 $0x280, s17;
	[dreg:$0x12] =	wrdreg s31  }
0x26: {  	s21 =	sor.u32 s5, s15;
	s15 =	sadd.s32 $0x480, s17;
	[dreg:$0x14] =	wrdreg s6  }
0x27: {  	s24 =	sadd.s32 $0x100, s18;
	[dreg:$0x18] =	wrdreg s15  }
0x28: {  	s19 =	sadd.s32 $0x700, s18;
	[smem:$0x764] =	sst s24  }
0x29: {  	s20 =	sadd.s32 $0x780, s18;
	[smem:$0x770] =	sst s19  }
0x2a: {  	s8 =	sadd.s32 $0xD00, s18;
	[smem:$0x771] =	sst s20  }
0x2b: {  	s12 =	sadd.s32 $0xD80, s18;
	[smem:$0x77C] =	sst s8  }
0x2c: {  	s16 =	sadd.s32 $0xF00, s18;
	[smem:$0x77D] =	sst s12  }
0x2d: {  	s30 =	sand.u32 $0x18380, s13;
	s26 =	sshrl.u32 s9, $0x3;
	[smem:$0x780] =	sst s16  }
0x2e: {  	s9 =	sshrl.u32 s30, $0x3;
	s30 =	sadd.s32 $0x100, s17;
	[dreg:$0x8] =	wrdreg s10  }
0x2f: {  	s25 =	sadd.s32 $0x880, s17;
	[dreg:$0x11] =	wrdreg s30  }
0x30: {  	s31 =	sadd.s32 $0xA00, s17;
	[smem:$0x754] =	sst s25  }
0x31: {  	s6 =	sadd.s32 $0xB00, s17;
	[smem:$0x757] =	sst s31  }
0x32: {  	s15 =	sadd.s32 $0xD00, s17;
	[smem:$0x759] =	sst s6  }
0x33: {  	s24 =	sadd.s32 $0x980, s18;
	[smem:$0x75D] =	sst s15  }
0x34: {  	s19 =	sadd.s32 $0xF80, s18;
	[smem:$0x775] =	sst s24  }
0x35: {  	s20 =	sadd.s32 $0x80, s10;
	[smem:$0x781] =	sst s19  }
0x36: {  	s22 =	sadd.s32 $0x180, s10;
	[smem:$0x782] =	sst s20  }
0x37: {  	s23 =	sadd.s32 $0x200, s10;
	[smem:$0x784] =	sst s22  }
0x38: {  	s8 =	sadd.s32 $0x600, s10;
	[smem:$0x785] =	sst s23  }
0x39: {  	s12 =	sadd.s32 $0x680, s10;
	[smem:$0x78D] =	sst s8  }
0x3a: {  	s7 =	sshrl.u32 s7, $0x3;
	s16 =	sadd.s32 $0x800, s10;
	[smem:$0x78E] =	sst s12  }
0x3b: {  	s7 =	sadd.s32 s4, s7;
	[smem:$0x791] =	sst s16  }
0x3c: {  	s30 =	sadd.s32 $0x980, s17;
	[dreg:$0x5] =	wrdreg s7  }
0x3d: {  	s25 =	sadd.s32 $0x180, s18;
	[smem:$0x756] =	sst s30  }
0x3e: {  	s31 =	sadd.s32 $0x300, s18;
	[smem:$0x765] =	sst s25  }
0x3f: {  	s6 =	sadd.s32 $0x400, s18;
	[smem:$0x768] =	sst s31  }
0x40: {  	s15 =	sadd.s32 $0x600, s18;
	[smem:$0x76A] =	sst s6  }
0x41: {  	s24 =	sadd.s32 $0x280, s10;
	[smem:$0x76E] =	sst s15  }
0x42: {  	s19 =	sadd.s32 $0x900, s10;
	[smem:$0x786] =	sst s24  }
0x43: {  	s20 =	sadd.s32 $0x980, s10;
	[smem:$0x793] =	sst s19  }
0x44: {  	s22 =	sadd.s32 $0xA80, s10;
	[smem:$0x794] =	sst s20  }
0x45: {  	s23 =	sadd.s32 $0xB00, s10;
	[smem:$0x796] =	sst s22  }
0x46: {  	s8 =	sadd.s32 $0xF00, s10;
	[smem:$0x797] =	sst s23  }
0x47: {  	s12 =	sadd.s32 $0xF80, s10;
	[smem:$0x79F] =	sst s8  }
0x48: {  	s9 =	sadd.s32 s0, s9;
	s16 =	sadd.s32 $0x30180, s17;
	[smem:$0x7A0] =	sst s12  }
0x49: {  	s7 =	sadd.s32 s0, s26;
	s26 =	sadd.s32 $0x80, s17;
	[smem:$0x7A3] =	sst s16  }
0x4a: {  	s0 =	sadd.s32 s14, s0;
	s14 =	sadd.s32 $0x400, s17;
	[dreg:$0x10] =	wrdreg s26  }
0x4b: {  	s30 =	sadd.s32 $0x280, s18;
	[dreg:$0x17] =	wrdreg s14  }
0x4c: {  	s25 =	sadd.s32 $0xA00, s18;
	[smem:$0x767] =	sst s30  }
0x4d: {  	s31 =	sadd.s32 $0xB80, s18;
	[smem:$0x776] =	sst s25  }
0x4e: {  	s6 =	sadd.s32 $0xC80, s18;
	[smem:$0x779] =	sst s31  }
0x4f: {  	s15 =	sadd.s32 $0xE80, s18;
	[smem:$0x77B] =	sst s6  }
0x50: {  	s24 =	sadd.s32 $0xB80, s10;
	[smem:$0x77F] =	sst s15  }
0x51: {  	s19 =	sadd.s32 $0x30280, s17;
	[smem:$0x798] =	sst s24  }
0x52: {  	s20 =	sadd.s32 $0x30300, s17;
	[smem:$0x7A5] =	sst s19  }
0x53: {  	s22 =	sadd.s32 $0x30400, s17;
	[smem:$0x7A6] =	sst s20  }
0x54: {  	s23 =	sadd.s32 $0x30480, s17;
	[smem:$0x7A8] =	sst s22  }
0x55: {  	s8 =	sadd.s32 $0x30880, s17;
	[smem:$0x7A9] =	sst s23  }
0x56: {  	s12 =	sadd.s32 $0x30980, s17;
	[smem:$0x7B1] =	sst s8  }
0x57: {  	s16 =	sadd.s32 $0x30B00, s17;
	s13 =	sadd.s32 $0x6000, s0;
	[smem:$0x7B3] =	sst s12  }
0x58: {  	s0 =	sshrl.u32 s21, $0x3;
	s21 =	sadd.s32 $0x680, s17;
	[smem:$0x7B6] =	sst s16  }
0x59: {  	s26 =	sadd.s32 $0x900, s17;
	[dreg:$0x1c] =	wrdreg s21  }
0x5a: {  	s14 =	sadd.s32 $0xC80, s17;
	[smem:$0x755] =	sst s26  }
0x5b: {  	s30 =	sadd.s32 $0xB00, s18;
	[smem:$0x75C] =	sst s14  }
0x5c: {  	s25 =	sadd.s32 $0x300, s10;
	[smem:$0x778] =	sst s30  }
0x5d: {  	s31 =	sadd.s32 $0x480, s10;
	[smem:$0x787] =	sst s25  }
0x5e: {  	s6 =	sadd.s32 $0x580, s10;
	[smem:$0x78A] =	sst s31  }
0x5f: {  	s15 =	sadd.s32 $0x780, s10;
	[smem:$0x78C] =	sst s6  }
0x60: {  	s24 =	sadd.s32 $0x30500, s17;
	[smem:$0x790] =	sst s15  }
0x61: {  	s19 =	sadd.s32 $0x30C00, s17;
	[smem:$0x7AA] =	sst s24  }
0x62: {  	s20 =	sadd.s32 $0x30C80, s17;
	[smem:$0x7B8] =	sst s19  }
0x63: {  	s22 =	sadd.s32 $0x30D80, s17;
	[smem:$0x7B9] =	sst s20  }
0x64: {  	s23 =	sadd.s32 $0x30E00, s17;
	[smem:$0x7BB] =	sst s22  }
0x65: {  	s8 =	sadd.s32 $0x280, s2;
	[smem:$0x7BC] =	sst s23  }
0x66: {  	s12 =	sadd.s32 $0x380, s2;
	[smem:$0x7C4] =	sst s8  }
0x67: {  	s16 =	sadd.s32 $0x500, s2;
	[smem:$0x7C6] =	sst s12  }
0x68: {  	s0 =	sadd.s32 s4, s0;
	[smem:$0x7C9] =	sst s16  }
0x69: {  	s4 =	sadd.s32 $0x200, s17;
	[dreg:$0xd] =	wrdreg s0  }
0x6a: {  	s21 =	sadd.s32 $0xF00, s17;
	[dreg:$0x13] =	wrdreg s4  }
0x6b: {  	s26 =	sadd.s32 $0x200, s18;
	[smem:$0x761] =	sst s21  }
0x6c: {  	s14 =	sadd.s32 $0x580, s18;
	[smem:$0x766] =	sst s26  }
0x6d: {  	s30 =	sadd.s32 $0x400, s10;
	[smem:$0x76D] =	sst s14  }
0x6e: {  	s25 =	sadd.s32 $0xC00, s10;
	[smem:$0x789] =	sst s30  }
0x6f: {  	s31 =	sadd.s32 $0xD80, s10;
	[smem:$0x799] =	sst s25  }
0x70: {  	s6 =	sadd.s32 $0xE80, s10;
	[smem:$0x79C] =	sst s31  }
0x71: {  	s15 =	sadd.s32 $0x30100, s17;
	[smem:$0x79E] =	sst s6  }
0x72: {  	s24 =	sadd.s32 $0x30E80, s17;
	[smem:$0x7A2] =	sst s15  }
0x73: {  	s19 =	sadd.s32 $0x680, s2;
	[smem:$0x7BD] =	sst s24  }
0x74: {  	s20 =	sadd.s32 $0x700, s2;
	[smem:$0x7CC] =	sst s19  }
0x75: {  	s22 =	sadd.s32 $0x800, s2;
	[smem:$0x7CD] =	sst s20  }
0x76: {  	s23 =	sadd.s32 $0x880, s2;
	[smem:$0x7CF] =	sst s22  }
0x77: {  	s8 =	sadd.s32 $0xC80, s2;
	[smem:$0x7D0] =	sst s23  }
0x78: {  	s12 =	sadd.s32 $0xD80, s2;
	[smem:$0x7D8] =	sst s8  }
0x79: {  	s16 =	sadd.s32 $0xF00, s2;
	[smem:$0x7DA] =	sst s12  }
0x7a: {  	s4 =	sadd.s32 $0xA80, s17;
	[smem:$0x7DD] =	sst s16  }
0x7b: {  	s21 =	sadd.s32 $0x800, s18;
	[smem:$0x758] =	sst s4  }
0x7c: {  	s26 =	sadd.s32 $0xA80, s18;
	[smem:$0x772] =	sst s21  }
0x7d: {  	s14 =	sadd.s32 $0xE00, s18;
	[smem:$0x777] =	sst s26  }
0x7e: {  	s30 =	sadd.s32 $0xD00, s10;
	[smem:$0x77E] =	sst s14  }
0x7f: {  	s25 =	sadd.s32 $0x30580, s17;
	[smem:$0x79B] =	sst s30  }
0x80: {  	s31 =	sadd.s32 $0x30700, s17;
	[smem:$0x7AB] =	sst s25  }
0x81: {  	s6 =	sadd.s32 $0x30800, s17;
	[smem:$0x7AE] =	sst s31  }
0x82: {  	s15 =	sadd.s32 $0x30A80, s17;
	[smem:$0x7B0] =	sst s6  }
0x83: {  	s24 =	sadd.s32 $0x900, s2;
	[smem:$0x7B5] =	sst s15  }
0x84: {  	s19 =	sadd.s32 $0x1100, s2;
	[smem:$0x7D1] =	sst s24  }
0x85: {  	s20 =	sadd.s32 $0x1180, s2;
	[smem:$0x7E0] =	sst s19  }
0x86: {  	s22 =	sadd.s32 $0x1280, s2;
	[smem:$0x7E1] =	sst s20  }
0x87: {  	s23 =	sadd.s32 $0x1300, s2;
	[smem:$0x7E3] =	sst s22  }
0x88: {  	s8 =	sadd.s32 $0x1700, s2;
	[smem:$0x7E4] =	sst s23  }
0x89: {  	s12 =	sadd.s32 $0x1800, s2;
	[smem:$0x7EC] =	sst s8  }
0x8a: {  	s16 =	sadd.s32 $0x1980, s2;
	[smem:$0x7EE] =	sst s12  }
0x8b: {  	s4 =	sadd.s32 $0x380, s18;
	[smem:$0x7F1] =	sst s16  }
0x8c: {  	s21 =	sadd.s32 $0x100, s10;
	[smem:$0x769] =	sst s4  }
0x8d: {  	s26 =	sadd.s32 $0x380, s10;
	[smem:$0x783] =	sst s21  }
0x8e: {  	s14 =	sadd.s32 $0x700, s10;
	[smem:$0x788] =	sst s26  }
0x8f: {  	s30 =	sadd.s32 $0x30680, s17;
	[smem:$0x78F] =	sst s14  }
0x90: {  	s25 =	sadd.s32 $0x30F00, s17;
	[smem:$0x7AD] =	sst s30  }
0x91: {  	s31 =	sadd.s32 $0x100, s2;
	[smem:$0x7BE] =	sst s25  }
0x92: {  	s6 =	sadd.s32 $0x200, s2;
	[smem:$0x7C1] =	sst s31  }
0x93: {  	s15 =	sadd.s32 $0x480, s2;
	[smem:$0x7C3] =	sst s6  }
0x94: {  	s24 =	sadd.s32 $0x1380, s2;
	[smem:$0x7C8] =	sst s15  }
0x95: {  	s19 =	sadd.s32 $0x1B00, s2;
	[smem:$0x7E5] =	sst s24  }
0x96: {  	s20 =	sadd.s32 $0x1B80, s2;
	[smem:$0x7F4] =	sst s19  }
0x97: {  	s22 =	sadd.s32 $0x1C80, s2;
	[smem:$0x7F5] =	sst s20  }
0x98: {  	s23 =	sadd.s32 $0x1D00, s2;
	[smem:$0x7F7] =	sst s22  }
0x99: {  	s4 =	sadd.s32 $0xC00, s18;
	[smem:$0x7F8] =	sst s23  }
0x9a: {  	s18 =	sadd.s32 $0x880, s10;
	[smem:$0x77A] =	sst s4  }
0x9b: {  	s21 =	sadd.s32 $0xA00, s10;
	[smem:$0x792] =	sst s18  }
0x9c: {  	s26 =	sadd.s32 $0xC80, s10;
	[smem:$0x795] =	sst s21  }
0x9d: {  	s14 =	sadd.s32 $0x30080, s17;
	[smem:$0x79A] =	sst s26  }
0x9e: {  	s30 =	sadd.s32 $0x80, s2;
	[smem:$0x7A1] =	sst s14  }
0x9f: {  	s25 =	sadd.s32 $0x980, s2;
	[smem:$0x7C0] =	sst s30  }
0xa0: {  	s31 =	sadd.s32 $0xB00, s2;
	[smem:$0x7D2] =	sst s25  }
0xa1: {  	s6 =	sadd.s32 $0xC00, s2;
	[smem:$0x7D5] =	sst s31  }
0xa2: {  	s15 =	sadd.s32 $0xE80, s2;
	[smem:$0x7D7] =	sst s6  }
0xa3: {  	s24 =	sadd.s32 $0x1D80, s2;
	[smem:$0x7DC] =	sst s15  }
0xa4: {  	s4 =	sadd.s32 $0x500, s10;
	[smem:$0x7F9] =	sst s24  }
0xa5: {  	s18 =	sadd.s32 $0x30200, s17;
	[smem:$0x78B] =	sst s4  }
0xa6: {  	s21 =	sadd.s32 $0x30380, s17;
	[smem:$0x7A4] =	sst s18  }
0xa7: {  	s26 =	sadd.s32 $0x30600, s17;
	[smem:$0x7A7] =	sst s21  }
0xa8: {  	s14 =	sadd.s32 $0x30A00, s17;
	[smem:$0x7AC] =	sst s26  }
0xa9: {  	s30 =	sadd.s32 $0xA80, s2;
	[smem:$0x7B4] =	sst s14  }
0xaa: {  	s25 =	sadd.s32 $0x1400, s2;
	[smem:$0x7D4] =	sst s30  }
0xab: {  	s31 =	sadd.s32 $0x1580, s2;
	[smem:$0x7E6] =	sst s25  }
0xac: {  	s6 =	sadd.s32 $0x1680, s2;
	[smem:$0x7E9] =	sst s31  }
0xad: {  	s15 =	sadd.s32 $0x1900, s2;
	[smem:$0x7EB] =	sst s6  }
0xae: {  	s4 =	sadd.s32 $0xE00, s10;
	[smem:$0x7F0] =	sst s15  }
0xaf: {  	s10 =	sadd.s32 $0x30900, s17;
	[smem:$0x79D] =	sst s4  }
0xb0: {  	s18 =	sadd.s32 $0x30B80, s17;
	[smem:$0x7B2] =	sst s10  }
0xb1: {  	s21 =	sadd.s32 $0x30D00, s17;
	[smem:$0x7B7] =	sst s18  }
0xb2: {  	s26 =	sadd.s32 $0x30F80, s17;
	[smem:$0x7BA] =	sst s21  }
0xb3: {  	s14 =	sadd.s32 $0x400, s2;
	[smem:$0x7BF] =	sst s26  }
0xb4: {  	s30 =	sadd.s32 $0x1500, s2;
	[smem:$0x7C7] =	sst s14  }
0xb5: {  	s25 =	sadd.s32 $0x1E00, s2;
	[smem:$0x7E8] =	sst s30  }
0xb6: {  	s31 =	sadd.s32 $0x1F80, s2;
	[smem:$0x7FA] =	sst s25  }
0xb7: {  	s4 =	sadd.s32 $0x30780, s17;
	[smem:$0x7FD] =	sst s31  }
0xb8: {  	s10 =	sadd.s32 $0x300, s2;
	[smem:$0x7AF] =	sst s4  }
0xb9: {  	s17 =	sadd.s32 $0x580, s2;
	[smem:$0x7C5] =	sst s10  }
0xba: {  	s18 =	sadd.s32 $0x600, s2;
	[smem:$0x7CA] =	sst s17  }
0xbb: {  	s21 =	sadd.s32 $0x780, s2;
	[smem:$0x7CB] =	sst s18  }
0xbc: {  	s26 =	sadd.s32 $0xA00, s2;
	[smem:$0x7CE] =	sst s21  }
0xbd: {  	s14 =	sadd.s32 $0xE00, s2;
	[smem:$0x7D3] =	sst s26  }
0xbe: {  	s30 =	sadd.s32 $0x1F00, s2;
	[smem:$0x7DB] =	sst s14  }
0xbf: {  	s4 =	sadd.s32 $0x180, s2;
	[smem:$0x7FC] =	sst s30  }
0xc0: {  	s29 =	simm.s32 $0x6;
	s10 =	sadd.s32 $0xD00, s2;
	[smem:$0x7C2] =	sst s4  }
0xc1: {  	s28 =	simm.s32 $0x5;
	s17 =	sadd.s32 $0xF80, s2;
	[smem:$0x7D9] =	sst s10  }
0xc2: {  	s16 =	simm.s32 $0x19B80;
	s18 =	sadd.s32 $0x1080, s2;
	[smem:$0x7DE] =	sst s17  }
0xc3: {  	s8 =	simm.s32 $0x1A480;
	s21 =	sadd.s32 $0x1200, s2;
	[smem:$0x7DF] =	sst s18  }
0xc4: {  	s19 =	simm.s32 $0x19D80;
	s26 =	sadd.s32 $0x1480, s2;
	[smem:$0x7E2] =	sst s21  }
0xc5: {  	s20 =	simm.s32 $0x1A180;
	s14 =	sadd.s32 $0x1880, s2;
	[smem:$0x7E7] =	sst s26  }
0xc6: {  	s22 =	simm.s32 $0x1A380;
	s4 =	sadd.s32 $0xB80, s2;
	[smem:$0x7EF] =	sst s14  }
0xc7: {  	s23 =	simm.s32 $0x1A580;
	s10 =	sadd.s32 $0x1780, s2;
	[smem:$0x7D6] =	sst s4  }
0xc8: {  	s24 =	simm.s32 $0x1A680;
	s17 =	sadd.s32 $0x1A00, s2;
	[smem:$0x7ED] =	sst s10  }
0xc9: {  	s15 =	simm.s32 $0x19E80;
	s18 =	sadd.s32 $0x1A80, s2;
	[smem:$0x7F2] =	sst s17  }
.Ltmp0:
0xca: {  	s21 =	sadd.s32 $0x1C00, s2;
	[smem:$0x7F3] =	sst s18;
	(pc) =	sbr.rel .LBB2_1-.Ltmp0, $4  }
0xcb: {  	s6 =	simm.s32 $0x19F80;
	s26 =	sadd.s32 $0x1E80, s2;
	[smem:$0x7F6] =	sst s21  }
0xcc: {  	s25 =	simm.s32 $0x2;
	s4 =	sadd.s32 $0x1600, s2;
	[smem:$0x7FB] =	sst s26  }
0xcd: {  	s17 =	simm.s32 $0x19C80;
	s18 =	simm.s32 $0x1A080;
	s21 =	simm.s32 $0x1A280  }
0xce: {  	s26 =	simm.s32 $0x3;
	[smem:$0x7EA] =	sst s4;
	s4 =	simm.s32 $0x0  }
.LBB2_41:
0xcf: {  	s0 =	simm.s32 $0x4  }
0xd0: {  	_ =	swait.ge [sflag:s0], $0x1000  }
0xd1: {  	[sflag:s0] =	ssyncset.done $0x0  }
0xd2: {  	[sflag:s0] =	ssyncadd.s32 $0xFFFFF000  }
0xd3: {  	_ =	swait.ge [sflag:s28], $0x1000  }
0xd4: {  	s4 =	sld [smem:$0x753];
	_ =	sdelay $0x2  }
0xd5: {  	s31 =	rddreg [dreg:$0xf];
	s4 =	sadd.s32 $0x1, s4  }
0xd6: {  	p1 =	sne.s32 s4, s31  }
.Ltmp1:
0xd7: {  	_ = 	snop;
	(pc) =	sbr.rel @!p1 .LBB2_42-.Ltmp1, $3  }
0xd8: {  	_ =	sdelay $0x1  }
0xd9: {  	[sflag:s28] =	ssyncset.done $0x0  }
0xda: {  	s29 =	simm.s32 $0x6;
	[sflag:s28] =	ssyncadd.s32 $0xFFFFF000  }
.LBB2_1:
0xdb: {  	[smem:$0x753] =	sst s4  }
0xdc: {  	s0 =	rddreg [dreg:$0x5]  }
0xdd: {  	s31 =	simm.s32 $0x80;
	s10 =	simm.s32 $0x400;
	s14 =	sadd.s32 $0x0, s7  }
0xde: {  	[tilespmem:s3], [sflag:$0x1] =	stream.strided.gather [hbm4b:s0+s31], $0x18700, s10, s31, $0x38;
	[tilespmem:$0x1F900] =	vst v63  }
0xdf: {  	s4 =	simm.s32 $0x18800;
	s0 =	simm.s32 $0x80;
	s10 =	simm.s32 $0x18700  }
.LBB2_2:
0xe0: {  	[tilespmem:s10], [sflag:$0x6] =	stream.linear.gather [hbm4b:s14+s3], $0x80, $0x38;
	[tilespmem:$0x1F900] =	vst v63  }
0xe1: {  	s12 =	smov.u32 s0;
	s10 =	smov.u32 s4;
	p1 =	sne.s32 s0, $0xF80  }
.Ltmp2:
0xe2: {  	s0 =	sadd.s32 $0x80, s0;
	(pc) =	sbr.rel @p1 .LBB2_2-.Ltmp2, $2  }
0xe3: {  	_ =	sdelay $0x2  }
0xe4: {  	s4 =	sadd.s32 $0x100, s4;
	s14 =	sadd.s32 s12, s7  }
0xe5: {  	[tilespmem:s10], [sflag:$0x6] =	stream.linear.gather [hbm4b:s14+s3], $0x80, $0x38;
	[tilespmem:$0x1F900] =	vst v63  }
0xe6: {  	_ =	swait.ge [sflag:s29], $0x1000  }
0xe7: {  	[sflag:s29] =	ssyncset.done $0x0;
	s0 =	rddreg [dreg:$0x6]  }
0xe8: {  	s4 =	simm.s32 $0x18700;
	s30 =	rddreg [dreg:$0x10];
	[sflag:s29] =	ssyncadd.s32 $0xFFFFF000  }
0xe9: {  	[spmem:s0] =	stream.linear.scatter [tilespmem:s4], [sflag:$0x6], $0x80, $0x38;
	[tilespmem:$0x1F900] =	vst v63  }
0xea: {  	s31 =	simm.s32 $0x18800;
	s12 =	rddreg [dreg:$0x12]  }
0xeb: {  	[spmem:s30] =	stream.linear.scatter [tilespmem:s31], [sflag:$0x6], $0x80, $0x38;
	[tilespmem:$0x1F900] =	vst v63  }
0xec: {  	s10 =	simm.s32 $0x18900;
	s4 =	rddreg [dreg:$0x11]  }
0xed: {  	[spmem:s4] =	stream.linear.scatter [tilespmem:s10], [sflag:$0x6], $0x80, $0x38;
	[tilespmem:$0x1F900] =	vst v63  }
0xee: {  	s14 =	simm.s32 $0x18A00;
	s30 =	rddreg [dreg:$0x13]  }
0xef: {  	[spmem:s12] =	stream.linear.scatter [tilespmem:s14], [sflag:$0x6], $0x80, $0x38;
	[tilespmem:$0x1F900] =	vst v63  }
0xf0: {  	s31 =	simm.s32 $0x18B00;
	s4 =	rddreg [dreg:$0x14]  }
0xf1: {  	[spmem:s30] =	stream.linear.scatter [tilespmem:s31], [sflag:$0x6], $0x80, $0x38;
	[tilespmem:$0x1F900] =	vst v63  }
0xf2: {  	s10 =	simm.s32 $0x18C00;
	s12 =	rddreg [dreg:$0x15]  }
0xf3: {  	[spmem:s4] =	stream.linear.scatter [tilespmem:s10], [sflag:$0x6], $0x80, $0x38;
	[tilespmem:$0x1F900] =	vst v63  }
0xf4: {  	s14 =	simm.s32 $0x18D00;
	s30 =	rddreg [dreg:$0x16]  }
0xf5: {  	[spmem:s12] =	stream.linear.scatter [tilespmem:s14], [sflag:$0x6], $0x80, $0x38;
	[tilespmem:$0x1F900] =	vst v63  }
0xf6: {  	s31 =	simm.s32 $0x18E00;
	s4 =	rddreg [dreg:$0x17]  }
0xf7: {  	[spmem:s30] =	stream.linear.scatter [tilespmem:s31], [sflag:$0x6], $0x80, $0x38;
	[tilespmem:$0x1F900] =	vst v63  }
0xf8: {  	s10 =	simm.s32 $0x18F00;
	s12 =	rddreg [dreg:$0x18]  }
0xf9: {  	[spmem:s4] =	stream.linear.scatter [tilespmem:s10], [sflag:$0x6], $0x80, $0x38;
	[tilespmem:$0x1F900] =	vst v63  }
0xfa: {  	s14 =	simm.s32 $0x19000;
	s30 =	rddreg [dreg:$0x19]  }
0xfb: {  	[spmem:s12] =	stream.linear.scatter [tilespmem:s14], [sflag:$0x6], $0x80, $0x38;
	[tilespmem:$0x1F900] =	vst v63  }
0xfc: {  	s31 =	simm.s32 $0x19100;
	s4 =	rddreg [dreg:$0x1a]  }
0xfd: {  	[spmem:s30] =	stream.linear.scatter [tilespmem:s31], [sflag:$0x6], $0x80, $0x38;
	[tilespmem:$0x1F900] =	vst v63  }
0xfe: {  	s10 =	simm.s32 $0x19200;
	s12 =	rddreg [dreg:$0x1b]  }
0xff: {  	[spmem:s4] =	stream.linear.scatter [tilespmem:s10], [sflag:$0x6], $0x80, $0x38;
	[tilespmem:$0x1F900] =	vst v63  }
0x100: {  	s14 =	simm.s32 $0x19300;
	s30 =	rddreg [dreg:$0x1c]  }
0x101: {  	[spmem:s12] =	stream.linear.scatter [tilespmem:s14], [sflag:$0x6], $0x80, $0x38;
	[tilespmem:$0x1F900] =	vst v63  }
0x102: {  	s31 =	simm.s32 $0x19400;
	s4 =	rddreg [dreg:$0x1d]  }
0x103: {  	[spmem:s30] =	stream.linear.scatter [tilespmem:s31], [sflag:$0x6], $0x80, $0x38;
	[tilespmem:$0x1F900] =	vst v63  }
0x104: {  	s10 =	simm.s32 $0x19500;
	s12 =	rddreg [dreg:$0x1e]  }
0x105: {  	[spmem:s4] =	stream.linear.scatter [tilespmem:s10], [sflag:$0x6], $0x80, $0x38;
	[tilespmem:$0x1F900] =	vst v63  }
0x106: {  	s14 =	simm.s32 $0x19600;
	s30 =	rddreg [dreg:$0x1f]  }
0x107: {  	[spmem:s12] =	stream.linear.scatter [tilespmem:s14], [sflag:$0x6], $0x80, $0x38;
	[tilespmem:$0x1F900] =	vst v63  }
0x108: {  	s31 =	simm.s32 $0x19700;
	s4 =	sld [smem:$0x754]  }
0x109: {  	[spmem:s30] =	stream.linear.scatter [tilespmem:s31], [sflag:$0x6], $0x80, $0x38;
	[tilespmem:$0x1F900] =	vst v63  }
0x10a: {  	s10 =	simm.s32 $0x19800;
	s12 =	sld [smem:$0x755]  }
0x10b: {  	[spmem:s4] =	stream.linear.scatter [tilespmem:s10], [sflag:$0x6], $0x80, $0x38;
	[tilespmem:$0x1F900] =	vst v63  }
0x10c: {  	s14 =	simm.s32 $0x19900;
	s30 =	sld [smem:$0x756]  }
0x10d: {  	[spmem:s12] =	stream.linear.scatter [tilespmem:s14], [sflag:$0x6], $0x80, $0x38;
	[tilespmem:$0x1F900] =	vst v63  }
0x10e: {  	s31 =	simm.s32 $0x19A00;
	s4 =	sld [smem:$0x757]  }
0x10f: {  	[spmem:s30] =	stream.linear.scatter [tilespmem:s31], [sflag:$0x6], $0x80, $0x38;
	[tilespmem:$0x1F900] =	vst v63  }
0x110: {  	s10 =	simm.s32 $0x19B00;
	s12 =	sld [smem:$0x758]  }
0x111: {  	[spmem:s4] =	stream.linear.scatter [tilespmem:s10], [sflag:$0x6], $0x80, $0x38;
	[tilespmem:$0x1F900] =	vst v63  }
0x112: {  	s14 =	simm.s32 $0x19C00;
	s30 =	sld [smem:$0x759]  }
0x113: {  	[spmem:s12] =	stream.linear.scatter [tilespmem:s14], [sflag:$0x6], $0x80, $0x38;
	[tilespmem:$0x1F900] =	vst v63  }
0x114: {  	s31 =	simm.s32 $0x19D00;
	s4 =	sld [smem:$0x75A]  }
0x115: {  	[spmem:s30] =	stream.linear.scatter [tilespmem:s31], [sflag:$0x6], $0x80, $0x38;
	[tilespmem:$0x1F900] =	vst v63  }
0x116: {  	s10 =	simm.s32 $0x19E00;
	s12 =	sld [smem:$0x75B]  }
0x117: {  	[spmem:s4] =	stream.linear.scatter [tilespmem:s10], [sflag:$0x6], $0x80, $0x38;
	[tilespmem:$0x1F900] =	vst v63  }
0x118: {  	s14 =	simm.s32 $0x19F00;
	s30 =	sld [smem:$0x75C]  }
0x119: {  	[spmem:s12] =	stream.linear.scatter [tilespmem:s14], [sflag:$0x6], $0x80, $0x38;
	[tilespmem:$0x1F900] =	vst v63  }
0x11a: {  	s31 =	simm.s32 $0x1A000;
	s4 =	sld [smem:$0x75D]  }
0x11b: {  	[spmem:s30] =	stream.linear.scatter [tilespmem:s31], [sflag:$0x6], $0x80, $0x38;
	[tilespmem:$0x1F900] =	vst v63  }
0x11c: {  	s10 =	simm.s32 $0x1A100;
	s12 =	sld [smem:$0x75E]  }
0x11d: {  	[spmem:s4] =	stream.linear.scatter [tilespmem:s10], [sflag:$0x6], $0x80, $0x38;
	[tilespmem:$0x1F900] =	vst v63  }
0x11e: {  	s14 =	simm.s32 $0x1A200;
	s30 =	sld [smem:$0x75F]  }
0x11f: {  	[spmem:s12] =	stream.linear.scatter [tilespmem:s14], [sflag:$0x6], $0x80, $0x38;
	[tilespmem:$0x1F900] =	vst v63  }
0x120: {  	s31 =	simm.s32 $0x1A300;
	s4 =	sld [smem:$0x760]  }
0x121: {  	[spmem:s30] =	stream.linear.scatter [tilespmem:s31], [sflag:$0x6], $0x80, $0x38;
	[tilespmem:$0x1F900] =	vst v63  }
0x122: {  	s10 =	simm.s32 $0x1A400;
	s12 =	sld [smem:$0x761]  }
0x123: {  	[spmem:s4] =	stream.linear.scatter [tilespmem:s10], [sflag:$0x6], $0x80, $0x38;
	[tilespmem:$0x1F900] =	vst v63  }
0x124: {  	s14 =	simm.s32 $0x1A500;
	s30 =	sld [smem:$0x762]  }
0x125: {  	[spmem:s12] =	stream.linear.scatter [tilespmem:s14], [sflag:$0x6], $0x80, $0x38;
	[tilespmem:$0x1F900] =	vst v63  }
0x126: {  	s31 =	simm.s32 $0x1A600  }
0x127: {  	[spmem:s30] =	stream.linear.scatter [tilespmem:s31], [sflag:$0x6], $0x80, $0x38;
	[tilespmem:$0x1F900] =	vst v63  }
0x128: {  	_ =	swait.ge [sflag:s29], $0x1000  }
0x129: {  	s0 =	simm.s32 $0x18780;
	s4 =	simm.s32 $0x80;
	[sflag:s29] =	ssyncset.done $0x0  }
0x12a: {  	s10 =	sadd.s32 $0x0, s9;
	s14 =	simm.s32 $0x18880;
	[sflag:s29] =	ssyncadd.s32 $0xFFFFF000  }
.LBB2_4:
0x12b: {  	[tilespmem:s0], [sflag:$0x6] =	stream.linear.gather [hbm4b:s10+s3], $0x80, $0x38;
	[tilespmem:$0x1F900] =	vst v63  }
0x12c: {  	s10 =	smov.u32 s4;
	s0 =	smov.u32 s14;
	p1 =	sne.s32 s4, $0xF80  }
.Ltmp3:
0x12d: {  	s4 =	sadd.s32 $0x80, s4;
	(pc) =	sbr.rel @p1 .LBB2_4-.Ltmp3, $2  }
0x12e: {  	_ =	sdelay $0x2  }
0x12f: {  	s14 =	sadd.s32 $0x100, s14;
	s10 =	sadd.s32 s10, s9  }
0x130: {  	[tilespmem:s0], [sflag:$0x6] =	stream.linear.gather [hbm4b:s10+s3], $0x80, $0x38;
	[tilespmem:$0x1F900] =	vst v63  }
0x131: {  	_ =	swait.ge [sflag:s29], $0x1000  }
0x132: {  	[sflag:s29] =	ssyncset.done $0x0;
	s14 =	rddreg [dreg:$0x7]  }
0x133: {  	s4 =	simm.s32 $0x18780;
	s30 =	sld [smem:$0x763];
	[sflag:s29] =	ssyncadd.s32 $0xFFFFF000  }
0x134: {  	[spmem:s14] =	stream.linear.scatter [tilespmem:s4], [sflag:$0x6], $0x80, $0x38;
	[tilespmem:$0x1F900] =	vst v63  }
0x135: {  	s31 =	simm.s32 $0x18880;
	s4 =	sld [smem:$0x764]  }
0x136: {  	[spmem:s30] =	stream.linear.scatter [tilespmem:s31], [sflag:$0x6], $0x80, $0x38;
	[tilespmem:$0x1F900] =	vst v63  }
0x137: {  	s10 =	simm.s32 $0x18980;
	s12 =	sld [smem:$0x765]  }
0x138: {  	[spmem:s4] =	stream.linear.scatter [tilespmem:s10], [sflag:$0x6], $0x80, $0x38;
	[tilespmem:$0x1F900] =	vst v63  }
0x139: {  	s14 =	simm.s32 $0x18A80;
	s30 =	sld [smem:$0x766]  }
0x13a: {  	[spmem:s12] =	stream.linear.scatter [tilespmem:s14], [sflag:$0x6], $0x80, $0x38;
	[tilespmem:$0x1F900] =	vst v63  }
0x13b: {  	s31 =	simm.s32 $0x18B80;
	s4 =	sld [smem:$0x767]  }
0x13c: {  	[spmem:s30] =	stream.linear.scatter [tilespmem:s31], [sflag:$0x6], $0x80, $0x38;
	[tilespmem:$0x1F900] =	vst v63  }
0x13d: {  	s10 =	simm.s32 $0x18C80;
	s12 =	sld [smem:$0x768]  }
0x13e: {  	[spmem:s4] =	stream.linear.scatter [tilespmem:s10], [sflag:$0x6], $0x80, $0x38;
	[tilespmem:$0x1F900] =	vst v63  }
0x13f: {  	s14 =	simm.s32 $0x18D80;
	s30 =	sld [smem:$0x769]  }
0x140: {  	[spmem:s12] =	stream.linear.scatter [tilespmem:s14], [sflag:$0x6], $0x80, $0x38;
	[tilespmem:$0x1F900] =	vst v63  }
0x141: {  	s31 =	simm.s32 $0x18E80;
	s4 =	sld [smem:$0x76A]  }
0x142: {  	[spmem:s30] =	stream.linear.scatter [tilespmem:s31], [sflag:$0x6], $0x80, $0x38;
	[tilespmem:$0x1F900] =	vst v63  }
0x143: {  	s10 =	simm.s32 $0x18F80;
	s12 =	sld [smem:$0x76B]  }
0x144: {  	[spmem:s4] =	stream.linear.scatter [tilespmem:s10], [sflag:$0x6], $0x80, $0x38;
	[tilespmem:$0x1F900] =	vst v63  }
0x145: {  	s14 =	simm.s32 $0x19080;
	s30 =	sld [smem:$0x76C]  }
0x146: {  	[spmem:s12] =	stream.linear.scatter [tilespmem:s14], [sflag:$0x6], $0x80, $0x38;
	[tilespmem:$0x1F900] =	vst v63  }
0x147: {  	s31 =	simm.s32 $0x19180;
	s4 =	sld [smem:$0x76D]  }
0x148: {  	[spmem:s30] =	stream.linear.scatter [tilespmem:s31], [sflag:$0x6], $0x80, $0x38;
	[tilespmem:$0x1F900] =	vst v63  }
0x149: {  	s10 =	simm.s32 $0x19280;
	s12 =	sld [smem:$0x76E]  }
0x14a: {  	[spmem:s4] =	stream.linear.scatter [tilespmem:s10], [sflag:$0x6], $0x80, $0x38;
	[tilespmem:$0x1F900] =	vst v63  }
0x14b: {  	s14 =	simm.s32 $0x19380;
	s30 =	sld [smem:$0x76F]  }
0x14c: {  	[spmem:s12] =	stream.linear.scatter [tilespmem:s14], [sflag:$0x6], $0x80, $0x38;
	[tilespmem:$0x1F900] =	vst v63  }
0x14d: {  	s31 =	simm.s32 $0x19480;
	s4 =	sld [smem:$0x770]  }
0x14e: {  	[spmem:s30] =	stream.linear.scatter [tilespmem:s31], [sflag:$0x6], $0x80, $0x38;
	[tilespmem:$0x1F900] =	vst v63  }
0x14f: {  	s10 =	simm.s32 $0x19580;
	s12 =	sld [smem:$0x771]  }
0x150: {  	[spmem:s4] =	stream.linear.scatter [tilespmem:s10], [sflag:$0x6], $0x80, $0x38;
	[tilespmem:$0x1F900] =	vst v63  }
0x151: {  	s14 =	simm.s32 $0x19680;
	s30 =	sld [smem:$0x772]  }
0x152: {  	[spmem:s12] =	stream.linear.scatter [tilespmem:s14], [sflag:$0x6], $0x80, $0x38;
	[tilespmem:$0x1F900] =	vst v63  }
0x153: {  	s31 =	simm.s32 $0x19780;
	s4 =	sld [smem:$0x773]  }
0x154: {  	[spmem:s30] =	stream.linear.scatter [tilespmem:s31], [sflag:$0x6], $0x80, $0x38;
	[tilespmem:$0x1F900] =	vst v63  }
0x155: {  	s10 =	simm.s32 $0x19880;
	s12 =	sld [smem:$0x774]  }
0x156: {  	[spmem:s4] =	stream.linear.scatter [tilespmem:s10], [sflag:$0x6], $0x80, $0x38;
	[tilespmem:$0x1F900] =	vst v63  }
0x157: {  	s14 =	simm.s32 $0x19980;
	s30 =	sld [smem:$0x775]  }
0x158: {  	[spmem:s12] =	stream.linear.scatter [tilespmem:s14], [sflag:$0x6], $0x80, $0x38;
	[tilespmem:$0x1F900] =	vst v63  }
0x159: {  	s31 =	simm.s32 $0x19A80;
	s4 =	sld [smem:$0x776]  }
0x15a: {  	[spmem:s30] =	stream.linear.scatter [tilespmem:s31], [sflag:$0x6], $0x80, $0x38;
	[tilespmem:$0x1F900] =	vst v63  }
0x15b: {  	s10 =	sld [smem:$0x777]  }
0x15c: {  	[spmem:s4] =	stream.linear.scatter [tilespmem:s16], [sflag:$0x6], $0x80, $0x38;
	[tilespmem:$0x1F900] =	vst v63  }
0x15d: {  	s12 =	sld [smem:$0x778]  }
0x15e: {  	[spmem:s10] =	stream.linear.scatter [tilespmem:s17], [sflag:$0x6], $0x80, $0x38;
	[tilespmem:$0x1F900] =	vst v63  }
0x15f: {  	s14 =	sld [smem:$0x779]  }
0x160: {  	[spmem:s12] =	stream.linear.scatter [tilespmem:s19], [sflag:$0x6], $0x80, $0x38;
	[tilespmem:$0x1F900] =	vst v63  }
0x161: {  	s30 =	sld [smem:$0x77A]  }
0x162: {  	[spmem:s14] =	stream.linear.scatter [tilespmem:s15], [sflag:$0x6], $0x80, $0x38;
	[tilespmem:$0x1F900] =	vst v63  }
0x163: {  	s31 =	sld [smem:$0x77B]  }
0x164: {  	[spmem:s30] =	stream.linear.scatter [tilespmem:s6], [sflag:$0x6], $0x80, $0x38;
	[tilespmem:$0x1F900] =	vst v63  }
0x165: {  	s4 =	sld [smem:$0x77C]  }
0x166: {  	[spmem:s31] =	stream.linear.scatter [tilespmem:s18], [sflag:$0x6], $0x80, $0x38;
	[tilespmem:$0x1F900] =	vst v63  }
0x167: {  	s10 =	sld [smem:$0x77D]  }
0x168: {  	[spmem:s4] =	stream.linear.scatter [tilespmem:s20], [sflag:$0x6], $0x80, $0x38;
	[tilespmem:$0x1F900] =	vst v63  }
0x169: {  	s12 =	sld [smem:$0x77E]  }
0x16a: {  	[spmem:s10] =	stream.linear.scatter [tilespmem:s21], [sflag:$0x6], $0x80, $0x38;
	[tilespmem:$0x1F900] =	vst v63  }
0x16b: {  	s14 =	sld [smem:$0x77F]  }
0x16c: {  	[spmem:s12] =	stream.linear.scatter [tilespmem:s22], [sflag:$0x6], $0x80, $0x38;
	[tilespmem:$0x1F900] =	vst v63  }
0x16d: {  	s30 =	sld [smem:$0x780]  }
0x16e: {  	[spmem:s14] =	stream.linear.scatter [tilespmem:s8], [sflag:$0x6], $0x80, $0x38;
	[tilespmem:$0x1F900] =	vst v63  }
0x16f: {  	s31 =	sld [smem:$0x781]  }
0x170: {  	[spmem:s30] =	stream.linear.scatter [tilespmem:s23], [sflag:$0x6], $0x80, $0x38;
	[tilespmem:$0x1F900] =	vst v63  }
0x171: {  	_ = 	snop  }
0x172: {  	[spmem:s31] =	stream.linear.scatter [tilespmem:s24], [sflag:$0x6], $0x80, $0x38;
	[tilespmem:$0x1F900] =	vst v63  }
0x173: {  	_ =	swait.ge [sflag:s29], $0x1000  }
0x174: {  	s0 =	simm.s32 $0x18700;
	s4 =	simm.s32 $0x80;
	[sflag:s29] =	ssyncset.done $0x0  }
0x175: {  	s10 =	sadd.s32 $0x0, s11;
	s14 =	simm.s32 $0x18800;
	[sflag:s29] =	ssyncadd.s32 $0xFFFFF000  }
.LBB2_6:
0x176: {  	[tilespmem:s0], [sflag:$0x6] =	stream.linear.gather [hbm4b:s10+s3], $0x80, $0x38;
	[tilespmem:$0x1F900] =	vst v63  }
0x177: {  	s10 =	smov.u32 s4;
	s0 =	smov.u32 s14;
	p1 =	sne.s32 s4, $0xF80  }
.Ltmp4:
0x178: {  	s4 =	sadd.s32 $0x80, s4;
	(pc) =	sbr.rel @p1 .LBB2_6-.Ltmp4, $2  }
0x179: {  	_ =	sdelay $0x2  }
0x17a: {  	s14 =	sadd.s32 $0x100, s14;
	s10 =	sadd.s32 s10, s11  }
0x17b: {  	[tilespmem:s0], [sflag:$0x6] =	stream.linear.gather [hbm4b:s10+s3], $0x80, $0x38;
	[tilespmem:$0x1F900] =	vst v63  }
0x17c: {  	_ =	swait.ge [sflag:s29], $0x1000  }
0x17d: {  	[sflag:s29] =	ssyncset.done $0x0;
	s14 =	rddreg [dreg:$0x8]  }
0x17e: {  	s4 =	simm.s32 $0x18700;
	s30 =	sld [smem:$0x782];
	[sflag:s29] =	ssyncadd.s32 $0xFFFFF000  }
0x17f: {  	[spmem:s14] =	stream.linear.scatter [tilespmem:s4], [sflag:$0x6], $0x80, $0x38;
	[tilespmem:$0x1F900] =	vst v63  }
0x180: {  	s31 =	simm.s32 $0x18800;
	s4 =	sld [smem:$0x783]  }
0x181: {  	[spmem:s30] =	stream.linear.scatter [tilespmem:s31], [sflag:$0x6], $0x80, $0x38;
	[tilespmem:$0x1F900] =	vst v63  }
0x182: {  	s10 =	simm.s32 $0x18900;
	s12 =	sld [smem:$0x784]  }
0x183: {  	[spmem:s4] =	stream.linear.scatter [tilespmem:s10], [sflag:$0x6], $0x80, $0x38;
	[tilespmem:$0x1F900] =	vst v63  }
0x184: {  	s14 =	simm.s32 $0x18A00;
	s30 =	sld [smem:$0x785]  }
0x185: {  	[spmem:s12] =	stream.linear.scatter [tilespmem:s14], [sflag:$0x6], $0x80, $0x38;
	[tilespmem:$0x1F900] =	vst v63  }
0x186: {  	s31 =	simm.s32 $0x18B00;
	s4 =	sld [smem:$0x786]  }
0x187: {  	[spmem:s30] =	stream.linear.scatter [tilespmem:s31], [sflag:$0x6], $0x80, $0x38;
	[tilespmem:$0x1F900] =	vst v63  }
0x188: {  	s10 =	simm.s32 $0x18C00;
	s12 =	sld [smem:$0x787]  }
0x189: {  	[spmem:s4] =	stream.linear.scatter [tilespmem:s10], [sflag:$0x6], $0x80, $0x38;
	[tilespmem:$0x1F900] =	vst v63  }
0x18a: {  	s14 =	simm.s32 $0x18D00;
	s30 =	sld [smem:$0x788]  }
0x18b: {  	[spmem:s12] =	stream.linear.scatter [tilespmem:s14], [sflag:$0x6], $0x80, $0x38;
	[tilespmem:$0x1F900] =	vst v63  }
0x18c: {  	s31 =	simm.s32 $0x18E00;
	s4 =	sld [smem:$0x789]  }
0x18d: {  	[spmem:s30] =	stream.linear.scatter [tilespmem:s31], [sflag:$0x6], $0x80, $0x38;
	[tilespmem:$0x1F900] =	vst v63  }
0x18e: {  	s10 =	simm.s32 $0x18F00;
	s12 =	sld [smem:$0x78A]  }
0x18f: {  	[spmem:s4] =	stream.linear.scatter [tilespmem:s10], [sflag:$0x6], $0x80, $0x38;
	[tilespmem:$0x1F900] =	vst v63  }
0x190: {  	s14 =	simm.s32 $0x19000;
	s30 =	sld [smem:$0x78B]  }
0x191: {  	[spmem:s12] =	stream.linear.scatter [tilespmem:s14], [sflag:$0x6], $0x80, $0x38;
	[tilespmem:$0x1F900] =	vst v63  }
0x192: {  	s31 =	simm.s32 $0x19100;
	s4 =	sld [smem:$0x78C]  }
0x193: {  	[spmem:s30] =	stream.linear.scatter [tilespmem:s31], [sflag:$0x6], $0x80, $0x38;
	[tilespmem:$0x1F900] =	vst v63  }
0x194: {  	s10 =	simm.s32 $0x19200;
	s12 =	sld [smem:$0x78D]  }
0x195: {  	[spmem:s4] =	stream.linear.scatter [tilespmem:s10], [sflag:$0x6], $0x80, $0x38;
	[tilespmem:$0x1F900] =	vst v63  }
0x196: {  	s14 =	simm.s32 $0x19300;
	s30 =	sld [smem:$0x78E]  }
0x197: {  	[spmem:s12] =	stream.linear.scatter [tilespmem:s14], [sflag:$0x6], $0x80, $0x38;
	[tilespmem:$0x1F900] =	vst v63  }
0x198: {  	s31 =	simm.s32 $0x19400;
	s4 =	sld [smem:$0x78F]  }
0x199: {  	[spmem:s30] =	stream.linear.scatter [tilespmem:s31], [sflag:$0x6], $0x80, $0x38;
	[tilespmem:$0x1F900] =	vst v63  }
0x19a: {  	s10 =	simm.s32 $0x19500;
	s12 =	sld [smem:$0x790]  }
0x19b: {  	[spmem:s4] =	stream.linear.scatter [tilespmem:s10], [sflag:$0x6], $0x80, $0x38;
	[tilespmem:$0x1F900] =	vst v63  }
0x19c: {  	s14 =	simm.s32 $0x19600;
	s30 =	sld [smem:$0x791]  }
0x19d: {  	[spmem:s12] =	stream.linear.scatter [tilespmem:s14], [sflag:$0x6], $0x80, $0x38;
	[tilespmem:$0x1F900] =	vst v63  }
0x19e: {  	s31 =	simm.s32 $0x19700;
	s4 =	sld [smem:$0x792]  }
0x19f: {  	[spmem:s30] =	stream.linear.scatter [tilespmem:s31], [sflag:$0x6], $0x80, $0x38;
	[tilespmem:$0x1F900] =	vst v63  }
0x1a0: {  	s10 =	simm.s32 $0x19800;
	s12 =	sld [smem:$0x793]  }
0x1a1: {  	[spmem:s4] =	stream.linear.scatter [tilespmem:s10], [sflag:$0x6], $0x80, $0x38;
	[tilespmem:$0x1F900] =	vst v63  }
0x1a2: {  	s14 =	simm.s32 $0x19900;
	s30 =	sld [smem:$0x794]  }
0x1a3: {  	[spmem:s12] =	stream.linear.scatter [tilespmem:s14], [sflag:$0x6], $0x80, $0x38;
	[tilespmem:$0x1F900] =	vst v63  }
0x1a4: {  	s31 =	simm.s32 $0x19A00;
	s4 =	sld [smem:$0x795]  }
0x1a5: {  	[spmem:s30] =	stream.linear.scatter [tilespmem:s31], [sflag:$0x6], $0x80, $0x38;
	[tilespmem:$0x1F900] =	vst v63  }
0x1a6: {  	s10 =	simm.s32 $0x19B00;
	s12 =	sld [smem:$0x796]  }
0x1a7: {  	[spmem:s4] =	stream.linear.scatter [tilespmem:s10], [sflag:$0x6], $0x80, $0x38;
	[tilespmem:$0x1F900] =	vst v63  }
0x1a8: {  	s14 =	simm.s32 $0x19C00;
	s30 =	sld [smem:$0x797]  }
0x1a9: {  	[spmem:s12] =	stream.linear.scatter [tilespmem:s14], [sflag:$0x6], $0x80, $0x38;
	[tilespmem:$0x1F900] =	vst v63  }
0x1aa: {  	s31 =	simm.s32 $0x19D00;
	s4 =	sld [smem:$0x798]  }
0x1ab: {  	[spmem:s30] =	stream.linear.scatter [tilespmem:s31], [sflag:$0x6], $0x80, $0x38;
	[tilespmem:$0x1F900] =	vst v63  }
0x1ac: {  	s10 =	simm.s32 $0x19E00;
	s12 =	sld [smem:$0x799]  }
0x1ad: {  	[spmem:s4] =	stream.linear.scatter [tilespmem:s10], [sflag:$0x6], $0x80, $0x38;
	[tilespmem:$0x1F900] =	vst v63  }
0x1ae: {  	s14 =	simm.s32 $0x19F00;
	s30 =	sld [smem:$0x79A]  }
0x1af: {  	[spmem:s12] =	stream.linear.scatter [tilespmem:s14], [sflag:$0x6], $0x80, $0x38;
	[tilespmem:$0x1F900] =	vst v63  }
0x1b0: {  	s31 =	simm.s32 $0x1A000;
	s4 =	sld [smem:$0x79B]  }
0x1b1: {  	[spmem:s30] =	stream.linear.scatter [tilespmem:s31], [sflag:$0x6], $0x80, $0x38;
	[tilespmem:$0x1F900] =	vst v63  }
0x1b2: {  	s10 =	simm.s32 $0x1A100;
	s12 =	sld [smem:$0x79C]  }
0x1b3: {  	[spmem:s4] =	stream.linear.scatter [tilespmem:s10], [sflag:$0x6], $0x80, $0x38;
	[tilespmem:$0x1F900] =	vst v63  }
0x1b4: {  	s14 =	simm.s32 $0x1A200;
	s30 =	sld [smem:$0x79D]  }
0x1b5: {  	[spmem:s12] =	stream.linear.scatter [tilespmem:s14], [sflag:$0x6], $0x80, $0x38;
	[tilespmem:$0x1F900] =	vst v63  }
0x1b6: {  	s31 =	simm.s32 $0x1A300;
	s4 =	sld [smem:$0x79E]  }
0x1b7: {  	[spmem:s30] =	stream.linear.scatter [tilespmem:s31], [sflag:$0x6], $0x80, $0x38;
	[tilespmem:$0x1F900] =	vst v63  }
0x1b8: {  	s10 =	simm.s32 $0x1A400;
	s12 =	sld [smem:$0x79F]  }
0x1b9: {  	[spmem:s4] =	stream.linear.scatter [tilespmem:s10], [sflag:$0x6], $0x80, $0x38;
	[tilespmem:$0x1F900] =	vst v63  }
0x1ba: {  	s14 =	simm.s32 $0x1A500;
	s30 =	sld [smem:$0x7A0]  }
0x1bb: {  	[spmem:s12] =	stream.linear.scatter [tilespmem:s14], [sflag:$0x6], $0x80, $0x38;
	[tilespmem:$0x1F900] =	vst v63  }
.Ltmp5:
0x1bc: {  	s31 =	simm.s32 $0x1A600;
	(pc) =	sbr.rel @p0 .LBB2_11-.Ltmp5, $4  }
0x1bd: {  	[spmem:s30] =	stream.linear.scatter [tilespmem:s31], [sflag:$0x6], $0x80, $0x38;
	[tilespmem:$0x1F900] =	vst v63  }
0x1be: {  	_ =	swait.ge [sflag:s29], $0x1000  }
0x1bf: {  	[sflag:s29] =	ssyncset.done $0x0  }
0x1c0: {  	[sflag:s29] =	ssyncadd.s32 $0xFFFFF000  }
0x1c1: {  	s0 =	simm.s32 $0x18780  }
0x1c2: {  	s4 =	simm.s32 $0x80;
	s10 =	sadd.s32 $0x0, s13;
	s14 =	simm.s32 $0x18880  }
.LBB2_9:
0x1c3: {  	[tilespmem:s0], [sflag:$0x6] =	stream.linear.gather [hbm4b:s10+s3], $0x80, $0x38;
	[tilespmem:$0x1F900] =	vst v63  }
0x1c4: {  	s10 =	smov.u32 s4;
	s0 =	smov.u32 s14;
	p1 =	sne.s32 s4, $0xF80  }
.Ltmp6:
0x1c5: {  	s4 =	sadd.s32 $0x80, s4;
	(pc) =	sbr.rel @p1 .LBB2_9-.Ltmp6, $2  }
0x1c6: {  	_ =	sdelay $0x2  }
0x1c7: {  	s14 =	sadd.s32 $0x100, s14;
	s10 =	sadd.s32 s10, s13  }
0x1c8: {  	[tilespmem:s0], [sflag:$0x6] =	stream.linear.gather [hbm4b:s10+s3], $0x80, $0x38;
	[tilespmem:$0x1F900] =	vst v63  }
0x1c9: {  	_ =	swait.ge [sflag:s29], $0x1000  }
0x1ca: {  	[sflag:s29] =	ssyncset.done $0x0;
	s14 =	rddreg [dreg:$0x9]  }
0x1cb: {  	s4 =	simm.s32 $0x18780;
	s30 =	sld [smem:$0x7A1];
	[sflag:s29] =	ssyncadd.s32 $0xFFFFF000  }
0x1cc: {  	[spmem:s14] =	stream.linear.scatter [tilespmem:s4], [sflag:$0x6], $0x80, $0x38;
	[tilespmem:$0x1F900] =	vst v63  }
0x1cd: {  	s31 =	simm.s32 $0x18880;
	s4 =	sld [smem:$0x7A2]  }
0x1ce: {  	[spmem:s30] =	stream.linear.scatter [tilespmem:s31], [sflag:$0x6], $0x80, $0x38;
	[tilespmem:$0x1F900] =	vst v63  }
0x1cf: {  	s10 =	simm.s32 $0x18980;
	s12 =	sld [smem:$0x7A3]  }
0x1d0: {  	[spmem:s4] =	stream.linear.scatter [tilespmem:s10], [sflag:$0x6], $0x80, $0x38;
	[tilespmem:$0x1F900] =	vst v63  }
0x1d1: {  	s14 =	simm.s32 $0x18A80;
	s30 =	sld [smem:$0x7A4]  }
0x1d2: {  	[spmem:s12] =	stream.linear.scatter [tilespmem:s14], [sflag:$0x6], $0x80, $0x38;
	[tilespmem:$0x1F900] =	vst v63  }
0x1d3: {  	s31 =	simm.s32 $0x18B80;
	s4 =	sld [smem:$0x7A5]  }
0x1d4: {  	[spmem:s30] =	stream.linear.scatter [tilespmem:s31], [sflag:$0x6], $0x80, $0x38;
	[tilespmem:$0x1F900] =	vst v63  }
0x1d5: {  	s10 =	simm.s32 $0x18C80;
	s12 =	sld [smem:$0x7A6]  }
0x1d6: {  	[spmem:s4] =	stream.linear.scatter [tilespmem:s10], [sflag:$0x6], $0x80, $0x38;
	[tilespmem:$0x1F900] =	vst v63  }
0x1d7: {  	s14 =	simm.s32 $0x18D80;
	s30 =	sld [smem:$0x7A7]  }
0x1d8: {  	[spmem:s12] =	stream.linear.scatter [tilespmem:s14], [sflag:$0x6], $0x80, $0x38;
	[tilespmem:$0x1F900] =	vst v63  }
0x1d9: {  	s31 =	simm.s32 $0x18E80;
	s4 =	sld [smem:$0x7A8]  }
0x1da: {  	[spmem:s30] =	stream.linear.scatter [tilespmem:s31], [sflag:$0x6], $0x80, $0x38;
	[tilespmem:$0x1F900] =	vst v63  }
0x1db: {  	s10 =	simm.s32 $0x18F80;
	s12 =	sld [smem:$0x7A9]  }
0x1dc: {  	[spmem:s4] =	stream.linear.scatter [tilespmem:s10], [sflag:$0x6], $0x80, $0x38;
	[tilespmem:$0x1F900] =	vst v63  }
0x1dd: {  	s14 =	simm.s32 $0x19080;
	s30 =	sld [smem:$0x7AA]  }
0x1de: {  	[spmem:s12] =	stream.linear.scatter [tilespmem:s14], [sflag:$0x6], $0x80, $0x38;
	[tilespmem:$0x1F900] =	vst v63  }
0x1df: {  	s31 =	simm.s32 $0x19180;
	s4 =	sld [smem:$0x7AB]  }
0x1e0: {  	[spmem:s30] =	stream.linear.scatter [tilespmem:s31], [sflag:$0x6], $0x80, $0x38;
	[tilespmem:$0x1F900] =	vst v63  }
0x1e1: {  	s10 =	simm.s32 $0x19280;
	s12 =	sld [smem:$0x7AC]  }
0x1e2: {  	[spmem:s4] =	stream.linear.scatter [tilespmem:s10], [sflag:$0x6], $0x80, $0x38;
	[tilespmem:$0x1F900] =	vst v63  }
0x1e3: {  	s14 =	simm.s32 $0x19380;
	s30 =	sld [smem:$0x7AD]  }
0x1e4: {  	[spmem:s12] =	stream.linear.scatter [tilespmem:s14], [sflag:$0x6], $0x80, $0x38;
	[tilespmem:$0x1F900] =	vst v63  }
0x1e5: {  	s31 =	simm.s32 $0x19480;
	s4 =	sld [smem:$0x7AE]  }
0x1e6: {  	[spmem:s30] =	stream.linear.scatter [tilespmem:s31], [sflag:$0x6], $0x80, $0x38;
	[tilespmem:$0x1F900] =	vst v63  }
0x1e7: {  	s10 =	simm.s32 $0x19580;
	s12 =	sld [smem:$0x7AF]  }
0x1e8: {  	[spmem:s4] =	stream.linear.scatter [tilespmem:s10], [sflag:$0x6], $0x80, $0x38;
	[tilespmem:$0x1F900] =	vst v63  }
0x1e9: {  	s14 =	simm.s32 $0x19680;
	s30 =	sld [smem:$0x7B0]  }
0x1ea: {  	[spmem:s12] =	stream.linear.scatter [tilespmem:s14], [sflag:$0x6], $0x80, $0x38;
	[tilespmem:$0x1F900] =	vst v63  }
0x1eb: {  	s31 =	simm.s32 $0x19780;
	s4 =	sld [smem:$0x7B1]  }
0x1ec: {  	[spmem:s30] =	stream.linear.scatter [tilespmem:s31], [sflag:$0x6], $0x80, $0x38;
	[tilespmem:$0x1F900] =	vst v63  }
0x1ed: {  	s10 =	simm.s32 $0x19880;
	s12 =	sld [smem:$0x7B2]  }
0x1ee: {  	[spmem:s4] =	stream.linear.scatter [tilespmem:s10], [sflag:$0x6], $0x80, $0x38;
	[tilespmem:$0x1F900] =	vst v63  }
0x1ef: {  	s14 =	simm.s32 $0x19980;
	s30 =	sld [smem:$0x7B3]  }
0x1f0: {  	[spmem:s12] =	stream.linear.scatter [tilespmem:s14], [sflag:$0x6], $0x80, $0x38;
	[tilespmem:$0x1F900] =	vst v63  }
0x1f1: {  	s31 =	simm.s32 $0x19A80;
	s4 =	sld [smem:$0x7B4]  }
0x1f2: {  	[spmem:s30] =	stream.linear.scatter [tilespmem:s31], [sflag:$0x6], $0x80, $0x38;
	[tilespmem:$0x1F900] =	vst v63  }
0x1f3: {  	s10 =	sld [smem:$0x7B5]  }
0x1f4: {  	[spmem:s4] =	stream.linear.scatter [tilespmem:s16], [sflag:$0x6], $0x80, $0x38;
	[tilespmem:$0x1F900] =	vst v63  }
0x1f5: {  	s12 =	sld [smem:$0x7B6]  }
0x1f6: {  	[spmem:s10] =	stream.linear.scatter [tilespmem:s17], [sflag:$0x6], $0x80, $0x38;
	[tilespmem:$0x1F900] =	vst v63  }
0x1f7: {  	s14 =	sld [smem:$0x7B7]  }
0x1f8: {  	[spmem:s12] =	stream.linear.scatter [tilespmem:s19], [sflag:$0x6], $0x80, $0x38;
	[tilespmem:$0x1F900] =	vst v63  }
0x1f9: {  	s30 =	sld [smem:$0x7B8]  }
0x1fa: {  	[spmem:s14] =	stream.linear.scatter [tilespmem:s15], [sflag:$0x6], $0x80, $0x38;
	[tilespmem:$0x1F900] =	vst v63  }
0x1fb: {  	s31 =	sld [smem:$0x7B9]  }
0x1fc: {  	[spmem:s30] =	stream.linear.scatter [tilespmem:s6], [sflag:$0x6], $0x80, $0x38;
	[tilespmem:$0x1F900] =	vst v63  }
0x1fd: {  	s4 =	sld [smem:$0x7BA]  }
0x1fe: {  	[spmem:s31] =	stream.linear.scatter [tilespmem:s18], [sflag:$0x6], $0x80, $0x38;
	[tilespmem:$0x1F900] =	vst v63  }
0x1ff: {  	s10 =	sld [smem:$0x7BB]  }
0x200: {  	[spmem:s4] =	stream.linear.scatter [tilespmem:s20], [sflag:$0x6], $0x80, $0x38;
	[tilespmem:$0x1F900] =	vst v63  }
0x201: {  	s12 =	sld [smem:$0x7BC]  }
0x202: {  	[spmem:s10] =	stream.linear.scatter [tilespmem:s21], [sflag:$0x6], $0x80, $0x38;
	[tilespmem:$0x1F900] =	vst v63  }
0x203: {  	s14 =	sld [smem:$0x7BD]  }
0x204: {  	[spmem:s12] =	stream.linear.scatter [tilespmem:s22], [sflag:$0x6], $0x80, $0x38;
	[tilespmem:$0x1F900] =	vst v63  }
0x205: {  	s30 =	sld [smem:$0x7BE]  }
0x206: {  	[spmem:s14] =	stream.linear.scatter [tilespmem:s8], [sflag:$0x6], $0x80, $0x38;
	[tilespmem:$0x1F900] =	vst v63  }
0x207: {  	s31 =	sld [smem:$0x7BF]  }
0x208: {  	[spmem:s30] =	stream.linear.scatter [tilespmem:s23], [sflag:$0x6], $0x80, $0x38;
	[tilespmem:$0x1F900] =	vst v63  }
0x209: {  	_ = 	snop  }
0x20a: {  	[spmem:s31] =	stream.linear.scatter [tilespmem:s24], [sflag:$0x6], $0x80, $0x38;
	[tilespmem:$0x1F900] =	vst v63  }
0x20b: {  	_ =	swait.ge [sflag:s29], $0x1000  }
0x20c: {  	[sflag:s29] =	ssyncset.done $0x0  }
0x20d: {  	[sflag:s29] =	ssyncadd.s32 $0xFFFFF000  }
.LBB2_11:
0x20e: {  	[bflag:$0x0] =	sbarrier.arrive $0xFFFF  }
0x20f: {  	s0 =	simm.s32 $0x18700;
	s31 =	sld [smem:$0x7C0]  }
0x210: {  	[tilespmem:s0], [sflag:$0x2] =	stream.linear.gather [spmem:s2], $0x80, $0x38;
	[tilespmem:$0x1F900] =	vst v63  }
0x211: {  	s4 =	simm.s32 $0x18800  }
0x212: {  	[tilespmem:s4], [sflag:$0x2] =	stream.linear.gather [spmem:s31], $0x80, $0x38;
	[tilespmem:$0x1F900] =	vst v63  }
0x213: {  	s4 =	sld [smem:$0x7C1];
	_ =	sdelay $0x1  }
0x214: {  	s10 =	simm.s32 $0x18900;
	s12 =	sld [smem:$0x7C2]  }
0x215: {  	[tilespmem:s10], [sflag:$0x2] =	stream.linear.gather [spmem:s4], $0x80, $0x38;
	[tilespmem:$0x1F900] =	vst v63  }
0x216: {  	s14 =	simm.s32 $0x18A00;
	s30 =	sld [smem:$0x7C3]  }
0x217: {  	[tilespmem:s14], [sflag:$0x2] =	stream.linear.gather [spmem:s12], $0x80, $0x38;
	[tilespmem:$0x1F900] =	vst v63  }
0x218: {  	s31 =	simm.s32 $0x18B00;
	s4 =	sld [smem:$0x7C4]  }
0x219: {  	[tilespmem:s31], [sflag:$0x2] =	stream.linear.gather [spmem:s30], $0x80, $0x38;
	[tilespmem:$0x1F900] =	vst v63  }
0x21a: {  	s10 =	simm.s32 $0x18C00;
	s12 =	sld [smem:$0x7C5]  }
0x21b: {  	[tilespmem:s10], [sflag:$0x2] =	stream.linear.gather [spmem:s4], $0x80, $0x38;
	[tilespmem:$0x1F900] =	vst v63  }
0x21c: {  	s14 =	simm.s32 $0x18D00;
	s30 =	sld [smem:$0x7C6]  }
0x21d: {  	[tilespmem:s14], [sflag:$0x2] =	stream.linear.gather [spmem:s12], $0x80, $0x38;
	[tilespmem:$0x1F900] =	vst v63  }
0x21e: {  	s31 =	simm.s32 $0x18E00;
	s4 =	sld [smem:$0x7C7]  }
0x21f: {  	[tilespmem:s31], [sflag:$0x2] =	stream.linear.gather [spmem:s30], $0x80, $0x38;
	[tilespmem:$0x1F900] =	vst v63  }
0x220: {  	s10 =	simm.s32 $0x18F00;
	s12 =	sld [smem:$0x7C8]  }
0x221: {  	[tilespmem:s10], [sflag:$0x2] =	stream.linear.gather [spmem:s4], $0x80, $0x38;
	[tilespmem:$0x1F900] =	vst v63  }
0x222: {  	s14 =	simm.s32 $0x19000;
	s30 =	sld [smem:$0x7C9]  }
0x223: {  	[tilespmem:s14], [sflag:$0x2] =	stream.linear.gather [spmem:s12], $0x80, $0x38;
	[tilespmem:$0x1F900] =	vst v63  }
0x224: {  	s31 =	simm.s32 $0x19100;
	s4 =	sld [smem:$0x7CA]  }
0x225: {  	[tilespmem:s31], [sflag:$0x2] =	stream.linear.gather [spmem:s30], $0x80, $0x38;
	[tilespmem:$0x1F900] =	vst v63  }
0x226: {  	s10 =	simm.s32 $0x19200;
	s12 =	sld [smem:$0x7CB]  }
0x227: {  	[tilespmem:s10], [sflag:$0x2] =	stream.linear.gather [spmem:s4], $0x80, $0x38;
	[tilespmem:$0x1F900] =	vst v63  }
0x228: {  	s14 =	simm.s32 $0x19300;
	s30 =	sld [smem:$0x7CC]  }
0x229: {  	[tilespmem:s14], [sflag:$0x2] =	stream.linear.gather [spmem:s12], $0x80, $0x38;
	[tilespmem:$0x1F900] =	vst v63  }
0x22a: {  	s31 =	simm.s32 $0x19400;
	s4 =	sld [smem:$0x7CD]  }
0x22b: {  	[tilespmem:s31], [sflag:$0x2] =	stream.linear.gather [spmem:s30], $0x80, $0x38;
	[tilespmem:$0x1F900] =	vst v63  }
0x22c: {  	s10 =	simm.s32 $0x19500;
	s12 =	sld [smem:$0x7CE]  }
0x22d: {  	[tilespmem:s10], [sflag:$0x2] =	stream.linear.gather [spmem:s4], $0x80, $0x38;
	[tilespmem:$0x1F900] =	vst v63  }
0x22e: {  	s14 =	simm.s32 $0x19600;
	s30 =	sld [smem:$0x7CF]  }
0x22f: {  	[tilespmem:s14], [sflag:$0x2] =	stream.linear.gather [spmem:s12], $0x80, $0x38;
	[tilespmem:$0x1F900] =	vst v63  }
0x230: {  	s31 =	simm.s32 $0x19700;
	s4 =	sld [smem:$0x7D0]  }
0x231: {  	[tilespmem:s31], [sflag:$0x2] =	stream.linear.gather [spmem:s30], $0x80, $0x38;
	[tilespmem:$0x1F900] =	vst v63  }
0x232: {  	s10 =	simm.s32 $0x19800;
	s12 =	sld [smem:$0x7D1]  }
0x233: {  	[tilespmem:s10], [sflag:$0x2] =	stream.linear.gather [spmem:s4], $0x80, $0x38;
	[tilespmem:$0x1F900] =	vst v63  }
0x234: {  	s14 =	simm.s32 $0x19900;
	s30 =	sld [smem:$0x7D2]  }
0x235: {  	[tilespmem:s14], [sflag:$0x2] =	stream.linear.gather [spmem:s12], $0x80, $0x38;
	[tilespmem:$0x1F900] =	vst v63  }
0x236: {  	s31 =	simm.s32 $0x19A00;
	s4 =	sld [smem:$0x7D3]  }
0x237: {  	[tilespmem:s31], [sflag:$0x2] =	stream.linear.gather [spmem:s30], $0x80, $0x38;
	[tilespmem:$0x1F900] =	vst v63  }
0x238: {  	s10 =	simm.s32 $0x19B00;
	s12 =	sld [smem:$0x7D4]  }
0x239: {  	[tilespmem:s10], [sflag:$0x2] =	stream.linear.gather [spmem:s4], $0x80, $0x38;
	[tilespmem:$0x1F900] =	vst v63  }
0x23a: {  	s14 =	simm.s32 $0x19C00;
	s30 =	sld [smem:$0x7D5]  }
0x23b: {  	[tilespmem:s14], [sflag:$0x2] =	stream.linear.gather [spmem:s12], $0x80, $0x38;
	[tilespmem:$0x1F900] =	vst v63  }
0x23c: {  	s31 =	simm.s32 $0x19D00;
	s4 =	sld [smem:$0x7D6]  }
0x23d: {  	[tilespmem:s31], [sflag:$0x2] =	stream.linear.gather [spmem:s30], $0x80, $0x38;
	[tilespmem:$0x1F900] =	vst v63  }
0x23e: {  	s10 =	simm.s32 $0x19E00;
	s12 =	sld [smem:$0x7D7]  }
0x23f: {  	[tilespmem:s10], [sflag:$0x2] =	stream.linear.gather [spmem:s4], $0x80, $0x38;
	[tilespmem:$0x1F900] =	vst v63  }
0x240: {  	s14 =	simm.s32 $0x19F00;
	s30 =	sld [smem:$0x7D8]  }
0x241: {  	[tilespmem:s14], [sflag:$0x2] =	stream.linear.gather [spmem:s12], $0x80, $0x38;
	[tilespmem:$0x1F900] =	vst v63  }
0x242: {  	s31 =	simm.s32 $0x1A000;
	s4 =	sld [smem:$0x7D9]  }
0x243: {  	[tilespmem:s31], [sflag:$0x2] =	stream.linear.gather [spmem:s30], $0x80, $0x38;
	[tilespmem:$0x1F900] =	vst v63  }
0x244: {  	s10 =	simm.s32 $0x1A100;
	s12 =	sld [smem:$0x7DA]  }
0x245: {  	[tilespmem:s10], [sflag:$0x2] =	stream.linear.gather [spmem:s4], $0x80, $0x38;
	[tilespmem:$0x1F900] =	vst v63  }
0x246: {  	s14 =	simm.s32 $0x1A200;
	s30 =	sld [smem:$0x7DB]  }
0x247: {  	[tilespmem:s14], [sflag:$0x2] =	stream.linear.gather [spmem:s12], $0x80, $0x38;
	[tilespmem:$0x1F900] =	vst v63  }
0x248: {  	s31 =	simm.s32 $0x1A300;
	s4 =	sld [smem:$0x7DC]  }
0x249: {  	[tilespmem:s31], [sflag:$0x2] =	stream.linear.gather [spmem:s30], $0x80, $0x38;
	[tilespmem:$0x1F900] =	vst v63  }
0x24a: {  	s10 =	simm.s32 $0x1A400;
	s12 =	sld [smem:$0x7DD]  }
0x24b: {  	[tilespmem:s10], [sflag:$0x2] =	stream.linear.gather [spmem:s4], $0x80, $0x38;
	[tilespmem:$0x1F900] =	vst v63  }
0x24c: {  	s14 =	simm.s32 $0x1A500;
	s30 =	sld [smem:$0x7DE]  }
0x24d: {  	[tilespmem:s14], [sflag:$0x2] =	stream.linear.gather [spmem:s12], $0x80, $0x38;
	[tilespmem:$0x1F900] =	vst v63  }
0x24e: {  	s31 =	simm.s32 $0x1A600;
	s4 =	rddreg [dreg:$0xa]  }
0x24f: {  	[tilespmem:s31], [sflag:$0x2] =	stream.linear.gather [spmem:s30], $0x80, $0x38;
	[tilespmem:$0x1F900] =	vst v63  }
0x250: {  	s10 =	simm.s32 $0x18780;
	s12 =	sld [smem:$0x7DF]  }
0x251: {  	[tilespmem:s10], [sflag:$0x3] =	stream.linear.gather [spmem:s4], $0x80, $0x38;
	[tilespmem:$0x1F900] =	vst v63  }
0x252: {  	s14 =	simm.s32 $0x18880;
	s30 =	sld [smem:$0x7E0]  }
0x253: {  	[tilespmem:s14], [sflag:$0x3] =	stream.linear.gather [spmem:s12], $0x80, $0x38;
	[tilespmem:$0x1F900] =	vst v63  }
0x254: {  	s31 =	simm.s32 $0x18980;
	s4 =	sld [smem:$0x7E1]  }
0x255: {  	[tilespmem:s31], [sflag:$0x3] =	stream.linear.gather [spmem:s30], $0x80, $0x38;
	[tilespmem:$0x1F900] =	vst v63  }
0x256: {  	s10 =	simm.s32 $0x18A80;
	s12 =	sld [smem:$0x7E2]  }
0x257: {  	[tilespmem:s10], [sflag:$0x3] =	stream.linear.gather [spmem:s4], $0x80, $0x38;
	[tilespmem:$0x1F900] =	vst v63  }
0x258: {  	s14 =	simm.s32 $0x18B80;
	s30 =	sld [smem:$0x7E3]  }
0x259: {  	[tilespmem:s14], [sflag:$0x3] =	stream.linear.gather [spmem:s12], $0x80, $0x38;
	[tilespmem:$0x1F900] =	vst v63  }
0x25a: {  	s31 =	simm.s32 $0x18C80;
	s4 =	sld [smem:$0x7E4]  }
0x25b: {  	[tilespmem:s31], [sflag:$0x3] =	stream.linear.gather [spmem:s30], $0x80, $0x38;
	[tilespmem:$0x1F900] =	vst v63  }
0x25c: {  	s10 =	simm.s32 $0x18D80;
	s12 =	sld [smem:$0x7E5]  }
0x25d: {  	[tilespmem:s10], [sflag:$0x3] =	stream.linear.gather [spmem:s4], $0x80, $0x38;
	[tilespmem:$0x1F900] =	vst v63  }
0x25e: {  	s14 =	simm.s32 $0x18E80;
	s30 =	sld [smem:$0x7E6]  }
0x25f: {  	[tilespmem:s14], [sflag:$0x3] =	stream.linear.gather [spmem:s12], $0x80, $0x38;
	[tilespmem:$0x1F900] =	vst v63  }
0x260: {  	s31 =	simm.s32 $0x18F80;
	s4 =	sld [smem:$0x7E7]  }
0x261: {  	[tilespmem:s31], [sflag:$0x3] =	stream.linear.gather [spmem:s30], $0x80, $0x38;
	[tilespmem:$0x1F900] =	vst v63  }
0x262: {  	s10 =	simm.s32 $0x19080;
	s12 =	sld [smem:$0x7E8]  }
0x263: {  	[tilespmem:s10], [sflag:$0x3] =	stream.linear.gather [spmem:s4], $0x80, $0x38;
	[tilespmem:$0x1F900] =	vst v63  }
0x264: {  	s14 =	simm.s32 $0x19180;
	s30 =	sld [smem:$0x7E9]  }
0x265: {  	[tilespmem:s14], [sflag:$0x3] =	stream.linear.gather [spmem:s12], $0x80, $0x38;
	[tilespmem:$0x1F900] =	vst v63  }
0x266: {  	s31 =	simm.s32 $0x19280;
	s4 =	sld [smem:$0x7EA]  }
0x267: {  	[tilespmem:s31], [sflag:$0x3] =	stream.linear.gather [spmem:s30], $0x80, $0x38;
	[tilespmem:$0x1F900] =	vst v63  }
0x268: {  	s10 =	simm.s32 $0x19380;
	s12 =	sld [smem:$0x7EB]  }
0x269: {  	[tilespmem:s10], [sflag:$0x3] =	stream.linear.gather [spmem:s4], $0x80, $0x38;
	[tilespmem:$0x1F900] =	vst v63  }
0x26a: {  	s14 =	simm.s32 $0x19480;
	s30 =	sld [smem:$0x7EC]  }
0x26b: {  	[tilespmem:s14], [sflag:$0x3] =	stream.linear.gather [spmem:s12], $0x80, $0x38;
	[tilespmem:$0x1F900] =	vst v63  }
0x26c: {  	s31 =	simm.s32 $0x19580;
	s4 =	sld [smem:$0x7ED]  }
0x26d: {  	[tilespmem:s31], [sflag:$0x3] =	stream.linear.gather [spmem:s30], $0x80, $0x38;
	[tilespmem:$0x1F900] =	vst v63  }
0x26e: {  	s10 =	simm.s32 $0x19680;
	s12 =	sld [smem:$0x7EE]  }
0x26f: {  	[tilespmem:s10], [sflag:$0x3] =	stream.linear.gather [spmem:s4], $0x80, $0x38;
	[tilespmem:$0x1F900] =	vst v63  }
0x270: {  	s14 =	simm.s32 $0x19780;
	s30 =	sld [smem:$0x7EF]  }
0x271: {  	[tilespmem:s14], [sflag:$0x3] =	stream.linear.gather [spmem:s12], $0x80, $0x38;
	[tilespmem:$0x1F900] =	vst v63  }
0x272: {  	s31 =	simm.s32 $0x19880;
	s10 =	sld [smem:$0x7F0]  }
0x273: {  	[tilespmem:s31], [sflag:$0x3] =	stream.linear.gather [spmem:s30], $0x80, $0x38;
	[tilespmem:$0x1F900] =	vst v63  }
0x274: {  	s12 =	simm.s32 $0x19980;
	s14 =	sld [smem:$0x7F1]  }
0x275: {  	[tilespmem:s12], [sflag:$0x3] =	stream.linear.gather [spmem:s10], $0x80, $0x38;
	[tilespmem:$0x1F900] =	vst v63  }
0x276: {  	s30 =	simm.s32 $0x19A80;
	s31 =	sld [smem:$0x7F2]  }
0x277: {  	[tilespmem:s30], [sflag:$0x3] =	stream.linear.gather [spmem:s14], $0x80, $0x38;
	[tilespmem:$0x1F900] =	vst v63  }
0x278: {  	s4 =	sld [smem:$0x7F3]  }
0x279: {  	[tilespmem:s16], [sflag:$0x3] =	stream.linear.gather [spmem:s31], $0x80, $0x38;
	[tilespmem:$0x1F900] =	vst v63  }
0x27a: {  	s10 =	sld [smem:$0x7F4]  }
0x27b: {  	[tilespmem:s17], [sflag:$0x3] =	stream.linear.gather [spmem:s4], $0x80, $0x38;
	[tilespmem:$0x1F900] =	vst v63  }
0x27c: {  	s12 =	sld [smem:$0x7F5]  }
0x27d: {  	[tilespmem:s19], [sflag:$0x3] =	stream.linear.gather [spmem:s10], $0x80, $0x38;
	[tilespmem:$0x1F900] =	vst v63  }
0x27e: {  	s14 =	sld [smem:$0x7F6]  }
0x27f: {  	[tilespmem:s15], [sflag:$0x3] =	stream.linear.gather [spmem:s12], $0x80, $0x38;
	[tilespmem:$0x1F900] =	vst v63  }
0x280: {  	s30 =	sld [smem:$0x7F7]  }
0x281: {  	[tilespmem:s6], [sflag:$0x3] =	stream.linear.gather [spmem:s14], $0x80, $0x38;
	[tilespmem:$0x1F900] =	vst v63  }
0x282: {  	s31 =	sld [smem:$0x7F8]  }
0x283: {  	[tilespmem:s18], [sflag:$0x3] =	stream.linear.gather [spmem:s30], $0x80, $0x38;
	[tilespmem:$0x1F900] =	vst v63  }
0x284: {  	s4 =	sld [smem:$0x7F9]  }
0x285: {  	[tilespmem:s20], [sflag:$0x3] =	stream.linear.gather [spmem:s31], $0x80, $0x38;
	[tilespmem:$0x1F900] =	vst v63  }
0x286: {  	s10 =	sld [smem:$0x7FA]  }
0x287: {  	[tilespmem:s21], [sflag:$0x3] =	stream.linear.gather [spmem:s4], $0x80, $0x38;
	[tilespmem:$0x1F900] =	vst v63  }
0x288: {  	s12 =	sld [smem:$0x7FB]  }
0x289: {  	[tilespmem:s22], [sflag:$0x3] =	stream.linear.gather [spmem:s10], $0x80, $0x38;
	[tilespmem:$0x1F900] =	vst v63  }
0x28a: {  	s14 =	sld [smem:$0x7FC]  }
0x28b: {  	[tilespmem:s8], [sflag:$0x3] =	stream.linear.gather [spmem:s12], $0x80, $0x38;
	[tilespmem:$0x1F900] =	vst v63  }
0x28c: {  	s30 =	sld [smem:$0x7FD]  }
0x28d: {  	[tilespmem:s23], [sflag:$0x3] =	stream.linear.gather [spmem:s14], $0x80, $0x38;
	[tilespmem:$0x1F900] =	vst v63  }
0x28e: {  	s31 =	simm.s32 $0x1  }
0x28f: {  	[tilespmem:s24], [sflag:$0x3] =	stream.linear.gather [spmem:s30], $0x80, $0x38;
	[tilespmem:$0x1F900] =	vst v63  }
0x290: {  	_ =	swait.ge [sflag:s31], $0x18700  }
0x291: {  	[sflag:s31] =	ssyncset.done $0x0  }
0x292: {  	s29 =	simm.s32 $0x0;
	[sflag:s31] =	ssyncadd.s32 $0xFFFE7900  }
.LBB2_12:
0x293: {  	_ =	swait.ge [sflag:s25], $0x1000  }
0x294: {  	p1 =	seq.s32 s29, $0x0;
	[sflag:s25] =	ssyncset.done $0x0  }
0x295: {  	s0 =	simm.s32 @!p1 $0x4;
	[sflag:s25] =	ssyncadd.s32 $0xFFFFF000  }
0x296: {  	_ =	swait.ge @!p1 [sflag:s0], $0x1000  }
0x297: {  	[sflag:s0] =	ssyncset.done @!p1 $0x0  }
0x298: {  	s14 =	simm.s32 $0x18900;
	[sflag:s0] =	ssyncadd.s32 @!p1 $0xFFFFF000  }
0x299: {  	v0 =	vld [tilespmem:s14+$0x170]  }
0x29a: {  	v1 =	vld [tilespmem:s14+$0xFFFFFE10]  }
0x29b: {  	v2 =	vld [tilespmem:s14+$0xFFFFFE20]  }
0x29c: {  	v3 =	vld [tilespmem:s14+$0xFFFFFE30]  }
0x29d: {  	v4 =	vld [tilespmem:s14+$0xFFFFFE40]  }
0x29e: {  	v5 =	vld [tilespmem:s14+$0xFFFFFE50]  }
0x29f: {  	v6 =	vld [tilespmem:s14+$0xFFFFFE60]  }
0x2a0: {  	v7 =	vld [tilespmem:s14+$0xFFFFFE70]  }
0x2a1: {  	v8 =	vld [tilespmem:s14+$0xFFFFFF00]  }
0x2a2: {  	v9 =	vld [tilespmem:s14+$0xFFFFFF10]  }
0x2a3: {  	v10 =	vld [tilespmem:s14+$0xFFFFFF20]  }
0x2a4: {  	v11 =	vld [tilespmem:s14+$0xFFFFFF30]  }
0x2a5: {  	v12 =	vld [tilespmem:s14+$0xFFFFFF40]  }
0x2a6: {  	v13 =	vld [tilespmem:s14+$0xFFFFFF50]  }
0x2a7: {  	v14 =	vld [tilespmem:s14+$0xFFFFFF60]  }
0x2a8: {  	v15 =	vld [tilespmem:s14+$0xFFFFFF70]  }
0x2a9: {  	v16 =	vld [tilespmem:s14+$0x0]  }
0x2aa: {  	v17 =	vld [tilespmem:s14+$0x10]  }
0x2ab: {  	v18 =	vld [tilespmem:s14+$0x20]  }
0x2ac: {  	v19 =	vld [tilespmem:s14+$0x30]  }
0x2ad: {  	v20 =	vld [tilespmem:s14+$0x40]  }
0x2ae: {  	v21 =	vld [tilespmem:s14+$0x50]  }
0x2af: {  	v22 =	vld [tilespmem:s14+$0x60]  }
0x2b0: {  	v23 =	vld [tilespmem:s14+$0x70]  }
0x2b1: {  	v24 =	vld [tilespmem:s14+$0x100]  }
0x2b2: {  	v25 =	vld [tilespmem:s14+$0x110]  }
0x2b3: {  	v26 =	vld [tilespmem:s14+$0x120]  }
0x2b4: {  	v27 =	vld [tilespmem:s14+$0x130]  }
0x2b5: {  	v28 =	vld [tilespmem:s14+$0x140]  }
0x2b6: {  	v29 =	vld [tilespmem:s14+$0x150]  }
0x2b7: {  	v30 =	vld [tilespmem:s14+$0x160]  }
0x2b8: {  	v31 =	vld [tilespmem:s14+$0xFFFFFE00]  }
0x2b9: {  	v0 =	vld.idx.msk [tilespmem:v0+s3+$0x0], $0xffff  }
0x2ba: {  	v1 =	vld.idx.msk [tilespmem:v1+s3+$0x0], $0xffff  }
0x2bb: {  	v2 =	vld.idx.msk [tilespmem:v2+s3+$0x0], $0xffff  }
0x2bc: {  	v3 =	vld.idx.msk [tilespmem:v3+s3+$0x0], $0xffff  }
0x2bd: {  	v4 =	vld.idx.msk [tilespmem:v4+s3+$0x0], $0xffff  }
0x2be: {  	s0 =	simm.s32 $0x1A900;
	v5 =	vld.idx.msk [tilespmem:v5+s3+$0x0], $0xffff  }
0x2bf: {  	v63 =	vld.idx.msk [tilespmem:v24+s3+$0x0], $0xffff;
	[tilespmem:s0+$0x170] =	vst v0  }
0x2c0: {  	v0 =	vld.idx.msk [tilespmem:v6+s3+$0x0], $0xffff;
	[tilespmem:s0+$0xFFFFFE10] =	vst v1  }
0x2c1: {  	v1 =	vld.idx.msk [tilespmem:v7+s3+$0x0], $0xffff;
	[tilespmem:s0+$0xFFFFFE20] =	vst v2  }
0x2c2: {  	v6 =	vld.idx.msk [tilespmem:v31+s3+$0x0], $0xffff;
	[tilespmem:s0+$0xFFFFFE30] =	vst v3  }
0x2c3: {  	v2 =	vld.idx.msk [tilespmem:v8+s3+$0x0], $0xffff;
	[tilespmem:s0+$0xFFFFFE40] =	vst v4  }
0x2c4: {  	v3 =	vld.idx.msk [tilespmem:v9+s3+$0x0], $0xffff;
	[tilespmem:s0+$0xFFFFFE50] =	vst v5  }
0x2c5: {  	v4 =	vld.idx.msk [tilespmem:v10+s3+$0x0], $0xffff;
	[tilespmem:s0+$0x100] =	vst v63  }
0x2c6: {  	v5 =	vld.idx.msk [tilespmem:v13+s3+$0x0], $0xffff;
	[tilespmem:s0+$0xFFFFFE60] =	vst v0  }
0x2c7: {  	v7 =	vld.idx.msk [tilespmem:v23+s3+$0x0], $0xffff;
	[tilespmem:s0+$0xFFFFFE70] =	vst v1  }
0x2c8: {  	v0 =	vld.idx.msk [tilespmem:v11+s3+$0x0], $0xffff;
	[tilespmem:s0+$0xFFFFFE00] =	vst v6  }
0x2c9: {  	v1 =	vld.idx.msk [tilespmem:v12+s3+$0x0], $0xffff;
	[tilespmem:s0+$0xFFFFFF00] =	vst v2  }
0x2ca: {  	v2 =	vld.idx.msk [tilespmem:v14+s3+$0x0], $0xffff;
	[tilespmem:s0+$0xFFFFFF10] =	vst v3  }
0x2cb: {  	v3 =	vld.idx.msk [tilespmem:v15+s3+$0x0], $0xffff;
	[tilespmem:s0+$0xFFFFFF20] =	vst v4  }
0x2cc: {  	v4 =	vld.idx.msk [tilespmem:v16+s3+$0x0], $0xffff;
	[tilespmem:s0+$0xFFFFFF50] =	vst v5  }
0x2cd: {  	v5 =	vld.idx.msk [tilespmem:v19+s3+$0x0], $0xffff;
	[tilespmem:s0+$0x70] =	vst v7  }
0x2ce: {  	v6 =	vld.idx.msk [tilespmem:v22+s3+$0x0], $0xffff;
	[tilespmem:s0+$0xFFFFFF30] =	vst v0  }
0x2cf: {  	v0 =	vld.idx.msk [tilespmem:v17+s3+$0x0], $0xffff;
	[tilespmem:s0+$0xFFFFFF40] =	vst v1  }
0x2d0: {  	v1 =	vld.idx.msk [tilespmem:v18+s3+$0x0], $0xffff;
	[tilespmem:s0+$0xFFFFFF60] =	vst v2  }
0x2d1: {  	v2 =	vld.idx.msk [tilespmem:v20+s3+$0x0], $0xffff;
	[tilespmem:s0+$0xFFFFFF70] =	vst v3  }
0x2d2: {  	v3 =	vld.idx.msk [tilespmem:v21+s3+$0x0], $0xffff;
	[tilespmem:s0+$0x0] =	vst v4  }
0x2d3: {  	[tilespmem:s0+$0x30] =	vst v5;
	v4 =	vld.idx.msk [tilespmem:v25+s3+$0x0], $0xffff  }
0x2d4: {  	[tilespmem:s0+$0x60] =	vst v6;
	v5 =	vld.idx.msk [tilespmem:v30+s3+$0x0], $0xffff  }
0x2d5: {  	[tilespmem:s0+$0x10] =	vst v0;
	v0 =	vld.idx.msk [tilespmem:v26+s3+$0x0], $0xffff  }
0x2d6: {  	[tilespmem:s0+$0x20] =	vst v1;
	v1 =	vld.idx.msk [tilespmem:v27+s3+$0x0], $0xffff  }
0x2d7: {  	[tilespmem:s0+$0x40] =	vst v2;
	v2 =	vld.idx.msk [tilespmem:v28+s3+$0x0], $0xffff  }
0x2d8: {  	s30 =	sshll.u32 s29, $0xF;
	s31 =	simm.s32 $0x0;
	s4 =	simm.s32 $0x18D00;
	[tilespmem:s0+$0x50] =	vst v3;
	v3 =	vld.idx.msk [tilespmem:v29+s3+$0x0], $0xffff  }
.LBB2_13:
0x2d9: {  	v6 =	vld [tilespmem:s4+$0x170];
	s31 =	sadd.s32 $0x20, s31;
	[tilespmem:s0+$0x110] =	vst v4  }
0x2da: {  	v4 =	vld [tilespmem:s4+$0xFFFFFE10];
	p2 =	slt.u32 s31, $0xE0;
	[tilespmem:s0+$0x120] =	vst v0  }
0x2db: {  	v0 =	vld [tilespmem:s4+$0xFFFFFE20];
	[tilespmem:s0+$0x130] =	vst v1  }
0x2dc: {  	v1 =	vld [tilespmem:s4+$0xFFFFFE30];
	[tilespmem:s0+$0x140] =	vst v2  }
0x2dd: {  	v2 =	vld [tilespmem:s4+$0xFFFFFE40];
	[tilespmem:s0+$0x150] =	vst v3  }
0x2de: {  	v3 =	vld [tilespmem:s4+$0xFFFFFE50];
	[tilespmem:s0+$0x160] =	vst v5  }
0x2df: {  	v5 =	vld [tilespmem:s4+$0xFFFFFE60]  }
0x2e0: {  	v7 =	vld [tilespmem:s4+$0xFFFFFE70]  }
0x2e1: {  	v6 =	vld.idx.msk [tilespmem:v6+s3+$0x0], $0xffff  }
0x2e2: {  	v8 =	vld [tilespmem:s4+$0xFFFFFF00]  }
0x2e3: {  	v9 =	vld [tilespmem:s4+$0xFFFFFF10]  }
0x2e4: {  	v10 =	vld [tilespmem:s4+$0xFFFFFF20]  }
0x2e5: {  	v11 =	vld [tilespmem:s4+$0xFFFFFF30]  }
0x2e6: {  	s0 =	sadd.s32 $0x400, s0;
	v12 =	vld [tilespmem:s4+$0xFFFFFF40]  }
0x2e7: {  	v13 =	vld [tilespmem:s4+$0xFFFFFF50];
	[tilespmem:s0+$0x170] =	vst v6  }
0x2e8: {  	v6 =	vld [tilespmem:s4+$0xFFFFFF60]  }
0x2e9: {  	v14 =	vld [tilespmem:s4+$0xFFFFFF70]  }
0x2ea: {  	v15 =	vld [tilespmem:s4+$0x0]  }
0x2eb: {  	v16 =	vld [tilespmem:s4+$0x10]  }
0x2ec: {  	v17 =	vld [tilespmem:s4+$0x20]  }
0x2ed: {  	v18 =	vld [tilespmem:s4+$0x30]  }
0x2ee: {  	v19 =	vld [tilespmem:s4+$0x40]  }
0x2ef: {  	v20 =	vld [tilespmem:s4+$0x50]  }
0x2f0: {  	v21 =	vld [tilespmem:s4+$0x60]  }
0x2f1: {  	v22 =	vld [tilespmem:s4+$0x70]  }
0x2f2: {  	v23 =	vld [tilespmem:s4+$0x100]  }
0x2f3: {  	v24 =	vld [tilespmem:s4+$0x110]  }
0x2f4: {  	v25 =	vld [tilespmem:s4+$0x120]  }
0x2f5: {  	v26 =	vld [tilespmem:s4+$0x130]  }
0x2f6: {  	v27 =	vld [tilespmem:s4+$0x140]  }
0x2f7: {  	v28 =	vld [tilespmem:s4+$0x150]  }
0x2f8: {  	v29 =	vld [tilespmem:s4+$0x160]  }
0x2f9: {  	v30 =	vld [tilespmem:s4+$0xFFFFFE00]  }
0x2fa: {  	v4 =	vld.idx.msk [tilespmem:v4+s3+$0x0], $0xffff  }
0x2fb: {  	v0 =	vld.idx.msk [tilespmem:v0+s3+$0x0], $0xffff  }
0x2fc: {  	v1 =	vld.idx.msk [tilespmem:v1+s3+$0x0], $0xffff  }
0x2fd: {  	v2 =	vld.idx.msk [tilespmem:v2+s3+$0x0], $0xffff  }
0x2fe: {  	v3 =	vld.idx.msk [tilespmem:v3+s3+$0x0], $0xffff  }
0x2ff: {  	v5 =	vld.idx.msk [tilespmem:v5+s3+$0x0], $0xffff  }
0x300: {  	[tilespmem:s0+$0xFFFFFE10] =	vst v4;
	v4 =	vld.idx.msk [tilespmem:v7+s3+$0x0], $0xffff  }
0x301: {  	v7 =	vld.idx.msk [tilespmem:v30+s3+$0x0], $0xffff;
	[tilespmem:s0+$0xFFFFFE20] =	vst v0  }
0x302: {  	[tilespmem:s0+$0xFFFFFE30] =	vst v1;
	v0 =	vld.idx.msk [tilespmem:v8+s3+$0x0], $0xffff  }
0x303: {  	[tilespmem:s0+$0xFFFFFE40] =	vst v2;
	v1 =	vld.idx.msk [tilespmem:v9+s3+$0x0], $0xffff  }
0x304: {  	[tilespmem:s0+$0xFFFFFE50] =	vst v3;
	v2 =	vld.idx.msk [tilespmem:v10+s3+$0x0], $0xffff  }
0x305: {  	[tilespmem:s0+$0xFFFFFE60] =	vst v5;
	v3 =	vld.idx.msk [tilespmem:v11+s3+$0x0], $0xffff  }
0x306: {  	[tilespmem:s0+$0xFFFFFE70] =	vst v4;
	v4 =	vld.idx.msk [tilespmem:v12+s3+$0x0], $0xffff  }
0x307: {  	[tilespmem:s0+$0xFFFFFE00] =	vst v7;
	v5 =	vld.idx.msk [tilespmem:v13+s3+$0x0], $0xffff  }
0x308: {  	[tilespmem:s0+$0xFFFFFF00] =	vst v0;
	v0 =	vld.idx.msk [tilespmem:v6+s3+$0x0], $0xffff  }
0x309: {  	[tilespmem:s0+$0xFFFFFF10] =	vst v1;
	v1 =	vld.idx.msk [tilespmem:v14+s3+$0x0], $0xffff  }
0x30a: {  	[tilespmem:s0+$0xFFFFFF20] =	vst v2;
	v2 =	vld.idx.msk [tilespmem:v15+s3+$0x0], $0xffff  }
0x30b: {  	[tilespmem:s0+$0xFFFFFF30] =	vst v3;
	v3 =	vld.idx.msk [tilespmem:v16+s3+$0x0], $0xffff  }
0x30c: {  	[tilespmem:s0+$0xFFFFFF40] =	vst v4;
	v4 =	vld.idx.msk [tilespmem:v17+s3+$0x0], $0xffff  }
0x30d: {  	[tilespmem:s0+$0xFFFFFF50] =	vst v5;
	v5 =	vld.idx.msk [tilespmem:v18+s3+$0x0], $0xffff  }
0x30e: {  	[tilespmem:s0+$0xFFFFFF60] =	vst v0;
	v0 =	vld.idx.msk [tilespmem:v19+s3+$0x0], $0xffff  }
0x30f: {  	[tilespmem:s0+$0xFFFFFF70] =	vst v1;
	v1 =	vld.idx.msk [tilespmem:v20+s3+$0x0], $0xffff  }
0x310: {  	[tilespmem:s0+$0x0] =	vst v2;
	v2 =	vld.idx.msk [tilespmem:v21+s3+$0x0], $0xffff  }
0x311: {  	[tilespmem:s0+$0x10] =	vst v3;
	v3 =	vld.idx.msk [tilespmem:v22+s3+$0x0], $0xffff  }
0x312: {  	[tilespmem:s0+$0x20] =	vst v4;
	v6 =	vld.idx.msk [tilespmem:v23+s3+$0x0], $0xffff  }
0x313: {  	[tilespmem:s0+$0x30] =	vst v5;
	v4 =	vld.idx.msk [tilespmem:v24+s3+$0x0], $0xffff  }
.Ltmp7:
0x314: {  	[tilespmem:s0+$0x40] =	vst v0;
	v0 =	vld.idx.msk [tilespmem:v25+s3+$0x0], $0xffff;
	(pc) =	sbr.rel @p2 .LBB2_13-.Ltmp7, $4  }
0x315: {  	[tilespmem:s0+$0x50] =	vst v1;
	v1 =	vld.idx.msk [tilespmem:v26+s3+$0x0], $0xffff  }
0x316: {  	[tilespmem:s0+$0x60] =	vst v2;
	v2 =	vld.idx.msk [tilespmem:v27+s3+$0x0], $0xffff  }
0x317: {  	[tilespmem:s0+$0x70] =	vst v3;
	v3 =	vld.idx.msk [tilespmem:v28+s3+$0x0], $0xffff  }
0x318: {  	s4 =	sadd.s32 $0x400, s4;
	[tilespmem:s0+$0x100] =	vst v6;
	v5 =	vld.idx.msk [tilespmem:v29+s3+$0x0], $0xffff  }
0x319: {  	[tilespmem:s0+$0x110] =	vst v4  }
0x31a: {  	[tilespmem:s0+$0x120] =	vst v0  }
0x31b: {  	s4 =	sshll.u32 s29, $0x13;
	s10 =	rddreg [dreg:$0xb]  }
0x31c: {  	s4 =	sor.u32 s4, s10  }
0x31d: {  	[tilespmem:s0+$0x130] =	vst v1;
	s4 =	sor.u32 s5, s4  }
0x31e: {  	[tilespmem:s0+$0x140] =	vst v2;
	s31 =	sshrl.u32 s4, $0x3  }
0x31f: {  	s14 =	simm.s32 $0x1A700;
	[tilespmem:s0+$0x150] =	vst v3;
	s4 =	sadd.s32 s1, s31  }
0x320: {  	s10 =	simm.s32 $0x1A800;
	[tilespmem:s0+$0x160] =	vst v5;
	s0 =	simm.s32 $0x80;
	s12 =	sadd.s32 $0x0, s4  }
.LBB2_15:
0x321: {  	[hbm4b:s12+s3] =	stream.linear.scatter [tilespmem:s14], [sflag:$0x4], $0x80, $0x38;
	[tilespmem:$0x1F900] =	vst v63  }
0x322: {  	s12 =	smov.u32 s0;
	s14 =	smov.u32 s10;
	p2 =	sne.s32 s0, $0xF80  }
.Ltmp8:
0x323: {  	s0 =	sadd.s32 $0x80, s0;
	(pc) =	sbr.rel @p2 .LBB2_15-.Ltmp8, $2  }
0x324: {  	_ =	sdelay $0x2  }
0x325: {  	s10 =	sadd.s32 $0x100, s10;
	s12 =	sadd.s32 s12, s4  }
0x326: {  	p2 =	sne.s32 s29, $0x18  }
.Ltmp9:
0x327: {  	_ = 	snop;
	(pc) =	sbr.rel @p2 .LBB2_18-.Ltmp9, $2  }
0x328: {  	_ =	sdelay $0x2  }
0x329: {  	[hbm4b:s12+s3] =	stream.linear.scatter [tilespmem:s14], [sflag:$0x4], $0x80, $0x38;
	[tilespmem:$0x1F900] =	vst v63  }
.Ltmp10:
0x32a: {  	(pc) =	sbr.rel .LBB2_19-.Ltmp10, $4  }
0x32b: {  	_ = 	snop  }
0x32c: {  	_ =	swait.ge [sflag:s26], $0x1000  }
0x32d: {  	[sflag:s26] =	ssyncset.done $0x0  }
0x32e: {  	[sflag:s26] =	ssyncadd.s32 $0xFFFFF000  }
.LBB2_18:
0x32f: {  	s0 =	sshrl.u32 s30, $0x2  }
0x330: {  	s0 =	sadd.s32 s0, s2  }
0x331: {  	s10 =	simm.s32 $0x18700;
	s4 =	sadd.s32 $0x2000, s0  }
0x332: {  	[tilespmem:s10], [sflag:$0x2] =	stream.linear.gather [spmem:s4], $0x80, $0x38;
	[tilespmem:$0x1F900] =	vst v63  }
0x333: {  	s14 =	simm.s32 $0x18800;
	s12 =	sadd.s32 $0x2080, s0  }
0x334: {  	[tilespmem:s14], [sflag:$0x2] =	stream.linear.gather [spmem:s12], $0x80, $0x38;
	[tilespmem:$0x1F900] =	vst v63  }
0x335: {  	s12 =	sadd.s32 $0x2100, s0;
	s14 =	simm.s32 $0x18900  }
0x336: {  	[tilespmem:s14], [sflag:$0x2] =	stream.linear.gather [spmem:s12], $0x80, $0x38;
	[tilespmem:$0x1F900] =	vst v63  }
0x337: {  	s12 =	sadd.s32 $0x2180, s0;
	s14 =	simm.s32 $0x18A00  }
0x338: {  	[tilespmem:s14], [sflag:$0x2] =	stream.linear.gather [spmem:s12], $0x80, $0x38;
	[tilespmem:$0x1F900] =	vst v63  }
0x339: {  	s12 =	sadd.s32 $0x2200, s0;
	s14 =	simm.s32 $0x18B00  }
0x33a: {  	[tilespmem:s14], [sflag:$0x2] =	stream.linear.gather [spmem:s12], $0x80, $0x38;
	[tilespmem:$0x1F900] =	vst v63  }
0x33b: {  	s12 =	sadd.s32 $0x2280, s0;
	s14 =	simm.s32 $0x18C00  }
0x33c: {  	[tilespmem:s14], [sflag:$0x2] =	stream.linear.gather [spmem:s12], $0x80, $0x38;
	[tilespmem:$0x1F900] =	vst v63  }
0x33d: {  	s12 =	sadd.s32 $0x2300, s0;
	s14 =	simm.s32 $0x18D00  }
0x33e: {  	[tilespmem:s14], [sflag:$0x2] =	stream.linear.gather [spmem:s12], $0x80, $0x38;
	[tilespmem:$0x1F900] =	vst v63  }
0x33f: {  	s12 =	sadd.s32 $0x2380, s0;
	s14 =	simm.s32 $0x18E00  }
0x340: {  	[tilespmem:s14], [sflag:$0x2] =	stream.linear.gather [spmem:s12], $0x80, $0x38;
	[tilespmem:$0x1F900] =	vst v63  }
0x341: {  	s12 =	sadd.s32 $0x2400, s0;
	s14 =	simm.s32 $0x18F00  }
0x342: {  	[tilespmem:s14], [sflag:$0x2] =	stream.linear.gather [spmem:s12], $0x80, $0x38;
	[tilespmem:$0x1F900] =	vst v63  }
0x343: {  	s12 =	sadd.s32 $0x2480, s0;
	s14 =	simm.s32 $0x19000  }
0x344: {  	[tilespmem:s14], [sflag:$0x2] =	stream.linear.gather [spmem:s12], $0x80, $0x38;
	[tilespmem:$0x1F900] =	vst v63  }
0x345: {  	s12 =	sadd.s32 $0x2500, s0;
	s14 =	simm.s32 $0x19100  }
0x346: {  	[tilespmem:s14], [sflag:$0x2] =	stream.linear.gather [spmem:s12], $0x80, $0x38;
	[tilespmem:$0x1F900] =	vst v63  }
0x347: {  	s12 =	sadd.s32 $0x2580, s0;
	s14 =	simm.s32 $0x19200  }
0x348: {  	[tilespmem:s14], [sflag:$0x2] =	stream.linear.gather [spmem:s12], $0x80, $0x38;
	[tilespmem:$0x1F900] =	vst v63  }
0x349: {  	s12 =	sadd.s32 $0x2600, s0;
	s14 =	simm.s32 $0x19300  }
0x34a: {  	[tilespmem:s14], [sflag:$0x2] =	stream.linear.gather [spmem:s12], $0x80, $0x38;
	[tilespmem:$0x1F900] =	vst v63  }
0x34b: {  	s12 =	sadd.s32 $0x2680, s0;
	s14 =	simm.s32 $0x19400  }
0x34c: {  	[tilespmem:s14], [sflag:$0x2] =	stream.linear.gather [spmem:s12], $0x80, $0x38;
	[tilespmem:$0x1F900] =	vst v63  }
0x34d: {  	s12 =	sadd.s32 $0x2700, s0;
	s14 =	simm.s32 $0x19500  }
0x34e: {  	[tilespmem:s14], [sflag:$0x2] =	stream.linear.gather [spmem:s12], $0x80, $0x38;
	[tilespmem:$0x1F900] =	vst v63  }
0x34f: {  	s12 =	sadd.s32 $0x2780, s0;
	s14 =	simm.s32 $0x19600  }
0x350: {  	[tilespmem:s14], [sflag:$0x2] =	stream.linear.gather [spmem:s12], $0x80, $0x38;
	[tilespmem:$0x1F900] =	vst v63  }
0x351: {  	s12 =	sadd.s32 $0x2800, s0;
	s14 =	simm.s32 $0x19700  }
0x352: {  	[tilespmem:s14], [sflag:$0x2] =	stream.linear.gather [spmem:s12], $0x80, $0x38;
	[tilespmem:$0x1F900] =	vst v63  }
0x353: {  	s12 =	sadd.s32 $0x2880, s0;
	s14 =	simm.s32 $0x19800  }
0x354: {  	[tilespmem:s14], [sflag:$0x2] =	stream.linear.gather [spmem:s12], $0x80, $0x38;
	[tilespmem:$0x1F900] =	vst v63  }
0x355: {  	s12 =	sadd.s32 $0x2900, s0;
	s14 =	simm.s32 $0x19900  }
0x356: {  	[tilespmem:s14], [sflag:$0x2] =	stream.linear.gather [spmem:s12], $0x80, $0x38;
	[tilespmem:$0x1F900] =	vst v63  }
0x357: {  	s12 =	sadd.s32 $0x2980, s0;
	s14 =	simm.s32 $0x19A00  }
0x358: {  	[tilespmem:s14], [sflag:$0x2] =	stream.linear.gather [spmem:s12], $0x80, $0x38;
	[tilespmem:$0x1F900] =	vst v63  }
0x359: {  	s12 =	sadd.s32 $0x2A00, s0;
	s14 =	simm.s32 $0x19B00  }
0x35a: {  	[tilespmem:s14], [sflag:$0x2] =	stream.linear.gather [spmem:s12], $0x80, $0x38;
	[tilespmem:$0x1F900] =	vst v63  }
0x35b: {  	s12 =	sadd.s32 $0x2A80, s0;
	s14 =	simm.s32 $0x19C00  }
0x35c: {  	[tilespmem:s14], [sflag:$0x2] =	stream.linear.gather [spmem:s12], $0x80, $0x38;
	[tilespmem:$0x1F900] =	vst v63  }
0x35d: {  	s12 =	sadd.s32 $0x2B00, s0;
	s14 =	simm.s32 $0x19D00  }
0x35e: {  	[tilespmem:s14], [sflag:$0x2] =	stream.linear.gather [spmem:s12], $0x80, $0x38;
	[tilespmem:$0x1F900] =	vst v63  }
0x35f: {  	s12 =	sadd.s32 $0x2B80, s0;
	s14 =	simm.s32 $0x19E00  }
0x360: {  	[tilespmem:s14], [sflag:$0x2] =	stream.linear.gather [spmem:s12], $0x80, $0x38;
	[tilespmem:$0x1F900] =	vst v63  }
0x361: {  	s12 =	sadd.s32 $0x2C00, s0;
	s14 =	simm.s32 $0x19F00  }
0x362: {  	[tilespmem:s14], [sflag:$0x2] =	stream.linear.gather [spmem:s12], $0x80, $0x38;
	[tilespmem:$0x1F900] =	vst v63  }
0x363: {  	s12 =	sadd.s32 $0x2C80, s0;
	s14 =	simm.s32 $0x1A000  }
0x364: {  	[tilespmem:s14], [sflag:$0x2] =	stream.linear.gather [spmem:s12], $0x80, $0x38;
	[tilespmem:$0x1F900] =	vst v63  }
0x365: {  	s12 =	sadd.s32 $0x2D00, s0;
	s14 =	simm.s32 $0x1A100  }
0x366: {  	[tilespmem:s14], [sflag:$0x2] =	stream.linear.gather [spmem:s12], $0x80, $0x38;
	[tilespmem:$0x1F900] =	vst v63  }
0x367: {  	s12 =	sadd.s32 $0x2D80, s0;
	s14 =	simm.s32 $0x1A200  }
0x368: {  	[tilespmem:s14], [sflag:$0x2] =	stream.linear.gather [spmem:s12], $0x80, $0x38;
	[tilespmem:$0x1F900] =	vst v63  }
0x369: {  	s12 =	sadd.s32 $0x2E00, s0;
	s14 =	simm.s32 $0x1A300  }
0x36a: {  	[tilespmem:s14], [sflag:$0x2] =	stream.linear.gather [spmem:s12], $0x80, $0x38;
	[tilespmem:$0x1F900] =	vst v63  }
0x36b: {  	s12 =	sadd.s32 $0x2E80, s0;
	s14 =	simm.s32 $0x1A400  }
0x36c: {  	[tilespmem:s14], [sflag:$0x2] =	stream.linear.gather [spmem:s12], $0x80, $0x38;
	[tilespmem:$0x1F900] =	vst v63  }
0x36d: {  	s10 =	sadd.s32 $0x2F00, s0;
	s12 =	simm.s32 $0x1A500  }
0x36e: {  	[tilespmem:s12], [sflag:$0x2] =	stream.linear.gather [spmem:s10], $0x80, $0x38;
	[tilespmem:$0x1F900] =	vst v63  }
.Ltmp11:
0x36f: {  	s0 =	sadd.s32 $0x2F80, s0;
	s14 =	simm.s32 $0x1A600;
	(pc) =	sbr.rel @p1 .LBB2_20-.Ltmp11, $4  }
0x370: {  	[tilespmem:s14], [sflag:$0x2] =	stream.linear.gather [spmem:s0], $0x80, $0x38;
	[tilespmem:$0x1F900] =	vst v63  }
0x371: {  	_ =	swait.ge [sflag:s26], $0x1000  }
0x372: {  	[sflag:s26] =	ssyncset.done $0x0  }
0x373: {  	[sflag:s26] =	ssyncadd.s32 $0xFFFFF000  }
.LBB2_19:
0x374: {  	_ =	swait.ge [sflag:s28], $0x1000  }
0x375: {  	[sflag:s28] =	ssyncset.done $0x0  }
0x376: {  	[sflag:s28] =	ssyncadd.s32 $0xFFFFF000  }
.LBB2_20:
0x377: {  	s0 =	simm.s32 $0x18980  }
0x378: {  	v0 =	vld [tilespmem:s0+$0x170]  }
0x379: {  	v1 =	vld [tilespmem:s0+$0xFFFFFE10]  }
0x37a: {  	v2 =	vld [tilespmem:s0+$0xFFFFFE20]  }
0x37b: {  	v3 =	vld [tilespmem:s0+$0xFFFFFE30]  }
0x37c: {  	v4 =	vld [tilespmem:s0+$0xFFFFFE40]  }
0x37d: {  	v5 =	vld [tilespmem:s0+$0xFFFFFE50]  }
0x37e: {  	v6 =	vld [tilespmem:s0+$0xFFFFFE60]  }
0x37f: {  	v7 =	vld [tilespmem:s0+$0xFFFFFE70]  }
0x380: {  	v8 =	vld [tilespmem:s0+$0xFFFFFF00]  }
0x381: {  	v9 =	vld [tilespmem:s0+$0xFFFFFF10]  }
0x382: {  	v10 =	vld [tilespmem:s0+$0xFFFFFF20]  }
0x383: {  	v11 =	vld [tilespmem:s0+$0xFFFFFF30]  }
0x384: {  	v12 =	vld [tilespmem:s0+$0xFFFFFF40]  }
0x385: {  	v13 =	vld [tilespmem:s0+$0xFFFFFF50]  }
0x386: {  	v14 =	vld [tilespmem:s0+$0xFFFFFF60]  }
0x387: {  	v15 =	vld [tilespmem:s0+$0xFFFFFF70]  }
0x388: {  	v16 =	vld [tilespmem:s0+$0x0]  }
0x389: {  	v17 =	vld [tilespmem:s0+$0x10]  }
0x38a: {  	v18 =	vld [tilespmem:s0+$0x20]  }
0x38b: {  	v19 =	vld [tilespmem:s0+$0x30]  }
0x38c: {  	v20 =	vld [tilespmem:s0+$0x40]  }
0x38d: {  	v21 =	vld [tilespmem:s0+$0x50]  }
0x38e: {  	v22 =	vld [tilespmem:s0+$0x60]  }
0x38f: {  	v23 =	vld [tilespmem:s0+$0x70]  }
0x390: {  	v24 =	vld [tilespmem:s0+$0x100]  }
0x391: {  	v25 =	vld [tilespmem:s0+$0x110]  }
0x392: {  	v26 =	vld [tilespmem:s0+$0x120]  }
0x393: {  	v27 =	vld [tilespmem:s0+$0x130]  }
0x394: {  	v28 =	vld [tilespmem:s0+$0x140]  }
0x395: {  	v29 =	vld [tilespmem:s0+$0x150]  }
0x396: {  	v30 =	vld [tilespmem:s0+$0x160]  }
0x397: {  	v31 =	vld [tilespmem:s0+$0xFFFFFE00]  }
0x398: {  	v0 =	vld.idx.msk [tilespmem:v0+s3+$0x0], $0xffff  }
0x399: {  	v1 =	vld.idx.msk [tilespmem:v1+s3+$0x0], $0xffff  }
0x39a: {  	v2 =	vld.idx.msk [tilespmem:v2+s3+$0x0], $0xffff  }
0x39b: {  	v3 =	vld.idx.msk [tilespmem:v3+s3+$0x0], $0xffff  }
0x39c: {  	v4 =	vld.idx.msk [tilespmem:v4+s3+$0x0], $0xffff  }
0x39d: {  	s0 =	simm.s32 $0x1A980;
	v5 =	vld.idx.msk [tilespmem:v5+s3+$0x0], $0xffff  }
0x39e: {  	[tilespmem:s0+$0x170] =	vst v0;
	v0 =	vld.idx.msk [tilespmem:v6+s3+$0x0], $0xffff  }
0x39f: {  	[tilespmem:s0+$0xFFFFFE10] =	vst v1;
	v1 =	vld.idx.msk [tilespmem:v7+s3+$0x0], $0xffff  }
0x3a0: {  	v6 =	vld.idx.msk [tilespmem:v31+s3+$0x0], $0xffff;
	[tilespmem:s0+$0xFFFFFE20] =	vst v2  }
0x3a1: {  	[tilespmem:s0+$0xFFFFFE30] =	vst v3;
	v2 =	vld.idx.msk [tilespmem:v8+s3+$0x0], $0xffff  }
0x3a2: {  	[tilespmem:s0+$0xFFFFFE40] =	vst v4;
	v3 =	vld.idx.msk [tilespmem:v9+s3+$0x0], $0xffff  }
0x3a3: {  	[tilespmem:s0+$0xFFFFFE50] =	vst v5;
	v4 =	vld.idx.msk [tilespmem:v10+s3+$0x0], $0xffff  }
0x3a4: {  	v5 =	vld.idx.msk [tilespmem:v13+s3+$0x0], $0xffff;
	[tilespmem:s0+$0xFFFFFE60] =	vst v0  }
0x3a5: {  	v7 =	vld.idx.msk [tilespmem:v24+s3+$0x0], $0xffff;
	[tilespmem:s0+$0xFFFFFE70] =	vst v1  }
0x3a6: {  	v0 =	vld.idx.msk [tilespmem:v11+s3+$0x0], $0xffff;
	[tilespmem:s0+$0xFFFFFE00] =	vst v6  }
0x3a7: {  	v1 =	vld.idx.msk [tilespmem:v12+s3+$0x0], $0xffff;
	[tilespmem:s0+$0xFFFFFF00] =	vst v2  }
0x3a8: {  	v2 =	vld.idx.msk [tilespmem:v14+s3+$0x0], $0xffff;
	[tilespmem:s0+$0xFFFFFF10] =	vst v3  }
0x3a9: {  	v3 =	vld.idx.msk [tilespmem:v15+s3+$0x0], $0xffff;
	[tilespmem:s0+$0xFFFFFF20] =	vst v4  }
0x3aa: {  	v4 =	vld.idx.msk [tilespmem:v16+s3+$0x0], $0xffff;
	[tilespmem:s0+$0xFFFFFF50] =	vst v5  }
0x3ab: {  	v5 =	vld.idx.msk [tilespmem:v19+s3+$0x0], $0xffff;
	[tilespmem:s0+$0x100] =	vst v7  }
0x3ac: {  	v6 =	vld.idx.msk [tilespmem:v23+s3+$0x0], $0xffff;
	[tilespmem:s0+$0xFFFFFF30] =	vst v0  }
0x3ad: {  	v0 =	vld.idx.msk [tilespmem:v17+s3+$0x0], $0xffff;
	[tilespmem:s0+$0xFFFFFF40] =	vst v1  }
0x3ae: {  	v1 =	vld.idx.msk [tilespmem:v18+s3+$0x0], $0xffff;
	[tilespmem:s0+$0xFFFFFF60] =	vst v2  }
0x3af: {  	v2 =	vld.idx.msk [tilespmem:v20+s3+$0x0], $0xffff;
	[tilespmem:s0+$0xFFFFFF70] =	vst v3  }
0x3b0: {  	v3 =	vld.idx.msk [tilespmem:v21+s3+$0x0], $0xffff;
	[tilespmem:s0+$0x0] =	vst v4  }
0x3b1: {  	v4 =	vld.idx.msk [tilespmem:v22+s3+$0x0], $0xffff;
	[tilespmem:s0+$0x30] =	vst v5  }
0x3b2: {  	[tilespmem:s0+$0x70] =	vst v6;
	v5 =	vld.idx.msk [tilespmem:v30+s3+$0x0], $0xffff  }
0x3b3: {  	[tilespmem:s0+$0x10] =	vst v0;
	v0 =	vld.idx.msk [tilespmem:v25+s3+$0x0], $0xffff  }
0x3b4: {  	[tilespmem:s0+$0x20] =	vst v1;
	v1 =	vld.idx.msk [tilespmem:v26+s3+$0x0], $0xffff  }
0x3b5: {  	[tilespmem:s0+$0x40] =	vst v2;
	v2 =	vld.idx.msk [tilespmem:v27+s3+$0x0], $0xffff  }
0x3b6: {  	[tilespmem:s0+$0x50] =	vst v3;
	v3 =	vld.idx.msk [tilespmem:v28+s3+$0x0], $0xffff  }
0x3b7: {  	s4 =	simm.s32 $0x0;
	s14 =	simm.s32 $0x18D80;
	[tilespmem:s0+$0x60] =	vst v4;
	v4 =	vld.idx.msk [tilespmem:v29+s3+$0x0], $0xffff  }
.LBB2_21:
0x3b8: {  	v6 =	vld [tilespmem:s14+$0x170];
	s4 =	sadd.s32 $0x20, s4;
	[tilespmem:s0+$0x110] =	vst v0  }
0x3b9: {  	v0 =	vld [tilespmem:s14+$0xFFFFFE10];
	p1 =	slt.u32 s4, $0xE0;
	[tilespmem:s0+$0x120] =	vst v1  }
0x3ba: {  	v1 =	vld [tilespmem:s14+$0xFFFFFE20];
	[tilespmem:s0+$0x130] =	vst v2  }
0x3bb: {  	v2 =	vld [tilespmem:s14+$0xFFFFFE30];
	[tilespmem:s0+$0x140] =	vst v3  }
0x3bc: {  	v3 =	vld [tilespmem:s14+$0xFFFFFE40];
	[tilespmem:s0+$0x150] =	vst v4  }
0x3bd: {  	v4 =	vld [tilespmem:s14+$0xFFFFFE50];
	[tilespmem:s0+$0x160] =	vst v5  }
0x3be: {  	v5 =	vld [tilespmem:s14+$0xFFFFFE60]  }
0x3bf: {  	v7 =	vld [tilespmem:s14+$0xFFFFFE70]  }
0x3c0: {  	v6 =	vld.idx.msk [tilespmem:v6+s3+$0x0], $0xffff  }
0x3c1: {  	v8 =	vld [tilespmem:s14+$0xFFFFFF00]  }
0x3c2: {  	v9 =	vld [tilespmem:s14+$0xFFFFFF10]  }
0x3c3: {  	v10 =	vld [tilespmem:s14+$0xFFFFFF20]  }
0x3c4: {  	v11 =	vld [tilespmem:s14+$0xFFFFFF30]  }
0x3c5: {  	s0 =	sadd.s32 $0x400, s0;
	v12 =	vld [tilespmem:s14+$0xFFFFFF40]  }
0x3c6: {  	v13 =	vld [tilespmem:s14+$0xFFFFFF50];
	[tilespmem:s0+$0x170] =	vst v6  }
0x3c7: {  	v6 =	vld [tilespmem:s14+$0xFFFFFF60]  }
0x3c8: {  	v14 =	vld [tilespmem:s14+$0xFFFFFF70]  }
0x3c9: {  	v15 =	vld [tilespmem:s14+$0x0]  }
0x3ca: {  	v16 =	vld [tilespmem:s14+$0x10]  }
0x3cb: {  	v17 =	vld [tilespmem:s14+$0x20]  }
0x3cc: {  	v18 =	vld [tilespmem:s14+$0x30]  }
0x3cd: {  	v19 =	vld [tilespmem:s14+$0x40]  }
0x3ce: {  	v20 =	vld [tilespmem:s14+$0x50]  }
0x3cf: {  	v21 =	vld [tilespmem:s14+$0x60]  }
0x3d0: {  	v22 =	vld [tilespmem:s14+$0x70]  }
0x3d1: {  	v23 =	vld [tilespmem:s14+$0x100]  }
0x3d2: {  	v24 =	vld [tilespmem:s14+$0x110]  }
0x3d3: {  	v25 =	vld [tilespmem:s14+$0x120]  }
0x3d4: {  	v26 =	vld [tilespmem:s14+$0x130]  }
0x3d5: {  	v27 =	vld [tilespmem:s14+$0x140]  }
0x3d6: {  	v28 =	vld [tilespmem:s14+$0x150]  }
0x3d7: {  	v29 =	vld [tilespmem:s14+$0x160]  }
0x3d8: {  	v30 =	vld [tilespmem:s14+$0xFFFFFE00]  }
0x3d9: {  	v0 =	vld.idx.msk [tilespmem:v0+s3+$0x0], $0xffff  }
0x3da: {  	v1 =	vld.idx.msk [tilespmem:v1+s3+$0x0], $0xffff  }
0x3db: {  	v2 =	vld.idx.msk [tilespmem:v2+s3+$0x0], $0xffff  }
0x3dc: {  	v3 =	vld.idx.msk [tilespmem:v3+s3+$0x0], $0xffff  }
0x3dd: {  	v4 =	vld.idx.msk [tilespmem:v4+s3+$0x0], $0xffff  }
0x3de: {  	v5 =	vld.idx.msk [tilespmem:v5+s3+$0x0], $0xffff  }
0x3df: {  	[tilespmem:s0+$0xFFFFFE10] =	vst v0;
	v0 =	vld.idx.msk [tilespmem:v7+s3+$0x0], $0xffff  }
0x3e0: {  	v7 =	vld.idx.msk [tilespmem:v30+s3+$0x0], $0xffff;
	[tilespmem:s0+$0xFFFFFE20] =	vst v1  }
0x3e1: {  	[tilespmem:s0+$0xFFFFFE30] =	vst v2;
	v1 =	vld.idx.msk [tilespmem:v8+s3+$0x0], $0xffff  }
0x3e2: {  	[tilespmem:s0+$0xFFFFFE40] =	vst v3;
	v2 =	vld.idx.msk [tilespmem:v9+s3+$0x0], $0xffff  }
0x3e3: {  	[tilespmem:s0+$0xFFFFFE50] =	vst v4;
	v3 =	vld.idx.msk [tilespmem:v10+s3+$0x0], $0xffff  }
0x3e4: {  	[tilespmem:s0+$0xFFFFFE60] =	vst v5;
	v4 =	vld.idx.msk [tilespmem:v11+s3+$0x0], $0xffff  }
0x3e5: {  	[tilespmem:s0+$0xFFFFFE70] =	vst v0;
	v0 =	vld.idx.msk [tilespmem:v12+s3+$0x0], $0xffff  }
0x3e6: {  	[tilespmem:s0+$0xFFFFFE00] =	vst v7;
	v5 =	vld.idx.msk [tilespmem:v13+s3+$0x0], $0xffff  }
0x3e7: {  	[tilespmem:s0+$0xFFFFFF00] =	vst v1;
	v1 =	vld.idx.msk [tilespmem:v6+s3+$0x0], $0xffff  }
0x3e8: {  	[tilespmem:s0+$0xFFFFFF10] =	vst v2;
	v2 =	vld.idx.msk [tilespmem:v14+s3+$0x0], $0xffff  }
0x3e9: {  	[tilespmem:s0+$0xFFFFFF20] =	vst v3;
	v3 =	vld.idx.msk [tilespmem:v15+s3+$0x0], $0xffff  }
0x3ea: {  	[tilespmem:s0+$0xFFFFFF30] =	vst v4;
	v4 =	vld.idx.msk [tilespmem:v16+s3+$0x0], $0xffff  }
0x3eb: {  	[tilespmem:s0+$0xFFFFFF40] =	vst v0;
	v0 =	vld.idx.msk [tilespmem:v17+s3+$0x0], $0xffff  }
0x3ec: {  	[tilespmem:s0+$0xFFFFFF50] =	vst v5;
	v5 =	vld.idx.msk [tilespmem:v18+s3+$0x0], $0xffff  }
0x3ed: {  	[tilespmem:s0+$0xFFFFFF60] =	vst v1;
	v1 =	vld.idx.msk [tilespmem:v19+s3+$0x0], $0xffff  }
0x3ee: {  	[tilespmem:s0+$0xFFFFFF70] =	vst v2;
	v2 =	vld.idx.msk [tilespmem:v20+s3+$0x0], $0xffff  }
0x3ef: {  	[tilespmem:s0+$0x0] =	vst v3;
	v3 =	vld.idx.msk [tilespmem:v21+s3+$0x0], $0xffff  }
0x3f0: {  	[tilespmem:s0+$0x10] =	vst v4;
	v4 =	vld.idx.msk [tilespmem:v22+s3+$0x0], $0xffff  }
0x3f1: {  	[tilespmem:s0+$0x20] =	vst v0;
	v6 =	vld.idx.msk [tilespmem:v23+s3+$0x0], $0xffff  }
0x3f2: {  	[tilespmem:s0+$0x30] =	vst v5;
	v0 =	vld.idx.msk [tilespmem:v24+s3+$0x0], $0xffff  }
.Ltmp12:
0x3f3: {  	[tilespmem:s0+$0x40] =	vst v1;
	v1 =	vld.idx.msk [tilespmem:v25+s3+$0x0], $0xffff;
	(pc) =	sbr.rel @p1 .LBB2_21-.Ltmp12, $4  }
0x3f4: {  	[tilespmem:s0+$0x50] =	vst v2;
	v2 =	vld.idx.msk [tilespmem:v26+s3+$0x0], $0xffff  }
0x3f5: {  	[tilespmem:s0+$0x60] =	vst v3;
	v3 =	vld.idx.msk [tilespmem:v27+s3+$0x0], $0xffff  }
0x3f6: {  	[tilespmem:s0+$0x70] =	vst v4;
	v4 =	vld.idx.msk [tilespmem:v28+s3+$0x0], $0xffff  }
0x3f7: {  	s14 =	sadd.s32 $0x400, s14;
	[tilespmem:s0+$0x100] =	vst v6;
	v5 =	vld.idx.msk [tilespmem:v29+s3+$0x0], $0xffff  }
0x3f8: {  	[tilespmem:s0+$0x110] =	vst v0  }
0x3f9: {  	[tilespmem:s0+$0x120] =	vst v1  }
0x3fa: {  	[tilespmem:s0+$0x130] =	vst v2  }
0x3fb: {  	[tilespmem:s0+$0x140] =	vst v3  }
0x3fc: {  	[tilespmem:s0+$0x150] =	vst v4  }
0x3fd: {  	s4 =	rddreg [dreg:$0xc]  }
0x3fe: {  	s14 =	simm.s32 $0x1A780;
	s4 =	sadd.s32 s31, s4  }
0x3ff: {  	s10 =	simm.s32 $0x1A880;
	[tilespmem:s0+$0x160] =	vst v5;
	s0 =	simm.s32 $0x80;
	s12 =	sadd.s32 $0x0, s4  }
.LBB2_23:
0x400: {  	[hbm4b:s12+s3] =	stream.linear.scatter [tilespmem:s14], [sflag:$0x5], $0x80, $0x38;
	[tilespmem:$0x1F900] =	vst v63  }
0x401: {  	s12 =	smov.u32 s0;
	s14 =	smov.u32 s10;
	p1 =	sne.s32 s0, $0xF80  }
.Ltmp13:
0x402: {  	s0 =	sadd.s32 $0x80, s0;
	(pc) =	sbr.rel @p1 .LBB2_23-.Ltmp13, $2  }
0x403: {  	_ =	sdelay $0x2  }
0x404: {  	s10 =	sadd.s32 $0x100, s10;
	s12 =	sadd.s32 s12, s4  }
0x405: {  	p1 =	seq.s32 s29, $0x18  }
.Ltmp14:
0x406: {  	_ = 	snop;
	(pc) =	sbr.rel @p1 .LBB2_26-.Ltmp14, $2  }
0x407: {  	_ =	sdelay $0x2  }
0x408: {  	[hbm4b:s12+s3] =	stream.linear.scatter [tilespmem:s14], [sflag:$0x5], $0x80, $0x38;
	[tilespmem:$0x1F900] =	vst v63  }
0x409: {  	s0 =	sshrl.u32 s30, $0x2  }
0x40a: {  	s0 =	sadd.s32 s0, s2  }
0x40b: {  	s10 =	simm.s32 $0x18780;
	s4 =	sadd.s32 $0x3000, s0  }
0x40c: {  	[tilespmem:s10], [sflag:$0x3] =	stream.linear.gather [spmem:s4], $0x80, $0x38;
	[tilespmem:$0x1F900] =	vst v63  }
0x40d: {  	s31 =	simm.s32 $0x18880;
	s30 =	sadd.s32 $0x3080, s0  }
0x40e: {  	[tilespmem:s31], [sflag:$0x3] =	stream.linear.gather [spmem:s30], $0x80, $0x38;
	[tilespmem:$0x1F900] =	vst v63  }
0x40f: {  	s14 =	simm.s32 $0x18980;
	s12 =	sadd.s32 $0x3100, s0  }
0x410: {  	[tilespmem:s14], [sflag:$0x3] =	stream.linear.gather [spmem:s12], $0x80, $0x38;
	[tilespmem:$0x1F900] =	vst v63  }
0x411: {  	s30 =	sadd.s32 $0x3180, s0;
	s31 =	simm.s32 $0x18A80  }
0x412: {  	[tilespmem:s31], [sflag:$0x3] =	stream.linear.gather [spmem:s30], $0x80, $0x38;
	[tilespmem:$0x1F900] =	vst v63  }
0x413: {  	s12 =	sadd.s32 $0x3200, s0;
	s14 =	simm.s32 $0x18B80  }
0x414: {  	[tilespmem:s14], [sflag:$0x3] =	stream.linear.gather [spmem:s12], $0x80, $0x38;
	[tilespmem:$0x1F900] =	vst v63  }
0x415: {  	s30 =	sadd.s32 $0x3280, s0;
	s31 =	simm.s32 $0x18C80  }
0x416: {  	[tilespmem:s31], [sflag:$0x3] =	stream.linear.gather [spmem:s30], $0x80, $0x38;
	[tilespmem:$0x1F900] =	vst v63  }
0x417: {  	s12 =	sadd.s32 $0x3300, s0;
	s14 =	simm.s32 $0x18D80  }
0x418: {  	[tilespmem:s14], [sflag:$0x3] =	stream.linear.gather [spmem:s12], $0x80, $0x38;
	[tilespmem:$0x1F900] =	vst v63  }
0x419: {  	s30 =	sadd.s32 $0x3380, s0;
	s31 =	simm.s32 $0x18E80  }
0x41a: {  	[tilespmem:s31], [sflag:$0x3] =	stream.linear.gather [spmem:s30], $0x80, $0x38;
	[tilespmem:$0x1F900] =	vst v63  }
0x41b: {  	s12 =	sadd.s32 $0x3400, s0;
	s14 =	simm.s32 $0x18F80  }
0x41c: {  	[tilespmem:s14], [sflag:$0x3] =	stream.linear.gather [spmem:s12], $0x80, $0x38;
	[tilespmem:$0x1F900] =	vst v63  }
0x41d: {  	s30 =	sadd.s32 $0x3480, s0;
	s31 =	simm.s32 $0x19080  }
0x41e: {  	[tilespmem:s31], [sflag:$0x3] =	stream.linear.gather [spmem:s30], $0x80, $0x38;
	[tilespmem:$0x1F900] =	vst v63  }
0x41f: {  	s12 =	sadd.s32 $0x3500, s0;
	s14 =	simm.s32 $0x19180  }
0x420: {  	[tilespmem:s14], [sflag:$0x3] =	stream.linear.gather [spmem:s12], $0x80, $0x38;
	[tilespmem:$0x1F900] =	vst v63  }
0x421: {  	s30 =	sadd.s32 $0x3580, s0;
	s31 =	simm.s32 $0x19280  }
0x422: {  	[tilespmem:s31], [sflag:$0x3] =	stream.linear.gather [spmem:s30], $0x80, $0x38;
	[tilespmem:$0x1F900] =	vst v63  }
0x423: {  	s12 =	sadd.s32 $0x3600, s0;
	s14 =	simm.s32 $0x19380  }
0x424: {  	[tilespmem:s14], [sflag:$0x3] =	stream.linear.gather [spmem:s12], $0x80, $0x38;
	[tilespmem:$0x1F900] =	vst v63  }
0x425: {  	s30 =	sadd.s32 $0x3680, s0;
	s31 =	simm.s32 $0x19480  }
0x426: {  	[tilespmem:s31], [sflag:$0x3] =	stream.linear.gather [spmem:s30], $0x80, $0x38;
	[tilespmem:$0x1F900] =	vst v63  }
0x427: {  	s12 =	sadd.s32 $0x3700, s0;
	s14 =	simm.s32 $0x19580  }
0x428: {  	[tilespmem:s14], [sflag:$0x3] =	stream.linear.gather [spmem:s12], $0x80, $0x38;
	[tilespmem:$0x1F900] =	vst v63  }
0x429: {  	s30 =	sadd.s32 $0x3780, s0;
	s31 =	simm.s32 $0x19680  }
0x42a: {  	[tilespmem:s31], [sflag:$0x3] =	stream.linear.gather [spmem:s30], $0x80, $0x38;
	[tilespmem:$0x1F900] =	vst v63  }
0x42b: {  	s12 =	sadd.s32 $0x3800, s0;
	s14 =	simm.s32 $0x19780  }
0x42c: {  	[tilespmem:s14], [sflag:$0x3] =	stream.linear.gather [spmem:s12], $0x80, $0x38;
	[tilespmem:$0x1F900] =	vst v63  }
0x42d: {  	s30 =	sadd.s32 $0x3880, s0;
	s31 =	simm.s32 $0x19880  }
0x42e: {  	[tilespmem:s31], [sflag:$0x3] =	stream.linear.gather [spmem:s30], $0x80, $0x38;
	[tilespmem:$0x1F900] =	vst v63  }
0x42f: {  	s10 =	sadd.s32 $0x3900, s0;
	s12 =	simm.s32 $0x19980  }
0x430: {  	[tilespmem:s12], [sflag:$0x3] =	stream.linear.gather [spmem:s10], $0x80, $0x38;
	[tilespmem:$0x1F900] =	vst v63  }
0x431: {  	s14 =	sadd.s32 $0x3980, s0;
	s30 =	simm.s32 $0x19A80  }
0x432: {  	[tilespmem:s30], [sflag:$0x3] =	stream.linear.gather [spmem:s14], $0x80, $0x38;
	[tilespmem:$0x1F900] =	vst v63  }
0x433: {  	s31 =	sadd.s32 $0x3A00, s0  }
0x434: {  	[tilespmem:s16], [sflag:$0x3] =	stream.linear.gather [spmem:s31], $0x80, $0x38;
	[tilespmem:$0x1F900] =	vst v63  }
0x435: {  	s10 =	sadd.s32 $0x3A80, s0  }
0x436: {  	[tilespmem:s17], [sflag:$0x3] =	stream.linear.gather [spmem:s10], $0x80, $0x38;
	[tilespmem:$0x1F900] =	vst v63  }
0x437: {  	s12 =	sadd.s32 $0x3B00, s0  }
0x438: {  	[tilespmem:s19], [sflag:$0x3] =	stream.linear.gather [spmem:s12], $0x80, $0x38;
	[tilespmem:$0x1F900] =	vst v63  }
0x439: {  	s14 =	sadd.s32 $0x3B80, s0  }
0x43a: {  	[tilespmem:s15], [sflag:$0x3] =	stream.linear.gather [spmem:s14], $0x80, $0x38;
	[tilespmem:$0x1F900] =	vst v63  }
0x43b: {  	s30 =	sadd.s32 $0x3C00, s0  }
0x43c: {  	[tilespmem:s6], [sflag:$0x3] =	stream.linear.gather [spmem:s30], $0x80, $0x38;
	[tilespmem:$0x1F900] =	vst v63  }
0x43d: {  	s31 =	sadd.s32 $0x3C80, s0  }
0x43e: {  	[tilespmem:s18], [sflag:$0x3] =	stream.linear.gather [spmem:s31], $0x80, $0x38;
	[tilespmem:$0x1F900] =	vst v63  }
0x43f: {  	s10 =	sadd.s32 $0x3D00, s0  }
0x440: {  	[tilespmem:s20], [sflag:$0x3] =	stream.linear.gather [spmem:s10], $0x80, $0x38;
	[tilespmem:$0x1F900] =	vst v63  }
0x441: {  	s12 =	sadd.s32 $0x3D80, s0  }
0x442: {  	[tilespmem:s21], [sflag:$0x3] =	stream.linear.gather [spmem:s12], $0x80, $0x38;
	[tilespmem:$0x1F900] =	vst v63  }
0x443: {  	s14 =	sadd.s32 $0x3E00, s0  }
0x444: {  	[tilespmem:s22], [sflag:$0x3] =	stream.linear.gather [spmem:s14], $0x80, $0x38;
	[tilespmem:$0x1F900] =	vst v63  }
0x445: {  	s30 =	sadd.s32 $0x3E80, s0  }
0x446: {  	[tilespmem:s8], [sflag:$0x3] =	stream.linear.gather [spmem:s30], $0x80, $0x38;
	[tilespmem:$0x1F900] =	vst v63  }
.Ltmp15:
0x447: {  	_ = 	snop;
	(pc) =	sbr.rel .LBB2_12-.Ltmp15, $4  }
0x448: {  	s31 =	sadd.s32 $0x3F00, s0  }
0x449: {  	[tilespmem:s23], [sflag:$0x3] =	stream.linear.gather [spmem:s31], $0x80, $0x38;
	[tilespmem:$0x1F900] =	vst v63  }
0x44a: {  	s29 =	sadd.s32 $0x1, s29;
	s0 =	sadd.s32 $0x3F80, s0  }
0x44b: {  	[tilespmem:s24], [sflag:$0x3] =	stream.linear.gather [spmem:s0], $0x80, $0x38;
	[tilespmem:$0x1F900] =	vst v63  }
.LBB2_26:
0x44c: {  	s0 =	simm.s32 $0x4  }
0x44d: {  	_ =	swait.ge [sflag:s0], $0x1000  }
0x44e: {  	[sflag:s0] =	ssyncset.done $0x0  }
0x44f: {  	[sflag:s0] =	ssyncadd.s32 $0xFFFFF000  }
0x450: {  	_ =	swait.ge [sflag:s28], $0x1000  }
0x451: {  	s29 =	simm.s32 $0x0;
	s4 =	simm.s32 $0x80;
	[sflag:s28] =	ssyncset.done $0x0  }
0x452: {  	s10 =	simm.s32 $0x400;
	s12 =	rddreg [dreg:$0xd];
	[sflag:s28] =	ssyncadd.s32 $0xFFFFF000  }
0x453: {  	[tilespmem:s29], [sflag:$0x1] =	stream.strided.gather [hbm4b:s12+s4], $0x18700, s10, s4, $0x38;
	[tilespmem:$0x1F900] =	vst v63  }
0x454: {  	s14 =	simm.s32 $0x18700;
	s30 =	sld [smem:$0x7C0]  }
0x455: {  	[tilespmem:s14], [sflag:$0x2] =	stream.linear.gather [spmem:s2], $0x80, $0x38;
	[tilespmem:$0x1F900] =	vst v63  }
0x456: {  	s31 =	simm.s32 $0x18800;
	s4 =	sld [smem:$0x7C1]  }
0x457: {  	[tilespmem:s31], [sflag:$0x2] =	stream.linear.gather [spmem:s30], $0x80, $0x38;
	[tilespmem:$0x1F900] =	vst v63  }
0x458: {  	s10 =	simm.s32 $0x18900;
	s12 =	sld [smem:$0x7C2]  }
0x459: {  	[tilespmem:s10], [sflag:$0x2] =	stream.linear.gather [spmem:s4], $0x80, $0x38;
	[tilespmem:$0x1F900] =	vst v63  }
0x45a: {  	s14 =	simm.s32 $0x18A00;
	s30 =	sld [smem:$0x7C3]  }
0x45b: {  	[tilespmem:s14], [sflag:$0x2] =	stream.linear.gather [spmem:s12], $0x80, $0x38;
	[tilespmem:$0x1F900] =	vst v63  }
0x45c: {  	s31 =	simm.s32 $0x18B00;
	s4 =	sld [smem:$0x7C4]  }
0x45d: {  	[tilespmem:s31], [sflag:$0x2] =	stream.linear.gather [spmem:s30], $0x80, $0x38;
	[tilespmem:$0x1F900] =	vst v63  }
0x45e: {  	s10 =	simm.s32 $0x18C00;
	s12 =	sld [smem:$0x7C5]  }
0x45f: {  	[tilespmem:s10], [sflag:$0x2] =	stream.linear.gather [spmem:s4], $0x80, $0x38;
	[tilespmem:$0x1F900] =	vst v63  }
0x460: {  	s14 =	simm.s32 $0x18D00;
	s30 =	sld [smem:$0x7C6]  }
0x461: {  	[tilespmem:s14], [sflag:$0x2] =	stream.linear.gather [spmem:s12], $0x80, $0x38;
	[tilespmem:$0x1F900] =	vst v63  }
0x462: {  	s31 =	simm.s32 $0x18E00;
	s4 =	sld [smem:$0x7C7]  }
0x463: {  	[tilespmem:s31], [sflag:$0x2] =	stream.linear.gather [spmem:s30], $0x80, $0x38;
	[tilespmem:$0x1F900] =	vst v63  }
0x464: {  	s10 =	simm.s32 $0x18F00;
	s12 =	sld [smem:$0x7C8]  }
0x465: {  	[tilespmem:s10], [sflag:$0x2] =	stream.linear.gather [spmem:s4], $0x80, $0x38;
	[tilespmem:$0x1F900] =	vst v63  }
0x466: {  	s14 =	simm.s32 $0x19000;
	s30 =	sld [smem:$0x7C9]  }
0x467: {  	[tilespmem:s14], [sflag:$0x2] =	stream.linear.gather [spmem:s12], $0x80, $0x38;
	[tilespmem:$0x1F900] =	vst v63  }
0x468: {  	s31 =	simm.s32 $0x19100;
	s4 =	sld [smem:$0x7CA]  }
0x469: {  	[tilespmem:s31], [sflag:$0x2] =	stream.linear.gather [spmem:s30], $0x80, $0x38;
	[tilespmem:$0x1F900] =	vst v63  }
0x46a: {  	s10 =	simm.s32 $0x19200;
	s12 =	sld [smem:$0x7CB]  }
0x46b: {  	[tilespmem:s10], [sflag:$0x2] =	stream.linear.gather [spmem:s4], $0x80, $0x38;
	[tilespmem:$0x1F900] =	vst v63  }
0x46c: {  	s14 =	simm.s32 $0x19300;
	s30 =	sld [smem:$0x7CC]  }
0x46d: {  	[tilespmem:s14], [sflag:$0x2] =	stream.linear.gather [spmem:s12], $0x80, $0x38;
	[tilespmem:$0x1F900] =	vst v63  }
0x46e: {  	s31 =	simm.s32 $0x19400;
	s4 =	sld [smem:$0x7CD]  }
0x46f: {  	[tilespmem:s31], [sflag:$0x2] =	stream.linear.gather [spmem:s30], $0x80, $0x38;
	[tilespmem:$0x1F900] =	vst v63  }
0x470: {  	s10 =	simm.s32 $0x19500;
	s12 =	sld [smem:$0x7CE]  }
0x471: {  	[tilespmem:s10], [sflag:$0x2] =	stream.linear.gather [spmem:s4], $0x80, $0x38;
	[tilespmem:$0x1F900] =	vst v63  }
0x472: {  	s14 =	simm.s32 $0x19600;
	s30 =	sld [smem:$0x7CF]  }
0x473: {  	[tilespmem:s14], [sflag:$0x2] =	stream.linear.gather [spmem:s12], $0x80, $0x38;
	[tilespmem:$0x1F900] =	vst v63  }
0x474: {  	s31 =	simm.s32 $0x19700;
	s4 =	sld [smem:$0x7D0]  }
0x475: {  	[tilespmem:s31], [sflag:$0x2] =	stream.linear.gather [spmem:s30], $0x80, $0x38;
	[tilespmem:$0x1F900] =	vst v63  }
0x476: {  	s10 =	simm.s32 $0x19800;
	s12 =	sld [smem:$0x7D1]  }
0x477: {  	[tilespmem:s10], [sflag:$0x2] =	stream.linear.gather [spmem:s4], $0x80, $0x38;
	[tilespmem:$0x1F900] =	vst v63  }
0x478: {  	s14 =	simm.s32 $0x19900;
	s30 =	sld [smem:$0x7D2]  }
0x479: {  	[tilespmem:s14], [sflag:$0x2] =	stream.linear.gather [spmem:s12], $0x80, $0x38;
	[tilespmem:$0x1F900] =	vst v63  }
0x47a: {  	s31 =	simm.s32 $0x19A00;
	s4 =	sld [smem:$0x7D3]  }
0x47b: {  	[tilespmem:s31], [sflag:$0x2] =	stream.linear.gather [spmem:s30], $0x80, $0x38;
	[tilespmem:$0x1F900] =	vst v63  }
0x47c: {  	s10 =	simm.s32 $0x19B00;
	s12 =	sld [smem:$0x7D4]  }
0x47d: {  	[tilespmem:s10], [sflag:$0x2] =	stream.linear.gather [spmem:s4], $0x80, $0x38;
	[tilespmem:$0x1F900] =	vst v63  }
0x47e: {  	s14 =	simm.s32 $0x19C00;
	s30 =	sld [smem:$0x7D5]  }
0x47f: {  	[tilespmem:s14], [sflag:$0x2] =	stream.linear.gather [spmem:s12], $0x80, $0x38;
	[tilespmem:$0x1F900] =	vst v63  }
0x480: {  	s31 =	simm.s32 $0x19D00;
	s4 =	sld [smem:$0x7D6]  }
0x481: {  	[tilespmem:s31], [sflag:$0x2] =	stream.linear.gather [spmem:s30], $0x80, $0x38;
	[tilespmem:$0x1F900] =	vst v63  }
0x482: {  	s10 =	simm.s32 $0x19E00;
	s12 =	sld [smem:$0x7D7]  }
0x483: {  	[tilespmem:s10], [sflag:$0x2] =	stream.linear.gather [spmem:s4], $0x80, $0x38;
	[tilespmem:$0x1F900] =	vst v63  }
0x484: {  	s14 =	simm.s32 $0x19F00;
	s30 =	sld [smem:$0x7D8]  }
0x485: {  	[tilespmem:s14], [sflag:$0x2] =	stream.linear.gather [spmem:s12], $0x80, $0x38;
	[tilespmem:$0x1F900] =	vst v63  }
0x486: {  	s31 =	simm.s32 $0x1A000;
	s4 =	sld [smem:$0x7D9]  }
0x487: {  	[tilespmem:s31], [sflag:$0x2] =	stream.linear.gather [spmem:s30], $0x80, $0x38;
	[tilespmem:$0x1F900] =	vst v63  }
0x488: {  	s10 =	simm.s32 $0x1A100;
	s12 =	sld [smem:$0x7DA]  }
0x489: {  	[tilespmem:s10], [sflag:$0x2] =	stream.linear.gather [spmem:s4], $0x80, $0x38;
	[tilespmem:$0x1F900] =	vst v63  }
0x48a: {  	s14 =	simm.s32 $0x1A200;
	s30 =	sld [smem:$0x7DB]  }
0x48b: {  	[tilespmem:s14], [sflag:$0x2] =	stream.linear.gather [spmem:s12], $0x80, $0x38;
	[tilespmem:$0x1F900] =	vst v63  }
0x48c: {  	s31 =	simm.s32 $0x1A300;
	s4 =	sld [smem:$0x7DC]  }
0x48d: {  	[tilespmem:s31], [sflag:$0x2] =	stream.linear.gather [spmem:s30], $0x80, $0x38;
	[tilespmem:$0x1F900] =	vst v63  }
0x48e: {  	s10 =	simm.s32 $0x1A400;
	s12 =	sld [smem:$0x7DD]  }
0x48f: {  	[tilespmem:s10], [sflag:$0x2] =	stream.linear.gather [spmem:s4], $0x80, $0x38;
	[tilespmem:$0x1F900] =	vst v63  }
0x490: {  	s14 =	simm.s32 $0x1A500;
	s30 =	sld [smem:$0x7DE]  }
0x491: {  	[tilespmem:s14], [sflag:$0x2] =	stream.linear.gather [spmem:s12], $0x80, $0x38;
	[tilespmem:$0x1F900] =	vst v63  }
0x492: {  	s31 =	simm.s32 $0x1A600;
	s4 =	rddreg [dreg:$0xa]  }
0x493: {  	[tilespmem:s31], [sflag:$0x2] =	stream.linear.gather [spmem:s30], $0x80, $0x38;
	[tilespmem:$0x1F900] =	vst v63  }
0x494: {  	s10 =	simm.s32 $0x18780;
	s12 =	sld [smem:$0x7DF]  }
0x495: {  	[tilespmem:s10], [sflag:$0x3] =	stream.linear.gather [spmem:s4], $0x80, $0x38;
	[tilespmem:$0x1F900] =	vst v63  }
0x496: {  	s14 =	simm.s32 $0x18880;
	s30 =	sld [smem:$0x7E0]  }
0x497: {  	[tilespmem:s14], [sflag:$0x3] =	stream.linear.gather [spmem:s12], $0x80, $0x38;
	[tilespmem:$0x1F900] =	vst v63  }
0x498: {  	s31 =	simm.s32 $0x18980;
	s4 =	sld [smem:$0x7E1]  }
0x499: {  	[tilespmem:s31], [sflag:$0x3] =	stream.linear.gather [spmem:s30], $0x80, $0x38;
	[tilespmem:$0x1F900] =	vst v63  }
0x49a: {  	s10 =	simm.s32 $0x18A80;
	s12 =	sld [smem:$0x7E2]  }
0x49b: {  	[tilespmem:s10], [sflag:$0x3] =	stream.linear.gather [spmem:s4], $0x80, $0x38;
	[tilespmem:$0x1F900] =	vst v63  }
0x49c: {  	s14 =	simm.s32 $0x18B80;
	s30 =	sld [smem:$0x7E3]  }
0x49d: {  	[tilespmem:s14], [sflag:$0x3] =	stream.linear.gather [spmem:s12], $0x80, $0x38;
	[tilespmem:$0x1F900] =	vst v63  }
0x49e: {  	s31 =	simm.s32 $0x18C80;
	s4 =	sld [smem:$0x7E4]  }
0x49f: {  	[tilespmem:s31], [sflag:$0x3] =	stream.linear.gather [spmem:s30], $0x80, $0x38;
	[tilespmem:$0x1F900] =	vst v63  }
0x4a0: {  	s10 =	simm.s32 $0x18D80;
	s12 =	sld [smem:$0x7E5]  }
0x4a1: {  	[tilespmem:s10], [sflag:$0x3] =	stream.linear.gather [spmem:s4], $0x80, $0x38;
	[tilespmem:$0x1F900] =	vst v63  }
0x4a2: {  	s14 =	simm.s32 $0x18E80;
	s30 =	sld [smem:$0x7E6]  }
0x4a3: {  	[tilespmem:s14], [sflag:$0x3] =	stream.linear.gather [spmem:s12], $0x80, $0x38;
	[tilespmem:$0x1F900] =	vst v63  }
0x4a4: {  	s31 =	simm.s32 $0x18F80;
	s4 =	sld [smem:$0x7E7]  }
0x4a5: {  	[tilespmem:s31], [sflag:$0x3] =	stream.linear.gather [spmem:s30], $0x80, $0x38;
	[tilespmem:$0x1F900] =	vst v63  }
0x4a6: {  	s10 =	simm.s32 $0x19080;
	s12 =	sld [smem:$0x7E8]  }
0x4a7: {  	[tilespmem:s10], [sflag:$0x3] =	stream.linear.gather [spmem:s4], $0x80, $0x38;
	[tilespmem:$0x1F900] =	vst v63  }
0x4a8: {  	s14 =	simm.s32 $0x19180;
	s30 =	sld [smem:$0x7E9]  }
0x4a9: {  	[tilespmem:s14], [sflag:$0x3] =	stream.linear.gather [spmem:s12], $0x80, $0x38;
	[tilespmem:$0x1F900] =	vst v63  }
0x4aa: {  	s31 =	simm.s32 $0x19280;
	s4 =	sld [smem:$0x7EA]  }
0x4ab: {  	[tilespmem:s31], [sflag:$0x3] =	stream.linear.gather [spmem:s30], $0x80, $0x38;
	[tilespmem:$0x1F900] =	vst v63  }
0x4ac: {  	s10 =	simm.s32 $0x19380;
	s12 =	sld [smem:$0x7EB]  }
0x4ad: {  	[tilespmem:s10], [sflag:$0x3] =	stream.linear.gather [spmem:s4], $0x80, $0x38;
	[tilespmem:$0x1F900] =	vst v63  }
0x4ae: {  	s14 =	simm.s32 $0x19480;
	s30 =	sld [smem:$0x7EC]  }
0x4af: {  	[tilespmem:s14], [sflag:$0x3] =	stream.linear.gather [spmem:s12], $0x80, $0x38;
	[tilespmem:$0x1F900] =	vst v63  }
0x4b0: {  	s31 =	simm.s32 $0x19580;
	s4 =	sld [smem:$0x7ED]  }
0x4b1: {  	[tilespmem:s31], [sflag:$0x3] =	stream.linear.gather [spmem:s30], $0x80, $0x38;
	[tilespmem:$0x1F900] =	vst v63  }
0x4b2: {  	s10 =	simm.s32 $0x19680;
	s12 =	sld [smem:$0x7EE]  }
0x4b3: {  	[tilespmem:s10], [sflag:$0x3] =	stream.linear.gather [spmem:s4], $0x80, $0x38;
	[tilespmem:$0x1F900] =	vst v63  }
0x4b4: {  	s14 =	simm.s32 $0x19780;
	s30 =	sld [smem:$0x7EF]  }
0x4b5: {  	[tilespmem:s14], [sflag:$0x3] =	stream.linear.gather [spmem:s12], $0x80, $0x38;
	[tilespmem:$0x1F900] =	vst v63  }
0x4b6: {  	s31 =	simm.s32 $0x19880;
	s10 =	sld [smem:$0x7F0]  }
0x4b7: {  	[tilespmem:s31], [sflag:$0x3] =	stream.linear.gather [spmem:s30], $0x80, $0x38;
	[tilespmem:$0x1F900] =	vst v63  }
0x4b8: {  	s12 =	simm.s32 $0x19980;
	s14 =	sld [smem:$0x7F1]  }
0x4b9: {  	[tilespmem:s12], [sflag:$0x3] =	stream.linear.gather [spmem:s10], $0x80, $0x38;
	[tilespmem:$0x1F900] =	vst v63  }
0x4ba: {  	s30 =	simm.s32 $0x19A80;
	s31 =	sld [smem:$0x7F2]  }
0x4bb: {  	[tilespmem:s30], [sflag:$0x3] =	stream.linear.gather [spmem:s14], $0x80, $0x38;
	[tilespmem:$0x1F900] =	vst v63  }
0x4bc: {  	s4 =	sld [smem:$0x7F3]  }
0x4bd: {  	[tilespmem:s16], [sflag:$0x3] =	stream.linear.gather [spmem:s31], $0x80, $0x38;
	[tilespmem:$0x1F900] =	vst v63  }
0x4be: {  	s10 =	sld [smem:$0x7F4]  }
0x4bf: {  	[tilespmem:s17], [sflag:$0x3] =	stream.linear.gather [spmem:s4], $0x80, $0x38;
	[tilespmem:$0x1F900] =	vst v63  }
0x4c0: {  	s12 =	sld [smem:$0x7F5]  }
0x4c1: {  	[tilespmem:s19], [sflag:$0x3] =	stream.linear.gather [spmem:s10], $0x80, $0x38;
	[tilespmem:$0x1F900] =	vst v63  }
0x4c2: {  	s14 =	sld [smem:$0x7F6]  }
0x4c3: {  	[tilespmem:s15], [sflag:$0x3] =	stream.linear.gather [spmem:s12], $0x80, $0x38;
	[tilespmem:$0x1F900] =	vst v63  }
0x4c4: {  	s30 =	sld [smem:$0x7F7]  }
0x4c5: {  	[tilespmem:s6], [sflag:$0x3] =	stream.linear.gather [spmem:s14], $0x80, $0x38;
	[tilespmem:$0x1F900] =	vst v63  }
0x4c6: {  	s31 =	sld [smem:$0x7F8]  }
0x4c7: {  	[tilespmem:s18], [sflag:$0x3] =	stream.linear.gather [spmem:s30], $0x80, $0x38;
	[tilespmem:$0x1F900] =	vst v63  }
0x4c8: {  	s4 =	sld [smem:$0x7F9]  }
0x4c9: {  	[tilespmem:s20], [sflag:$0x3] =	stream.linear.gather [spmem:s31], $0x80, $0x38;
	[tilespmem:$0x1F900] =	vst v63  }
0x4ca: {  	s10 =	sld [smem:$0x7FA]  }
0x4cb: {  	[tilespmem:s21], [sflag:$0x3] =	stream.linear.gather [spmem:s4], $0x80, $0x38;
	[tilespmem:$0x1F900] =	vst v63  }
0x4cc: {  	s12 =	sld [smem:$0x7FB]  }
0x4cd: {  	[tilespmem:s22], [sflag:$0x3] =	stream.linear.gather [spmem:s10], $0x80, $0x38;
	[tilespmem:$0x1F900] =	vst v63  }
0x4ce: {  	s14 =	sld [smem:$0x7FC]  }
0x4cf: {  	[tilespmem:s8], [sflag:$0x3] =	stream.linear.gather [spmem:s12], $0x80, $0x38;
	[tilespmem:$0x1F900] =	vst v63  }
0x4d0: {  	s30 =	sld [smem:$0x7FD]  }
0x4d1: {  	[tilespmem:s23], [sflag:$0x3] =	stream.linear.gather [spmem:s14], $0x80, $0x38;
	[tilespmem:$0x1F900] =	vst v63  }
0x4d2: {  	s31 =	simm.s32 $0x1  }
0x4d3: {  	[tilespmem:s24], [sflag:$0x3] =	stream.linear.gather [spmem:s30], $0x80, $0x38;
	[tilespmem:$0x1F900] =	vst v63  }
0x4d4: {  	_ =	swait.ge [sflag:s31], $0x18700  }
0x4d5: {  	[sflag:s31] =	ssyncset.done $0x0  }
0x4d6: {  	[sflag:s31] =	ssyncadd.s32 $0xFFFE7900  }
.LBB2_27:
0x4d7: {  	_ =	swait.ge [sflag:s25], $0x1000  }
0x4d8: {  	p1 =	seq.s32 s29, $0x0;
	[sflag:s25] =	ssyncset.done $0x0  }
0x4d9: {  	s0 =	simm.s32 @!p1 $0x4;
	[sflag:s25] =	ssyncadd.s32 $0xFFFFF000  }
0x4da: {  	_ =	swait.ge @!p1 [sflag:s0], $0x1000  }
0x4db: {  	[sflag:s0] =	ssyncset.done @!p1 $0x0  }
0x4dc: {  	s31 =	simm.s32 $0x18900;
	[sflag:s0] =	ssyncadd.s32 @!p1 $0xFFFFF000  }
0x4dd: {  	v0 =	vld [tilespmem:s31+$0x170]  }
0x4de: {  	v1 =	vld [tilespmem:s31+$0xFFFFFE10]  }
0x4df: {  	v2 =	vld [tilespmem:s31+$0xFFFFFE20]  }
0x4e0: {  	v3 =	vld [tilespmem:s31+$0xFFFFFE30]  }
0x4e1: {  	v4 =	vld [tilespmem:s31+$0xFFFFFE40]  }
0x4e2: {  	v5 =	vld [tilespmem:s31+$0xFFFFFE50]  }
0x4e3: {  	v6 =	vld [tilespmem:s31+$0xFFFFFE60]  }
0x4e4: {  	v7 =	vld [tilespmem:s31+$0xFFFFFE70]  }
0x4e5: {  	v8 =	vld [tilespmem:s31+$0xFFFFFF00]  }
0x4e6: {  	v9 =	vld [tilespmem:s31+$0xFFFFFF10]  }
0x4e7: {  	v10 =	vld [tilespmem:s31+$0xFFFFFF20]  }
0x4e8: {  	v11 =	vld [tilespmem:s31+$0xFFFFFF30]  }
0x4e9: {  	v12 =	vld [tilespmem:s31+$0xFFFFFF40]  }
0x4ea: {  	v13 =	vld [tilespmem:s31+$0xFFFFFF50]  }
0x4eb: {  	v14 =	vld [tilespmem:s31+$0xFFFFFF60]  }
0x4ec: {  	v15 =	vld [tilespmem:s31+$0xFFFFFF70]  }
0x4ed: {  	v16 =	vld [tilespmem:s31+$0x0]  }
0x4ee: {  	v17 =	vld [tilespmem:s31+$0x10]  }
0x4ef: {  	v18 =	vld [tilespmem:s31+$0x20]  }
0x4f0: {  	v19 =	vld [tilespmem:s31+$0x30]  }
0x4f1: {  	v20 =	vld [tilespmem:s31+$0x40]  }
0x4f2: {  	v21 =	vld [tilespmem:s31+$0x50]  }
0x4f3: {  	v22 =	vld [tilespmem:s31+$0x60]  }
0x4f4: {  	v23 =	vld [tilespmem:s31+$0x70]  }
0x4f5: {  	v24 =	vld [tilespmem:s31+$0x100]  }
0x4f6: {  	v25 =	vld [tilespmem:s31+$0x110]  }
0x4f7: {  	v26 =	vld [tilespmem:s31+$0x120]  }
0x4f8: {  	v27 =	vld [tilespmem:s31+$0x130]  }
0x4f9: {  	v28 =	vld [tilespmem:s31+$0x140]  }
0x4fa: {  	v29 =	vld [tilespmem:s31+$0x150]  }
0x4fb: {  	v30 =	vld [tilespmem:s31+$0x160]  }
0x4fc: {  	v31 =	vld [tilespmem:s31+$0xFFFFFE00]  }
0x4fd: {  	v0 =	vld.idx.msk [tilespmem:v0+s3+$0x0], $0xffff  }
0x4fe: {  	v1 =	vld.idx.msk [tilespmem:v1+s3+$0x0], $0xffff  }
0x4ff: {  	v2 =	vld.idx.msk [tilespmem:v2+s3+$0x0], $0xffff  }
0x500: {  	v3 =	vld.idx.msk [tilespmem:v3+s3+$0x0], $0xffff  }
0x501: {  	v4 =	vld.idx.msk [tilespmem:v4+s3+$0x0], $0xffff  }
0x502: {  	s0 =	simm.s32 $0x1A900;
	v5 =	vld.idx.msk [tilespmem:v5+s3+$0x0], $0xffff  }
0x503: {  	v63 =	vld.idx.msk [tilespmem:v24+s3+$0x0], $0xffff;
	[tilespmem:s0+$0x170] =	vst v0  }
0x504: {  	v0 =	vld.idx.msk [tilespmem:v6+s3+$0x0], $0xffff;
	[tilespmem:s0+$0xFFFFFE10] =	vst v1  }
0x505: {  	v1 =	vld.idx.msk [tilespmem:v7+s3+$0x0], $0xffff;
	[tilespmem:s0+$0xFFFFFE20] =	vst v2  }
0x506: {  	v6 =	vld.idx.msk [tilespmem:v31+s3+$0x0], $0xffff;
	[tilespmem:s0+$0xFFFFFE30] =	vst v3  }
0x507: {  	v2 =	vld.idx.msk [tilespmem:v8+s3+$0x0], $0xffff;
	[tilespmem:s0+$0xFFFFFE40] =	vst v4  }
0x508: {  	v3 =	vld.idx.msk [tilespmem:v9+s3+$0x0], $0xffff;
	[tilespmem:s0+$0xFFFFFE50] =	vst v5  }
0x509: {  	v4 =	vld.idx.msk [tilespmem:v10+s3+$0x0], $0xffff;
	[tilespmem:s0+$0x100] =	vst v63  }
0x50a: {  	v5 =	vld.idx.msk [tilespmem:v13+s3+$0x0], $0xffff;
	[tilespmem:s0+$0xFFFFFE60] =	vst v0  }
0x50b: {  	v7 =	vld.idx.msk [tilespmem:v23+s3+$0x0], $0xffff;
	[tilespmem:s0+$0xFFFFFE70] =	vst v1  }
0x50c: {  	v0 =	vld.idx.msk [tilespmem:v11+s3+$0x0], $0xffff;
	[tilespmem:s0+$0xFFFFFE00] =	vst v6  }
0x50d: {  	v1 =	vld.idx.msk [tilespmem:v12+s3+$0x0], $0xffff;
	[tilespmem:s0+$0xFFFFFF00] =	vst v2  }
0x50e: {  	v2 =	vld.idx.msk [tilespmem:v14+s3+$0x0], $0xffff;
	[tilespmem:s0+$0xFFFFFF10] =	vst v3  }
0x50f: {  	v3 =	vld.idx.msk [tilespmem:v15+s3+$0x0], $0xffff;
	[tilespmem:s0+$0xFFFFFF20] =	vst v4  }
0x510: {  	v4 =	vld.idx.msk [tilespmem:v16+s3+$0x0], $0xffff;
	[tilespmem:s0+$0xFFFFFF50] =	vst v5  }
0x511: {  	v5 =	vld.idx.msk [tilespmem:v19+s3+$0x0], $0xffff;
	[tilespmem:s0+$0x70] =	vst v7  }
0x512: {  	v6 =	vld.idx.msk [tilespmem:v22+s3+$0x0], $0xffff;
	[tilespmem:s0+$0xFFFFFF30] =	vst v0  }
0x513: {  	v0 =	vld.idx.msk [tilespmem:v17+s3+$0x0], $0xffff;
	[tilespmem:s0+$0xFFFFFF40] =	vst v1  }
0x514: {  	v1 =	vld.idx.msk [tilespmem:v18+s3+$0x0], $0xffff;
	[tilespmem:s0+$0xFFFFFF60] =	vst v2  }
0x515: {  	v2 =	vld.idx.msk [tilespmem:v20+s3+$0x0], $0xffff;
	[tilespmem:s0+$0xFFFFFF70] =	vst v3  }
0x516: {  	v3 =	vld.idx.msk [tilespmem:v21+s3+$0x0], $0xffff;
	[tilespmem:s0+$0x0] =	vst v4  }
0x517: {  	[tilespmem:s0+$0x30] =	vst v5;
	v4 =	vld.idx.msk [tilespmem:v25+s3+$0x0], $0xffff  }
0x518: {  	[tilespmem:s0+$0x60] =	vst v6;
	v5 =	vld.idx.msk [tilespmem:v30+s3+$0x0], $0xffff  }
0x519: {  	[tilespmem:s0+$0x10] =	vst v0;
	v0 =	vld.idx.msk [tilespmem:v26+s3+$0x0], $0xffff  }
0x51a: {  	[tilespmem:s0+$0x20] =	vst v1;
	v1 =	vld.idx.msk [tilespmem:v27+s3+$0x0], $0xffff  }
0x51b: {  	[tilespmem:s0+$0x40] =	vst v2;
	v2 =	vld.idx.msk [tilespmem:v28+s3+$0x0], $0xffff  }
0x51c: {  	s30 =	sshll.u32 s29, $0xF;
	s4 =	simm.s32 $0x0;
	s14 =	simm.s32 $0x18D00;
	[tilespmem:s0+$0x50] =	vst v3;
	v3 =	vld.idx.msk [tilespmem:v29+s3+$0x0], $0xffff  }
.LBB2_28:
0x51d: {  	v6 =	vld [tilespmem:s14+$0x170];
	s4 =	sadd.s32 $0x20, s4;
	[tilespmem:s0+$0x110] =	vst v4  }
0x51e: {  	v4 =	vld [tilespmem:s14+$0xFFFFFE10];
	p2 =	slt.u32 s4, $0xE0;
	[tilespmem:s0+$0x120] =	vst v0  }
0x51f: {  	v0 =	vld [tilespmem:s14+$0xFFFFFE20];
	[tilespmem:s0+$0x130] =	vst v1  }
0x520: {  	v1 =	vld [tilespmem:s14+$0xFFFFFE30];
	[tilespmem:s0+$0x140] =	vst v2  }
0x521: {  	v2 =	vld [tilespmem:s14+$0xFFFFFE40];
	[tilespmem:s0+$0x150] =	vst v3  }
0x522: {  	v3 =	vld [tilespmem:s14+$0xFFFFFE50];
	[tilespmem:s0+$0x160] =	vst v5  }
0x523: {  	v5 =	vld [tilespmem:s14+$0xFFFFFE60]  }
0x524: {  	v7 =	vld [tilespmem:s14+$0xFFFFFE70]  }
0x525: {  	v6 =	vld.idx.msk [tilespmem:v6+s3+$0x0], $0xffff  }
0x526: {  	v8 =	vld [tilespmem:s14+$0xFFFFFF00]  }
0x527: {  	v9 =	vld [tilespmem:s14+$0xFFFFFF10]  }
0x528: {  	v10 =	vld [tilespmem:s14+$0xFFFFFF20]  }
0x529: {  	v11 =	vld [tilespmem:s14+$0xFFFFFF30]  }
0x52a: {  	s0 =	sadd.s32 $0x400, s0;
	v12 =	vld [tilespmem:s14+$0xFFFFFF40]  }
0x52b: {  	v13 =	vld [tilespmem:s14+$0xFFFFFF50];
	[tilespmem:s0+$0x170] =	vst v6  }
0x52c: {  	v6 =	vld [tilespmem:s14+$0xFFFFFF60]  }
0x52d: {  	v14 =	vld [tilespmem:s14+$0xFFFFFF70]  }
0x52e: {  	v15 =	vld [tilespmem:s14+$0x0]  }
0x52f: {  	v16 =	vld [tilespmem:s14+$0x10]  }
0x530: {  	v17 =	vld [tilespmem:s14+$0x20]  }
0x531: {  	v18 =	vld [tilespmem:s14+$0x30]  }
0x532: {  	v19 =	vld [tilespmem:s14+$0x40]  }
0x533: {  	v20 =	vld [tilespmem:s14+$0x50]  }
0x534: {  	v21 =	vld [tilespmem:s14+$0x60]  }
0x535: {  	v22 =	vld [tilespmem:s14+$0x70]  }
0x536: {  	v23 =	vld [tilespmem:s14+$0x100]  }
0x537: {  	v24 =	vld [tilespmem:s14+$0x110]  }
0x538: {  	v25 =	vld [tilespmem:s14+$0x120]  }
0x539: {  	v26 =	vld [tilespmem:s14+$0x130]  }
0x53a: {  	v27 =	vld [tilespmem:s14+$0x140]  }
0x53b: {  	v28 =	vld [tilespmem:s14+$0x150]  }
0x53c: {  	v29 =	vld [tilespmem:s14+$0x160]  }
0x53d: {  	v30 =	vld [tilespmem:s14+$0xFFFFFE00]  }
0x53e: {  	v4 =	vld.idx.msk [tilespmem:v4+s3+$0x0], $0xffff  }
0x53f: {  	v0 =	vld.idx.msk [tilespmem:v0+s3+$0x0], $0xffff  }
0x540: {  	v1 =	vld.idx.msk [tilespmem:v1+s3+$0x0], $0xffff  }
0x541: {  	v2 =	vld.idx.msk [tilespmem:v2+s3+$0x0], $0xffff  }
0x542: {  	v3 =	vld.idx.msk [tilespmem:v3+s3+$0x0], $0xffff  }
0x543: {  	v5 =	vld.idx.msk [tilespmem:v5+s3+$0x0], $0xffff  }
0x544: {  	[tilespmem:s0+$0xFFFFFE10] =	vst v4;
	v4 =	vld.idx.msk [tilespmem:v7+s3+$0x0], $0xffff  }
0x545: {  	v7 =	vld.idx.msk [tilespmem:v30+s3+$0x0], $0xffff;
	[tilespmem:s0+$0xFFFFFE20] =	vst v0  }
0x546: {  	[tilespmem:s0+$0xFFFFFE30] =	vst v1;
	v0 =	vld.idx.msk [tilespmem:v8+s3+$0x0], $0xffff  }
0x547: {  	[tilespmem:s0+$0xFFFFFE40] =	vst v2;
	v1 =	vld.idx.msk [tilespmem:v9+s3+$0x0], $0xffff  }
0x548: {  	[tilespmem:s0+$0xFFFFFE50] =	vst v3;
	v2 =	vld.idx.msk [tilespmem:v10+s3+$0x0], $0xffff  }
0x549: {  	[tilespmem:s0+$0xFFFFFE60] =	vst v5;
	v3 =	vld.idx.msk [tilespmem:v11+s3+$0x0], $0xffff  }
0x54a: {  	[tilespmem:s0+$0xFFFFFE70] =	vst v4;
	v4 =	vld.idx.msk [tilespmem:v12+s3+$0x0], $0xffff  }
0x54b: {  	[tilespmem:s0+$0xFFFFFE00] =	vst v7;
	v5 =	vld.idx.msk [tilespmem:v13+s3+$0x0], $0xffff  }
0x54c: {  	[tilespmem:s0+$0xFFFFFF00] =	vst v0;
	v0 =	vld.idx.msk [tilespmem:v6+s3+$0x0], $0xffff  }
0x54d: {  	[tilespmem:s0+$0xFFFFFF10] =	vst v1;
	v1 =	vld.idx.msk [tilespmem:v14+s3+$0x0], $0xffff  }
0x54e: {  	[tilespmem:s0+$0xFFFFFF20] =	vst v2;
	v2 =	vld.idx.msk [tilespmem:v15+s3+$0x0], $0xffff  }
0x54f: {  	[tilespmem:s0+$0xFFFFFF30] =	vst v3;
	v3 =	vld.idx.msk [tilespmem:v16+s3+$0x0], $0xffff  }
0x550: {  	[tilespmem:s0+$0xFFFFFF40] =	vst v4;
	v4 =	vld.idx.msk [tilespmem:v17+s3+$0x0], $0xffff  }
0x551: {  	[tilespmem:s0+$0xFFFFFF50] =	vst v5;
	v5 =	vld.idx.msk [tilespmem:v18+s3+$0x0], $0xffff  }
0x552: {  	[tilespmem:s0+$0xFFFFFF60] =	vst v0;
	v0 =	vld.idx.msk [tilespmem:v19+s3+$0x0], $0xffff  }
0x553: {  	[tilespmem:s0+$0xFFFFFF70] =	vst v1;
	v1 =	vld.idx.msk [tilespmem:v20+s3+$0x0], $0xffff  }
0x554: {  	[tilespmem:s0+$0x0] =	vst v2;
	v2 =	vld.idx.msk [tilespmem:v21+s3+$0x0], $0xffff  }
0x555: {  	[tilespmem:s0+$0x10] =	vst v3;
	v3 =	vld.idx.msk [tilespmem:v22+s3+$0x0], $0xffff  }
0x556: {  	[tilespmem:s0+$0x20] =	vst v4;
	v6 =	vld.idx.msk [tilespmem:v23+s3+$0x0], $0xffff  }
0x557: {  	[tilespmem:s0+$0x30] =	vst v5;
	v4 =	vld.idx.msk [tilespmem:v24+s3+$0x0], $0xffff  }
.Ltmp16:
0x558: {  	[tilespmem:s0+$0x40] =	vst v0;
	v0 =	vld.idx.msk [tilespmem:v25+s3+$0x0], $0xffff;
	(pc) =	sbr.rel @p2 .LBB2_28-.Ltmp16, $4  }
0x559: {  	[tilespmem:s0+$0x50] =	vst v1;
	v1 =	vld.idx.msk [tilespmem:v26+s3+$0x0], $0xffff  }
0x55a: {  	[tilespmem:s0+$0x60] =	vst v2;
	v2 =	vld.idx.msk [tilespmem:v27+s3+$0x0], $0xffff  }
0x55b: {  	[tilespmem:s0+$0x70] =	vst v3;
	v3 =	vld.idx.msk [tilespmem:v28+s3+$0x0], $0xffff  }
0x55c: {  	s14 =	sadd.s32 $0x400, s14;
	[tilespmem:s0+$0x100] =	vst v6;
	v5 =	vld.idx.msk [tilespmem:v29+s3+$0x0], $0xffff  }
0x55d: {  	[tilespmem:s0+$0x110] =	vst v4  }
0x55e: {  	[tilespmem:s0+$0x120] =	vst v0  }
0x55f: {  	s4 =	sshll.u32 s29, $0x13;
	s10 =	rddreg [dreg:$0xe]  }
0x560: {  	s4 =	sor.u32 s4, s10  }
0x561: {  	[tilespmem:s0+$0x130] =	vst v1;
	s4 =	sor.u32 s5, s4  }
0x562: {  	[tilespmem:s0+$0x140] =	vst v2;
	s31 =	sshrl.u32 s4, $0x3  }
0x563: {  	s14 =	simm.s32 $0x1A700;
	[tilespmem:s0+$0x150] =	vst v3;
	s4 =	sadd.s32 s1, s31  }
0x564: {  	s10 =	simm.s32 $0x1A800;
	[tilespmem:s0+$0x160] =	vst v5;
	s0 =	simm.s32 $0x80;
	s12 =	sadd.s32 $0x0, s4  }
.LBB2_30:
0x565: {  	[hbm4b:s12+s3] =	stream.linear.scatter [tilespmem:s14], [sflag:$0x4], $0x80, $0x38;
	[tilespmem:$0x1F900] =	vst v63  }
0x566: {  	s12 =	smov.u32 s0;
	s14 =	smov.u32 s10;
	p2 =	sne.s32 s0, $0xF80  }
.Ltmp17:
0x567: {  	s0 =	sadd.s32 $0x80, s0;
	(pc) =	sbr.rel @p2 .LBB2_30-.Ltmp17, $2  }
0x568: {  	_ =	sdelay $0x2  }
0x569: {  	s10 =	sadd.s32 $0x100, s10;
	s12 =	sadd.s32 s12, s4  }
0x56a: {  	p2 =	sne.s32 s29, $0x18  }
.Ltmp18:
0x56b: {  	_ = 	snop;
	(pc) =	sbr.rel @p2 .LBB2_33-.Ltmp18, $2  }
0x56c: {  	_ =	sdelay $0x2  }
0x56d: {  	[hbm4b:s12+s3] =	stream.linear.scatter [tilespmem:s14], [sflag:$0x4], $0x80, $0x38;
	[tilespmem:$0x1F900] =	vst v63  }
.Ltmp19:
0x56e: {  	(pc) =	sbr.rel .LBB2_34-.Ltmp19, $4  }
0x56f: {  	_ = 	snop  }
0x570: {  	_ =	swait.ge [sflag:s26], $0x1000  }
0x571: {  	[sflag:s26] =	ssyncset.done $0x0  }
0x572: {  	[sflag:s26] =	ssyncadd.s32 $0xFFFFF000  }
.LBB2_33:
0x573: {  	s0 =	sshrl.u32 s30, $0x2  }
0x574: {  	s0 =	sadd.s32 s0, s2  }
0x575: {  	s10 =	simm.s32 $0x18700;
	s4 =	sadd.s32 $0x2000, s0  }
0x576: {  	[tilespmem:s10], [sflag:$0x2] =	stream.linear.gather [spmem:s4], $0x80, $0x38;
	[tilespmem:$0x1F900] =	vst v63  }
0x577: {  	s14 =	simm.s32 $0x18800;
	s12 =	sadd.s32 $0x2080, s0  }
0x578: {  	[tilespmem:s14], [sflag:$0x2] =	stream.linear.gather [spmem:s12], $0x80, $0x38;
	[tilespmem:$0x1F900] =	vst v63  }
0x579: {  	s12 =	sadd.s32 $0x2100, s0;
	s14 =	simm.s32 $0x18900  }
0x57a: {  	[tilespmem:s14], [sflag:$0x2] =	stream.linear.gather [spmem:s12], $0x80, $0x38;
	[tilespmem:$0x1F900] =	vst v63  }
0x57b: {  	s12 =	sadd.s32 $0x2180, s0;
	s14 =	simm.s32 $0x18A00  }
0x57c: {  	[tilespmem:s14], [sflag:$0x2] =	stream.linear.gather [spmem:s12], $0x80, $0x38;
	[tilespmem:$0x1F900] =	vst v63  }
0x57d: {  	s12 =	sadd.s32 $0x2200, s0;
	s14 =	simm.s32 $0x18B00  }
0x57e: {  	[tilespmem:s14], [sflag:$0x2] =	stream.linear.gather [spmem:s12], $0x80, $0x38;
	[tilespmem:$0x1F900] =	vst v63  }
0x57f: {  	s12 =	sadd.s32 $0x2280, s0;
	s14 =	simm.s32 $0x18C00  }
0x580: {  	[tilespmem:s14], [sflag:$0x2] =	stream.linear.gather [spmem:s12], $0x80, $0x38;
	[tilespmem:$0x1F900] =	vst v63  }
0x581: {  	s12 =	sadd.s32 $0x2300, s0;
	s14 =	simm.s32 $0x18D00  }
0x582: {  	[tilespmem:s14], [sflag:$0x2] =	stream.linear.gather [spmem:s12], $0x80, $0x38;
	[tilespmem:$0x1F900] =	vst v63  }
0x583: {  	s12 =	sadd.s32 $0x2380, s0;
	s14 =	simm.s32 $0x18E00  }
0x584: {  	[tilespmem:s14], [sflag:$0x2] =	stream.linear.gather [spmem:s12], $0x80, $0x38;
	[tilespmem:$0x1F900] =	vst v63  }
0x585: {  	s12 =	sadd.s32 $0x2400, s0;
	s14 =	simm.s32 $0x18F00  }
0x586: {  	[tilespmem:s14], [sflag:$0x2] =	stream.linear.gather [spmem:s12], $0x80, $0x38;
	[tilespmem:$0x1F900] =	vst v63  }
0x587: {  	s12 =	sadd.s32 $0x2480, s0;
	s14 =	simm.s32 $0x19000  }
0x588: {  	[tilespmem:s14], [sflag:$0x2] =	stream.linear.gather [spmem:s12], $0x80, $0x38;
	[tilespmem:$0x1F900] =	vst v63  }
0x589: {  	s12 =	sadd.s32 $0x2500, s0;
	s14 =	simm.s32 $0x19100  }
0x58a: {  	[tilespmem:s14], [sflag:$0x2] =	stream.linear.gather [spmem:s12], $0x80, $0x38;
	[tilespmem:$0x1F900] =	vst v63  }
0x58b: {  	s12 =	sadd.s32 $0x2580, s0;
	s14 =	simm.s32 $0x19200  }
0x58c: {  	[tilespmem:s14], [sflag:$0x2] =	stream.linear.gather [spmem:s12], $0x80, $0x38;
	[tilespmem:$0x1F900] =	vst v63  }
0x58d: {  	s12 =	sadd.s32 $0x2600, s0;
	s14 =	simm.s32 $0x19300  }
0x58e: {  	[tilespmem:s14], [sflag:$0x2] =	stream.linear.gather [spmem:s12], $0x80, $0x38;
	[tilespmem:$0x1F900] =	vst v63  }
0x58f: {  	s12 =	sadd.s32 $0x2680, s0;
	s14 =	simm.s32 $0x19400  }
0x590: {  	[tilespmem:s14], [sflag:$0x2] =	stream.linear.gather [spmem:s12], $0x80, $0x38;
	[tilespmem:$0x1F900] =	vst v63  }
0x591: {  	s12 =	sadd.s32 $0x2700, s0;
	s14 =	simm.s32 $0x19500  }
0x592: {  	[tilespmem:s14], [sflag:$0x2] =	stream.linear.gather [spmem:s12], $0x80, $0x38;
	[tilespmem:$0x1F900] =	vst v63  }
0x593: {  	s12 =	sadd.s32 $0x2780, s0;
	s14 =	simm.s32 $0x19600  }
0x594: {  	[tilespmem:s14], [sflag:$0x2] =	stream.linear.gather [spmem:s12], $0x80, $0x38;
	[tilespmem:$0x1F900] =	vst v63  }
0x595: {  	s12 =	sadd.s32 $0x2800, s0;
	s14 =	simm.s32 $0x19700  }
0x596: {  	[tilespmem:s14], [sflag:$0x2] =	stream.linear.gather [spmem:s12], $0x80, $0x38;
	[tilespmem:$0x1F900] =	vst v63  }
0x597: {  	s12 =	sadd.s32 $0x2880, s0;
	s14 =	simm.s32 $0x19800  }
0x598: {  	[tilespmem:s14], [sflag:$0x2] =	stream.linear.gather [spmem:s12], $0x80, $0x38;
	[tilespmem:$0x1F900] =	vst v63  }
0x599: {  	s12 =	sadd.s32 $0x2900, s0;
	s14 =	simm.s32 $0x19900  }
0x59a: {  	[tilespmem:s14], [sflag:$0x2] =	stream.linear.gather [spmem:s12], $0x80, $0x38;
	[tilespmem:$0x1F900] =	vst v63  }
0x59b: {  	s12 =	sadd.s32 $0x2980, s0;
	s14 =	simm.s32 $0x19A00  }
0x59c: {  	[tilespmem:s14], [sflag:$0x2] =	stream.linear.gather [spmem:s12], $0x80, $0x38;
	[tilespmem:$0x1F900] =	vst v63  }
0x59d: {  	s12 =	sadd.s32 $0x2A00, s0;
	s14 =	simm.s32 $0x19B00  }
0x59e: {  	[tilespmem:s14], [sflag:$0x2] =	stream.linear.gather [spmem:s12], $0x80, $0x38;
	[tilespmem:$0x1F900] =	vst v63  }
0x59f: {  	s12 =	sadd.s32 $0x2A80, s0;
	s14 =	simm.s32 $0x19C00  }
0x5a0: {  	[tilespmem:s14], [sflag:$0x2] =	stream.linear.gather [spmem:s12], $0x80, $0x38;
	[tilespmem:$0x1F900] =	vst v63  }
0x5a1: {  	s12 =	sadd.s32 $0x2B00, s0;
	s14 =	simm.s32 $0x19D00  }
0x5a2: {  	[tilespmem:s14], [sflag:$0x2] =	stream.linear.gather [spmem:s12], $0x80, $0x38;
	[tilespmem:$0x1F900] =	vst v63  }
0x5a3: {  	s12 =	sadd.s32 $0x2B80, s0;
	s14 =	simm.s32 $0x19E00  }
0x5a4: {  	[tilespmem:s14], [sflag:$0x2] =	stream.linear.gather [spmem:s12], $0x80, $0x38;
	[tilespmem:$0x1F900] =	vst v63  }
0x5a5: {  	s12 =	sadd.s32 $0x2C00, s0;
	s14 =	simm.s32 $0x19F00  }
0x5a6: {  	[tilespmem:s14], [sflag:$0x2] =	stream.linear.gather [spmem:s12], $0x80, $0x38;
	[tilespmem:$0x1F900] =	vst v63  }
0x5a7: {  	s12 =	sadd.s32 $0x2C80, s0;
	s14 =	simm.s32 $0x1A000  }
0x5a8: {  	[tilespmem:s14], [sflag:$0x2] =	stream.linear.gather [spmem:s12], $0x80, $0x38;
	[tilespmem:$0x1F900] =	vst v63  }
0x5a9: {  	s12 =	sadd.s32 $0x2D00, s0;
	s14 =	simm.s32 $0x1A100  }
0x5aa: {  	[tilespmem:s14], [sflag:$0x2] =	stream.linear.gather [spmem:s12], $0x80, $0x38;
	[tilespmem:$0x1F900] =	vst v63  }
0x5ab: {  	s12 =	sadd.s32 $0x2D80, s0;
	s14 =	simm.s32 $0x1A200  }
0x5ac: {  	[tilespmem:s14], [sflag:$0x2] =	stream.linear.gather [spmem:s12], $0x80, $0x38;
	[tilespmem:$0x1F900] =	vst v63  }
0x5ad: {  	s12 =	sadd.s32 $0x2E00, s0;
	s14 =	simm.s32 $0x1A300  }
0x5ae: {  	[tilespmem:s14], [sflag:$0x2] =	stream.linear.gather [spmem:s12], $0x80, $0x38;
	[tilespmem:$0x1F900] =	vst v63  }
0x5af: {  	s12 =	sadd.s32 $0x2E80, s0;
	s14 =	simm.s32 $0x1A400  }
0x5b0: {  	[tilespmem:s14], [sflag:$0x2] =	stream.linear.gather [spmem:s12], $0x80, $0x38;
	[tilespmem:$0x1F900] =	vst v63  }
0x5b1: {  	s10 =	sadd.s32 $0x2F00, s0;
	s12 =	simm.s32 $0x1A500  }
0x5b2: {  	[tilespmem:s12], [sflag:$0x2] =	stream.linear.gather [spmem:s10], $0x80, $0x38;
	[tilespmem:$0x1F900] =	vst v63  }
.Ltmp20:
0x5b3: {  	s0 =	sadd.s32 $0x2F80, s0;
	s14 =	simm.s32 $0x1A600;
	(pc) =	sbr.rel @p1 .LBB2_35-.Ltmp20, $4  }
0x5b4: {  	[tilespmem:s14], [sflag:$0x2] =	stream.linear.gather [spmem:s0], $0x80, $0x38;
	[tilespmem:$0x1F900] =	vst v63  }
0x5b5: {  	_ =	swait.ge [sflag:s26], $0x1000  }
0x5b6: {  	[sflag:s26] =	ssyncset.done $0x0  }
0x5b7: {  	[sflag:s26] =	ssyncadd.s32 $0xFFFFF000  }
.LBB2_34:
0x5b8: {  	_ =	swait.ge [sflag:s28], $0x1000  }
0x5b9: {  	[sflag:s28] =	ssyncset.done $0x0  }
0x5ba: {  	[sflag:s28] =	ssyncadd.s32 $0xFFFFF000  }
.LBB2_35:
0x5bb: {  	s0 =	simm.s32 $0x18980  }
0x5bc: {  	v0 =	vld [tilespmem:s0+$0x170]  }
0x5bd: {  	v1 =	vld [tilespmem:s0+$0xFFFFFE10]  }
0x5be: {  	v2 =	vld [tilespmem:s0+$0xFFFFFE20]  }
0x5bf: {  	v3 =	vld [tilespmem:s0+$0xFFFFFE30]  }
0x5c0: {  	v4 =	vld [tilespmem:s0+$0xFFFFFE40]  }
0x5c1: {  	v5 =	vld [tilespmem:s0+$0xFFFFFE50]  }
0x5c2: {  	v6 =	vld [tilespmem:s0+$0xFFFFFE60]  }
0x5c3: {  	v7 =	vld [tilespmem:s0+$0xFFFFFE70]  }
0x5c4: {  	v8 =	vld [tilespmem:s0+$0xFFFFFF00]  }
0x5c5: {  	v9 =	vld [tilespmem:s0+$0xFFFFFF10]  }
0x5c6: {  	v10 =	vld [tilespmem:s0+$0xFFFFFF20]  }
0x5c7: {  	v11 =	vld [tilespmem:s0+$0xFFFFFF30]  }
0x5c8: {  	v12 =	vld [tilespmem:s0+$0xFFFFFF40]  }
0x5c9: {  	v13 =	vld [tilespmem:s0+$0xFFFFFF50]  }
0x5ca: {  	v14 =	vld [tilespmem:s0+$0xFFFFFF60]  }
0x5cb: {  	v15 =	vld [tilespmem:s0+$0xFFFFFF70]  }
0x5cc: {  	v16 =	vld [tilespmem:s0+$0x0]  }
0x5cd: {  	v17 =	vld [tilespmem:s0+$0x10]  }
0x5ce: {  	v18 =	vld [tilespmem:s0+$0x20]  }
0x5cf: {  	v19 =	vld [tilespmem:s0+$0x30]  }
0x5d0: {  	v20 =	vld [tilespmem:s0+$0x40]  }
0x5d1: {  	v21 =	vld [tilespmem:s0+$0x50]  }
0x5d2: {  	v22 =	vld [tilespmem:s0+$0x60]  }
0x5d3: {  	v23 =	vld [tilespmem:s0+$0x70]  }
0x5d4: {  	v24 =	vld [tilespmem:s0+$0x100]  }
0x5d5: {  	v25 =	vld [tilespmem:s0+$0x110]  }
0x5d6: {  	v26 =	vld [tilespmem:s0+$0x120]  }
0x5d7: {  	v27 =	vld [tilespmem:s0+$0x130]  }
0x5d8: {  	v28 =	vld [tilespmem:s0+$0x140]  }
0x5d9: {  	v29 =	vld [tilespmem:s0+$0x150]  }
0x5da: {  	v30 =	vld [tilespmem:s0+$0x160]  }
0x5db: {  	v31 =	vld [tilespmem:s0+$0xFFFFFE00]  }
0x5dc: {  	v0 =	vld.idx.msk [tilespmem:v0+s3+$0x0], $0xffff  }
0x5dd: {  	v1 =	vld.idx.msk [tilespmem:v1+s3+$0x0], $0xffff  }
0x5de: {  	v2 =	vld.idx.msk [tilespmem:v2+s3+$0x0], $0xffff  }
0x5df: {  	v3 =	vld.idx.msk [tilespmem:v3+s3+$0x0], $0xffff  }
0x5e0: {  	v4 =	vld.idx.msk [tilespmem:v4+s3+$0x0], $0xffff  }
0x5e1: {  	s0 =	simm.s32 $0x1A980;
	v5 =	vld.idx.msk [tilespmem:v5+s3+$0x0], $0xffff  }
0x5e2: {  	[tilespmem:s0+$0x170] =	vst v0;
	v0 =	vld.idx.msk [tilespmem:v6+s3+$0x0], $0xffff  }
0x5e3: {  	[tilespmem:s0+$0xFFFFFE10] =	vst v1;
	v1 =	vld.idx.msk [tilespmem:v7+s3+$0x0], $0xffff  }
0x5e4: {  	v6 =	vld.idx.msk [tilespmem:v31+s3+$0x0], $0xffff;
	[tilespmem:s0+$0xFFFFFE20] =	vst v2  }
0x5e5: {  	[tilespmem:s0+$0xFFFFFE30] =	vst v3;
	v2 =	vld.idx.msk [tilespmem:v8+s3+$0x0], $0xffff  }
0x5e6: {  	[tilespmem:s0+$0xFFFFFE40] =	vst v4;
	v3 =	vld.idx.msk [tilespmem:v9+s3+$0x0], $0xffff  }
0x5e7: {  	[tilespmem:s0+$0xFFFFFE50] =	vst v5;
	v4 =	vld.idx.msk [tilespmem:v10+s3+$0x0], $0xffff  }
0x5e8: {  	v5 =	vld.idx.msk [tilespmem:v13+s3+$0x0], $0xffff;
	[tilespmem:s0+$0xFFFFFE60] =	vst v0  }
0x5e9: {  	v7 =	vld.idx.msk [tilespmem:v24+s3+$0x0], $0xffff;
	[tilespmem:s0+$0xFFFFFE70] =	vst v1  }
0x5ea: {  	v0 =	vld.idx.msk [tilespmem:v11+s3+$0x0], $0xffff;
	[tilespmem:s0+$0xFFFFFE00] =	vst v6  }
0x5eb: {  	v1 =	vld.idx.msk [tilespmem:v12+s3+$0x0], $0xffff;
	[tilespmem:s0+$0xFFFFFF00] =	vst v2  }
0x5ec: {  	v2 =	vld.idx.msk [tilespmem:v14+s3+$0x0], $0xffff;
	[tilespmem:s0+$0xFFFFFF10] =	vst v3  }
0x5ed: {  	v3 =	vld.idx.msk [tilespmem:v15+s3+$0x0], $0xffff;
	[tilespmem:s0+$0xFFFFFF20] =	vst v4  }
0x5ee: {  	v4 =	vld.idx.msk [tilespmem:v16+s3+$0x0], $0xffff;
	[tilespmem:s0+$0xFFFFFF50] =	vst v5  }
0x5ef: {  	v5 =	vld.idx.msk [tilespmem:v19+s3+$0x0], $0xffff;
	[tilespmem:s0+$0x100] =	vst v7  }
0x5f0: {  	v6 =	vld.idx.msk [tilespmem:v23+s3+$0x0], $0xffff;
	[tilespmem:s0+$0xFFFFFF30] =	vst v0  }
0x5f1: {  	v0 =	vld.idx.msk [tilespmem:v17+s3+$0x0], $0xffff;
	[tilespmem:s0+$0xFFFFFF40] =	vst v1  }
0x5f2: {  	v1 =	vld.idx.msk [tilespmem:v18+s3+$0x0], $0xffff;
	[tilespmem:s0+$0xFFFFFF60] =	vst v2  }
0x5f3: {  	v2 =	vld.idx.msk [tilespmem:v20+s3+$0x0], $0xffff;
	[tilespmem:s0+$0xFFFFFF70] =	vst v3  }
0x5f4: {  	v3 =	vld.idx.msk [tilespmem:v21+s3+$0x0], $0xffff;
	[tilespmem:s0+$0x0] =	vst v4  }
0x5f5: {  	v4 =	vld.idx.msk [tilespmem:v22+s3+$0x0], $0xffff;
	[tilespmem:s0+$0x30] =	vst v5  }
0x5f6: {  	[tilespmem:s0+$0x70] =	vst v6;
	v5 =	vld.idx.msk [tilespmem:v30+s3+$0x0], $0xffff  }
0x5f7: {  	[tilespmem:s0+$0x10] =	vst v0;
	v0 =	vld.idx.msk [tilespmem:v25+s3+$0x0], $0xffff  }
0x5f8: {  	[tilespmem:s0+$0x20] =	vst v1;
	v1 =	vld.idx.msk [tilespmem:v26+s3+$0x0], $0xffff  }
0x5f9: {  	[tilespmem:s0+$0x40] =	vst v2;
	v2 =	vld.idx.msk [tilespmem:v27+s3+$0x0], $0xffff  }
0x5fa: {  	[tilespmem:s0+$0x50] =	vst v3;
	v3 =	vld.idx.msk [tilespmem:v28+s3+$0x0], $0xffff  }
0x5fb: {  	s4 =	simm.s32 $0x0;
	s14 =	simm.s32 $0x18D80;
	[tilespmem:s0+$0x60] =	vst v4;
	v4 =	vld.idx.msk [tilespmem:v29+s3+$0x0], $0xffff  }
.LBB2_36:
0x5fc: {  	v6 =	vld [tilespmem:s14+$0x170];
	s4 =	sadd.s32 $0x20, s4;
	[tilespmem:s0+$0x110] =	vst v0  }
0x5fd: {  	v0 =	vld [tilespmem:s14+$0xFFFFFE10];
	p1 =	slt.u32 s4, $0xE0;
	[tilespmem:s0+$0x120] =	vst v1  }
0x5fe: {  	v1 =	vld [tilespmem:s14+$0xFFFFFE20];
	[tilespmem:s0+$0x130] =	vst v2  }
0x5ff: {  	v2 =	vld [tilespmem:s14+$0xFFFFFE30];
	[tilespmem:s0+$0x140] =	vst v3  }
0x600: {  	v3 =	vld [tilespmem:s14+$0xFFFFFE40];
	[tilespmem:s0+$0x150] =	vst v4  }
0x601: {  	v4 =	vld [tilespmem:s14+$0xFFFFFE50];
	[tilespmem:s0+$0x160] =	vst v5  }
0x602: {  	v5 =	vld [tilespmem:s14+$0xFFFFFE60]  }
0x603: {  	v7 =	vld [tilespmem:s14+$0xFFFFFE70]  }
0x604: {  	v6 =	vld.idx.msk [tilespmem:v6+s3+$0x0], $0xffff  }
0x605: {  	v8 =	vld [tilespmem:s14+$0xFFFFFF00]  }
0x606: {  	v9 =	vld [tilespmem:s14+$0xFFFFFF10]  }
0x607: {  	v10 =	vld [tilespmem:s14+$0xFFFFFF20]  }
0x608: {  	v11 =	vld [tilespmem:s14+$0xFFFFFF30]  }
0x609: {  	s0 =	sadd.s32 $0x400, s0;
	v12 =	vld [tilespmem:s14+$0xFFFFFF40]  }
0x60a: {  	v13 =	vld [tilespmem:s14+$0xFFFFFF50];
	[tilespmem:s0+$0x170] =	vst v6  }
0x60b: {  	v6 =	vld [tilespmem:s14+$0xFFFFFF60]  }
0x60c: {  	v14 =	vld [tilespmem:s14+$0xFFFFFF70]  }
0x60d: {  	v15 =	vld [tilespmem:s14+$0x0]  }
0x60e: {  	v16 =	vld [tilespmem:s14+$0x10]  }
0x60f: {  	v17 =	vld [tilespmem:s14+$0x20]  }
0x610: {  	v18 =	vld [tilespmem:s14+$0x30]  }
0x611: {  	v19 =	vld [tilespmem:s14+$0x40]  }
0x612: {  	v20 =	vld [tilespmem:s14+$0x50]  }
0x613: {  	v21 =	vld [tilespmem:s14+$0x60]  }
0x614: {  	v22 =	vld [tilespmem:s14+$0x70]  }
0x615: {  	v23 =	vld [tilespmem:s14+$0x100]  }
0x616: {  	v24 =	vld [tilespmem:s14+$0x110]  }
0x617: {  	v25 =	vld [tilespmem:s14+$0x120]  }
0x618: {  	v26 =	vld [tilespmem:s14+$0x130]  }
0x619: {  	v27 =	vld [tilespmem:s14+$0x140]  }
0x61a: {  	v28 =	vld [tilespmem:s14+$0x150]  }
0x61b: {  	v29 =	vld [tilespmem:s14+$0x160]  }
0x61c: {  	v30 =	vld [tilespmem:s14+$0xFFFFFE00]  }
0x61d: {  	v0 =	vld.idx.msk [tilespmem:v0+s3+$0x0], $0xffff  }
0x61e: {  	v1 =	vld.idx.msk [tilespmem:v1+s3+$0x0], $0xffff  }
0x61f: {  	v2 =	vld.idx.msk [tilespmem:v2+s3+$0x0], $0xffff  }
0x620: {  	v3 =	vld.idx.msk [tilespmem:v3+s3+$0x0], $0xffff  }
0x621: {  	v4 =	vld.idx.msk [tilespmem:v4+s3+$0x0], $0xffff  }
0x622: {  	v5 =	vld.idx.msk [tilespmem:v5+s3+$0x0], $0xffff  }
0x623: {  	[tilespmem:s0+$0xFFFFFE10] =	vst v0;
	v0 =	vld.idx.msk [tilespmem:v7+s3+$0x0], $0xffff  }
0x624: {  	v7 =	vld.idx.msk [tilespmem:v30+s3+$0x0], $0xffff;
	[tilespmem:s0+$0xFFFFFE20] =	vst v1  }
0x625: {  	[tilespmem:s0+$0xFFFFFE30] =	vst v2;
	v1 =	vld.idx.msk [tilespmem:v8+s3+$0x0], $0xffff  }
0x626: {  	[tilespmem:s0+$0xFFFFFE40] =	vst v3;
	v2 =	vld.idx.msk [tilespmem:v9+s3+$0x0], $0xffff  }
0x627: {  	[tilespmem:s0+$0xFFFFFE50] =	vst v4;
	v3 =	vld.idx.msk [tilespmem:v10+s3+$0x0], $0xffff  }
0x628: {  	[tilespmem:s0+$0xFFFFFE60] =	vst v5;
	v4 =	vld.idx.msk [tilespmem:v11+s3+$0x0], $0xffff  }
0x629: {  	[tilespmem:s0+$0xFFFFFE70] =	vst v0;
	v0 =	vld.idx.msk [tilespmem:v12+s3+$0x0], $0xffff  }
0x62a: {  	[tilespmem:s0+$0xFFFFFE00] =	vst v7;
	v5 =	vld.idx.msk [tilespmem:v13+s3+$0x0], $0xffff  }
0x62b: {  	[tilespmem:s0+$0xFFFFFF00] =	vst v1;
	v1 =	vld.idx.msk [tilespmem:v6+s3+$0x0], $0xffff  }
0x62c: {  	[tilespmem:s0+$0xFFFFFF10] =	vst v2;
	v2 =	vld.idx.msk [tilespmem:v14+s3+$0x0], $0xffff  }
0x62d: {  	[tilespmem:s0+$0xFFFFFF20] =	vst v3;
	v3 =	vld.idx.msk [tilespmem:v15+s3+$0x0], $0xffff  }
0x62e: {  	[tilespmem:s0+$0xFFFFFF30] =	vst v4;
	v4 =	vld.idx.msk [tilespmem:v16+s3+$0x0], $0xffff  }
0x62f: {  	[tilespmem:s0+$0xFFFFFF40] =	vst v0;
	v0 =	vld.idx.msk [tilespmem:v17+s3+$0x0], $0xffff  }
0x630: {  	[tilespmem:s0+$0xFFFFFF50] =	vst v5;
	v5 =	vld.idx.msk [tilespmem:v18+s3+$0x0], $0xffff  }
0x631: {  	[tilespmem:s0+$0xFFFFFF60] =	vst v1;
	v1 =	vld.idx.msk [tilespmem:v19+s3+$0x0], $0xffff  }
0x632: {  	[tilespmem:s0+$0xFFFFFF70] =	vst v2;
	v2 =	vld.idx.msk [tilespmem:v20+s3+$0x0], $0xffff  }
0x633: {  	[tilespmem:s0+$0x0] =	vst v3;
	v3 =	vld.idx.msk [tilespmem:v21+s3+$0x0], $0xffff  }
0x634: {  	[tilespmem:s0+$0x10] =	vst v4;
	v4 =	vld.idx.msk [tilespmem:v22+s3+$0x0], $0xffff  }
0x635: {  	[tilespmem:s0+$0x20] =	vst v0;
	v6 =	vld.idx.msk [tilespmem:v23+s3+$0x0], $0xffff  }
0x636: {  	[tilespmem:s0+$0x30] =	vst v5;
	v0 =	vld.idx.msk [tilespmem:v24+s3+$0x0], $0xffff  }
.Ltmp21:
0x637: {  	[tilespmem:s0+$0x40] =	vst v1;
	v1 =	vld.idx.msk [tilespmem:v25+s3+$0x0], $0xffff;
	(pc) =	sbr.rel @p1 .LBB2_36-.Ltmp21, $4  }
0x638: {  	[tilespmem:s0+$0x50] =	vst v2;
	v2 =	vld.idx.msk [tilespmem:v26+s3+$0x0], $0xffff  }
0x639: {  	[tilespmem:s0+$0x60] =	vst v3;
	v3 =	vld.idx.msk [tilespmem:v27+s3+$0x0], $0xffff  }
0x63a: {  	[tilespmem:s0+$0x70] =	vst v4;
	v4 =	vld.idx.msk [tilespmem:v28+s3+$0x0], $0xffff  }
0x63b: {  	s14 =	sadd.s32 $0x400, s14;
	[tilespmem:s0+$0x100] =	vst v6;
	v5 =	vld.idx.msk [tilespmem:v29+s3+$0x0], $0xffff  }
0x63c: {  	[tilespmem:s0+$0x110] =	vst v0  }
0x63d: {  	[tilespmem:s0+$0x120] =	vst v1  }
0x63e: {  	[tilespmem:s0+$0x130] =	vst v2  }
0x63f: {  	s4 =	sor.u32 $0x8000, s31;
	[tilespmem:s0+$0x140] =	vst v3  }
0x640: {  	s14 =	simm.s32 $0x1A780;
	s4 =	sadd.s32 s1, s4;
	[tilespmem:s0+$0x150] =	vst v4  }
0x641: {  	s10 =	simm.s32 $0x1A880;
	s12 =	sadd.s32 $0x0, s4;
	[tilespmem:s0+$0x160] =	vst v5;
	s0 =	simm.s32 $0x80  }
.LBB2_38:
0x642: {  	[hbm4b:s12+s3] =	stream.linear.scatter [tilespmem:s14], [sflag:$0x5], $0x80, $0x38;
	[tilespmem:$0x1F900] =	vst v63  }
0x643: {  	s12 =	smov.u32 s0;
	s14 =	smov.u32 s10;
	p1 =	sne.s32 s0, $0xF80  }
.Ltmp22:
0x644: {  	s0 =	sadd.s32 $0x80, s0;
	(pc) =	sbr.rel @p1 .LBB2_38-.Ltmp22, $2  }
0x645: {  	_ =	sdelay $0x2  }
0x646: {  	s10 =	sadd.s32 $0x100, s10;
	s12 =	sadd.s32 s12, s4  }
0x647: {  	p1 =	seq.s32 s29, $0x18  }
.Ltmp23:
0x648: {  	_ = 	snop;
	(pc) =	sbr.rel @p1 .LBB2_41-.Ltmp23, $2  }
0x649: {  	_ =	sdelay $0x2  }
0x64a: {  	[hbm4b:s12+s3] =	stream.linear.scatter [tilespmem:s14], [sflag:$0x5], $0x80, $0x38;
	[tilespmem:$0x1F900] =	vst v63  }
0x64b: {  	s0 =	sshrl.u32 s30, $0x2  }
0x64c: {  	s0 =	sadd.s32 s0, s2  }
0x64d: {  	s10 =	simm.s32 $0x18780;
	s4 =	sadd.s32 $0x3000, s0  }
0x64e: {  	[tilespmem:s10], [sflag:$0x3] =	stream.linear.gather [spmem:s4], $0x80, $0x38;
	[tilespmem:$0x1F900] =	vst v63  }
0x64f: {  	s31 =	simm.s32 $0x18880;
	s30 =	sadd.s32 $0x3080, s0  }
0x650: {  	[tilespmem:s31], [sflag:$0x3] =	stream.linear.gather [spmem:s30], $0x80, $0x38;
	[tilespmem:$0x1F900] =	vst v63  }
0x651: {  	s14 =	simm.s32 $0x18980;
	s12 =	sadd.s32 $0x3100, s0  }
0x652: {  	[tilespmem:s14], [sflag:$0x3] =	stream.linear.gather [spmem:s12], $0x80, $0x38;
	[tilespmem:$0x1F900] =	vst v63  }
0x653: {  	s30 =	sadd.s32 $0x3180, s0;
	s31 =	simm.s32 $0x18A80  }
0x654: {  	[tilespmem:s31], [sflag:$0x3] =	stream.linear.gather [spmem:s30], $0x80, $0x38;
	[tilespmem:$0x1F900] =	vst v63  }
0x655: {  	s12 =	sadd.s32 $0x3200, s0;
	s14 =	simm.s32 $0x18B80  }
0x656: {  	[tilespmem:s14], [sflag:$0x3] =	stream.linear.gather [spmem:s12], $0x80, $0x38;
	[tilespmem:$0x1F900] =	vst v63  }
0x657: {  	s30 =	sadd.s32 $0x3280, s0;
	s31 =	simm.s32 $0x18C80  }
0x658: {  	[tilespmem:s31], [sflag:$0x3] =	stream.linear.gather [spmem:s30], $0x80, $0x38;
	[tilespmem:$0x1F900] =	vst v63  }
0x659: {  	s12 =	sadd.s32 $0x3300, s0;
	s14 =	simm.s32 $0x18D80  }
0x65a: {  	[tilespmem:s14], [sflag:$0x3] =	stream.linear.gather [spmem:s12], $0x80, $0x38;
	[tilespmem:$0x1F900] =	vst v63  }
0x65b: {  	s30 =	sadd.s32 $0x3380, s0;
	s31 =	simm.s32 $0x18E80  }
0x65c: {  	[tilespmem:s31], [sflag:$0x3] =	stream.linear.gather [spmem:s30], $0x80, $0x38;
	[tilespmem:$0x1F900] =	vst v63  }
0x65d: {  	s12 =	sadd.s32 $0x3400, s0;
	s14 =	simm.s32 $0x18F80  }
0x65e: {  	[tilespmem:s14], [sflag:$0x3] =	stream.linear.gather [spmem:s12], $0x80, $0x38;
	[tilespmem:$0x1F900] =	vst v63  }
0x65f: {  	s30 =	sadd.s32 $0x3480, s0;
	s31 =	simm.s32 $0x19080  }
0x660: {  	[tilespmem:s31], [sflag:$0x3] =	stream.linear.gather [spmem:s30], $0x80, $0x38;
	[tilespmem:$0x1F900] =	vst v63  }
0x661: {  	s12 =	sadd.s32 $0x3500, s0;
	s14 =	simm.s32 $0x19180  }
0x662: {  	[tilespmem:s14], [sflag:$0x3] =	stream.linear.gather [spmem:s12], $0x80, $0x38;
	[tilespmem:$0x1F900] =	vst v63  }
0x663: {  	s30 =	sadd.s32 $0x3580, s0;
	s31 =	simm.s32 $0x19280  }
0x664: {  	[tilespmem:s31], [sflag:$0x3] =	stream.linear.gather [spmem:s30], $0x80, $0x38;
	[tilespmem:$0x1F900] =	vst v63  }
0x665: {  	s12 =	sadd.s32 $0x3600, s0;
	s14 =	simm.s32 $0x19380  }
0x666: {  	[tilespmem:s14], [sflag:$0x3] =	stream.linear.gather [spmem:s12], $0x80, $0x38;
	[tilespmem:$0x1F900] =	vst v63  }
0x667: {  	s30 =	sadd.s32 $0x3680, s0;
	s31 =	simm.s32 $0x19480  }
0x668: {  	[tilespmem:s31], [sflag:$0x3] =	stream.linear.gather [spmem:s30], $0x80, $0x38;
	[tilespmem:$0x1F900] =	vst v63  }
0x669: {  	s12 =	sadd.s32 $0x3700, s0;
	s14 =	simm.s32 $0x19580  }
0x66a: {  	[tilespmem:s14], [sflag:$0x3] =	stream.linear.gather [spmem:s12], $0x80, $0x38;
	[tilespmem:$0x1F900] =	vst v63  }
0x66b: {  	s30 =	sadd.s32 $0x3780, s0;
	s31 =	simm.s32 $0x19680  }
0x66c: {  	[tilespmem:s31], [sflag:$0x3] =	stream.linear.gather [spmem:s30], $0x80, $0x38;
	[tilespmem:$0x1F900] =	vst v63  }
0x66d: {  	s12 =	sadd.s32 $0x3800, s0;
	s14 =	simm.s32 $0x19780  }
0x66e: {  	[tilespmem:s14], [sflag:$0x3] =	stream.linear.gather [spmem:s12], $0x80, $0x38;
	[tilespmem:$0x1F900] =	vst v63  }
0x66f: {  	s30 =	sadd.s32 $0x3880, s0;
	s31 =	simm.s32 $0x19880  }
0x670: {  	[tilespmem:s31], [sflag:$0x3] =	stream.linear.gather [spmem:s30], $0x80, $0x38;
	[tilespmem:$0x1F900] =	vst v63  }
0x671: {  	s10 =	sadd.s32 $0x3900, s0;
	s12 =	simm.s32 $0x19980  }
0x672: {  	[tilespmem:s12], [sflag:$0x3] =	stream.linear.gather [spmem:s10], $0x80, $0x38;
	[tilespmem:$0x1F900] =	vst v63  }
0x673: {  	s14 =	sadd.s32 $0x3980, s0;
	s30 =	simm.s32 $0x19A80  }
0x674: {  	[tilespmem:s30], [sflag:$0x3] =	stream.linear.gather [spmem:s14], $0x80, $0x38;
	[tilespmem:$0x1F900] =	vst v63  }
0x675: {  	s31 =	sadd.s32 $0x3A00, s0  }
0x676: {  	[tilespmem:s16], [sflag:$0x3] =	stream.linear.gather [spmem:s31], $0x80, $0x38;
	[tilespmem:$0x1F900] =	vst v63  }
0x677: {  	s10 =	sadd.s32 $0x3A80, s0  }
0x678: {  	[tilespmem:s17], [sflag:$0x3] =	stream.linear.gather [spmem:s10], $0x80, $0x38;
	[tilespmem:$0x1F900] =	vst v63  }
0x679: {  	s12 =	sadd.s32 $0x3B00, s0  }
0x67a: {  	[tilespmem:s19], [sflag:$0x3] =	stream.linear.gather [spmem:s12], $0x80, $0x38;
	[tilespmem:$0x1F900] =	vst v63  }
0x67b: {  	s14 =	sadd.s32 $0x3B80, s0  }
0x67c: {  	[tilespmem:s15], [sflag:$0x3] =	stream.linear.gather [spmem:s14], $0x80, $0x38;
	[tilespmem:$0x1F900] =	vst v63  }
0x67d: {  	s30 =	sadd.s32 $0x3C00, s0  }
0x67e: {  	[tilespmem:s6], [sflag:$0x3] =	stream.linear.gather [spmem:s30], $0x80, $0x38;
	[tilespmem:$0x1F900] =	vst v63  }
0x67f: {  	s31 =	sadd.s32 $0x3C80, s0  }
0x680: {  	[tilespmem:s18], [sflag:$0x3] =	stream.linear.gather [spmem:s31], $0x80, $0x38;
	[tilespmem:$0x1F900] =	vst v63  }
0x681: {  	s10 =	sadd.s32 $0x3D00, s0  }
0x682: {  	[tilespmem:s20], [sflag:$0x3] =	stream.linear.gather [spmem:s10], $0x80, $0x38;
	[tilespmem:$0x1F900] =	vst v63  }
0x683: {  	s12 =	sadd.s32 $0x3D80, s0  }
0x684: {  	[tilespmem:s21], [sflag:$0x3] =	stream.linear.gather [spmem:s12], $0x80, $0x38;
	[tilespmem:$0x1F900] =	vst v63  }
0x685: {  	s14 =	sadd.s32 $0x3E00, s0  }
0x686: {  	[tilespmem:s22], [sflag:$0x3] =	stream.linear.gather [spmem:s14], $0x80, $0x38;
	[tilespmem:$0x1F900] =	vst v63  }
0x687: {  	s30 =	sadd.s32 $0x3E80, s0  }
0x688: {  	[tilespmem:s8], [sflag:$0x3] =	stream.linear.gather [spmem:s30], $0x80, $0x38;
	[tilespmem:$0x1F900] =	vst v63  }
.Ltmp24:
0x689: {  	_ = 	snop;
	(pc) =	sbr.rel .LBB2_27-.Ltmp24, $4  }
0x68a: {  	s31 =	sadd.s32 $0x3F00, s0  }
0x68b: {  	[tilespmem:s23], [sflag:$0x3] =	stream.linear.gather [spmem:s31], $0x80, $0x38;
	[tilespmem:$0x1F900] =	vst v63  }
0x68c: {  	s29 =	sadd.s32 $0x1, s29;
	s0 =	sadd.s32 $0x3F80, s0  }
0x68d: {  	[tilespmem:s24], [sflag:$0x3] =	stream.linear.gather [spmem:s0], $0x80, $0x38;
	[tilespmem:$0x1F900] =	vst v63  }
.LBB2_42:
0x68e: {  	_ =	sfence.sel $0x180000  }
0x68f: {  	[bflag:$0x0] =	sbarrier.arrive $0xFFFF  }
0x690: {  	_ =	strace $0x90000047  }
0x691: {  	s0 =	stileid.u32;
	[bflag:$0x2] =	sbarrier.arrive $0xFFFF  }
0x692: {  	p0 =	sne.s32 s0, $0x0;
	s0 =	rddreg [dreg:$0x4]  }
0x693: {  	s0 =	sadd.s32 @!p0 $0x100000, s0  }
0x694: {  	[sflag:s0] =	ssyncadd.tile.s32 @!p0 $0x1;
	_ =	shalt  }
.Lfunc_end2:
_tile_overlayer_lowered:
.L_overlay_start_2:
0x695: {  	(tag) =	ssettag $0x2  }
0x696: {  	s0 =	rddreg [dreg:$0x0];
	s2 =	stileid.u32  }
0x697: {  	s1 =	rddreg [dreg:$0x1];
	p0 =	sne.s32 s2, $0x0  }
0x698: {  	s3 =	rddreg [dreg:$0x2];
	[bflag:$0x3] =	sbarrier.arrive $0xFFFF;
	s2 =	simm.s32 @!p0 $0x1C06  }
0x699: {  	[timem:s3], [sflag:s2] =	dma.local @!p0 [hbm:s0], s1  }
0x69a: {  	s0 =	simm.s32 @!p0 $0x6  }
0x69b: {  	_ =	swait.ge @!p0 [sflag:s0], s1  }
0x69c: {  	s1 =	ssub.s32 @!p0 $0x0, s1;
	[sflag:s0] =	ssyncset.done @!p0 $0x0  }
0x69d: {  	[sflag:s0] =	ssyncadd.s32 @!p0 s1  }
0x69e: {  	[bflag:$0x3] =	sbarrier.arrive $0xFFFF  }
0x69f: {  	_ =	shalt  }

</sc_bundles>
